<compile_context>
chip_gen: v7x
topology: tpu7x:2x2x1
jax: 0.10.2.dev20260603
libtpu: 0.0.44.dev20260713+nightly
codegen_flags: <defaults>
</compile_context>

<pallas_src>
import functools

import jax
import jax.numpy as jnp
from jax import lax
from jax.experimental import pallas as pl
from jax.experimental.pallas import tpu as pltpu
from jax.experimental.pallas import tpu_sc as plsc

N = 10000
E = 320000
DF = 128
HF = DF // 2
GH = 128
NINP = 768
NHID = 256
NOUT = 256
B = 128

NC = 2
NS = 16
NW = NC * NS

CH = 125
NCHD = (E // NW) // CH
NCHS = (E // NS) // CH
PD = 4
RPT = 624
RTAIL = N - NS * RPT

_mesh = plsc.VectorSubcoreMesh(
    core_axis_name="c", subcore_axis_name="s", num_cores=NC, num_subcores=NS)



@functools.partial(
    pl.kernel,
    out_type=jax.ShapeDtypeStruct((NC, N, 8), jnp.float32),
    mesh=_mesh,
    scratch_types=[
        pltpu.VMEM((NCHD, CH), jnp.int32),
        pltpu.VMEM((CH, 8), jnp.float32),
        pltpu.VMEM_SHARED((N, 8), jnp.float32),
    ],
)
def _sc_deg(dst_hbm, zeros8_hbm, ones8_hbm, out_hbm, dst_v, ones_v, acc):
  c = lax.axis_index("c")
  s = lax.axis_index("s")
  w = c * NS + s
  pltpu.sync_copy(dst_hbm.at[w], dst_v)
  pltpu.sync_copy(ones8_hbm, ones_v)

  @pl.when(s == 0)
  def _():
    pltpu.sync_copy(zeros8_hbm, acc)

  plsc.subcore_barrier()

  def body(j, carry):
    pltpu.sync_copy(ones_v, acc.at[dst_v.at[j]], add=True)
    return carry

  lax.fori_loop(0, NCHD, body, 0)
  plsc.subcore_barrier()
  pltpu.sync_copy(acc.at[pl.ds(s * RPT, RPT)],
                  out_hbm.at[c, pl.ds(s * RPT, RPT)])

  @pl.when(s == 0)
  def _():
    pltpu.sync_copy(acc.at[pl.ds(NS * RPT, RTAIL)],
                    out_hbm.at[c, pl.ds(NS * RPT, RTAIL)])


@functools.partial(
    pl.kernel,
    out_type=jax.ShapeDtypeStruct((NC, N, HF), jnp.float32),
    mesh=_mesh,
    scratch_types=[
        pltpu.VMEM((NCHS, CH), jnp.int32),
        pltpu.VMEM((NCHS, CH), jnp.int32),
        [pltpu.VMEM((CH, HF), jnp.float32) for _ in range(PD)],
        [pltpu.SemaphoreType.DMA for _ in range(PD)],
        [pltpu.SemaphoreType.DMA for _ in range(PD)],
        pltpu.VMEM_SHARED((N, HF), jnp.float32),
    ],
    compiler_params=pltpu.CompilerParams(use_tc_tiling_on_sc=False),
)
def _sc_scatter(h_hbm, src_hbm, dst_hbm, zeros_hbm, out_hbm,
                src_v, dst_v, bufs, gsems, ssems, acc):
  c = lax.axis_index("c")
  s = lax.axis_index("s")
  pltpu.sync_copy(src_hbm.at[c, s], src_v)
  pltpu.sync_copy(dst_hbm.at[s], dst_v)

  @pl.when(s == 0)
  def _():
    pltpu.sync_copy(zeros_hbm, acc)

  plsc.subcore_barrier()

  def start_gather(j, k):
    pltpu.make_async_copy(h_hbm.at[src_v.at[j]], bufs[k], gsems[k]).start()

  def wait_gather(j, k):
    pltpu.make_async_copy(h_hbm.at[src_v.at[j]], bufs[k], gsems[k]).wait()

  def start_scatter(j, k):
    pltpu.async_copy(bufs[k], acc.at[dst_v.at[j]], ssems[k], add=True)

  def wait_scatter(j, k):
    pltpu.make_async_copy(bufs[k], acc.at[dst_v.at[j]], ssems[k]).wait()

  for k in range(PD):
    start_gather(k, k)

  NG = NCHS // PD

  def group(g, carry):
    j = PD * g
    for k in range(PD):
      wait_gather(j + k, k)
      start_scatter(j + k, k)
    for k in range(PD):
      wait_scatter(j + k, k)

      @pl.when(g < NG - 1)
      def _():
        start_gather(j + PD + k, k)

    return carry

  lax.fori_loop(0, NG, group, 0)

  plsc.subcore_barrier()
  pltpu.sync_copy(acc.at[pl.ds(s * RPT, RPT)],
                  out_hbm.at[c, pl.ds(s * RPT, RPT)])

  @pl.when(s == 0)
  def _():
    pltpu.sync_copy(acc.at[pl.ds(NS * RPT, RTAIL)],
                    out_hbm.at[c, pl.ds(NS * RPT, RTAIL)])



_MMB = 1000


def _mm1_body(x_ref, w_ref, degp_ref, lo_ref, hi_ref, dinv_ref):
  deg = jnp.sum(degp_ref[...], axis=1, keepdims=True) + 1.0
  dinv = lax.rsqrt(deg)
  h = jnp.dot(x_ref[...], w_ref[...], preferred_element_type=jnp.float32)
  hp = h * dinv
  lo_ref[...] = hp[:, :HF]
  hi_ref[...] = hp[:, HF:]
  dinv_ref[...] = dinv


def _mm1(x, w, degp):
  return pl.pallas_call(
      _mm1_body,
      grid=(N // _MMB,),
      in_specs=[
          pl.BlockSpec((_MMB, DF), lambda i: (i, 0)),
          pl.BlockSpec((DF, DF), lambda i: (0, 0)),
          pl.BlockSpec((_MMB, 16), lambda i: (i, 0)),
      ],
      out_specs=[
          pl.BlockSpec((_MMB, HF), lambda i: (i, 0)),
          pl.BlockSpec((_MMB, HF), lambda i: (i, 0)),
          pl.BlockSpec((_MMB, 1), lambda i: (i, 0)),
      ],
      out_shape=[
          jax.ShapeDtypeStruct((N, HF), jnp.float32),
          jax.ShapeDtypeStruct((N, HF), jnp.float32),
          jax.ShapeDtypeStruct((N, 1), jnp.float32),
      ],
  )(x, w, degp)


def _mm_mid_body(alo_ref, ahi_ref, hlo_ref, hhi_ref, dinv_ref, b_ref, w_ref,
                 lo_ref, hi_ref):
  dinv = dinv_ref[...]
  s = jnp.concatenate([alo_ref[...] + hlo_ref[...],
                       ahi_ref[...] + hhi_ref[...]], axis=1)
  xl = jnp.maximum(dinv * s + b_ref[...], 0.0)
  h = jnp.dot(xl, w_ref[...], preferred_element_type=jnp.float32)
  hp = h * dinv
  lo_ref[...] = hp[:, :HF]
  hi_ref[...] = hp[:, HF:]


def _mm_mid(alo, ahi, hlo, hhi, dinv, b, w):
  return pl.pallas_call(
      _mm_mid_body,
      grid=(N // _MMB,),
      in_specs=[
          pl.BlockSpec((_MMB, HF), lambda i: (i, 0)),
          pl.BlockSpec((_MMB, HF), lambda i: (i, 0)),
          pl.BlockSpec((_MMB, HF), lambda i: (i, 0)),
          pl.BlockSpec((_MMB, HF), lambda i: (i, 0)),
          pl.BlockSpec((_MMB, 1), lambda i: (i, 0)),
          pl.BlockSpec((1, DF), lambda i: (0, 0)),
          pl.BlockSpec((DF, DF), lambda i: (0, 0)),
      ],
      out_specs=[
          pl.BlockSpec((_MMB, HF), lambda i: (i, 0)),
          pl.BlockSpec((_MMB, HF), lambda i: (i, 0)),
      ],
      out_shape=[
          jax.ShapeDtypeStruct((N, HF), jnp.float32),
          jax.ShapeDtypeStruct((N, HF), jnp.float32),
      ],
  )(alo, ahi, hlo, hhi, dinv, b, w)


_PB = 400
_NPB = N // _PB


def _ln(h, g, b):
  mu = jnp.mean(h, axis=-1, keepdims=True)
  var = jnp.mean((h - mu) * (h - mu), axis=-1, keepdims=True)
  return (h - mu) / jnp.sqrt(var + 1e-5) * g + b


def _final_body(alo_ref, ahi_ref, hlo_ref, hhi_ref, dinv_ref, b3_ref,
                batch_ref,
                wm1_ref, bm1_ref, wm2_ref, bm2_ref, wm3_ref, bm3_ref,
                ln1g_ref, ln1b_ref, ln2g_ref, ln2b_ref,
                text_ref, wt_ref, bt_ref, temp_ref,
                otx_ref, og_ref, psum):
  i = pl.program_id(0)

  @pl.when(i == 0)
  def _():
    psum[...] = jnp.zeros_like(psum)

  @pl.when(i < _NPB)
  def _():
    s = jnp.concatenate([alo_ref[...] + hlo_ref[...],
                         ahi_ref[...] + hhi_ref[...]], axis=1)
    out3 = dinv_ref[...] * s + b3_ref[...]
    bidx = batch_ref[0, 0, :]
    onehot = (bidx[:, None] == lax.broadcasted_iota(
        jnp.int32, (_PB, B), 1)).astype(jnp.float32)
    cat = jnp.concatenate(
        [out3, jnp.ones((_PB, DF), jnp.float32)], axis=1)
    psum[...] += lax.dot_general(
        onehot, cat, (((0,), (0,)), ((), ())),
        preferred_element_type=jnp.float32)

  @pl.when(i == _NPB)
  def _():
    scale = jnp.exp(temp_ref[0, 0])
    sums = psum[:, :DF]
    cnts = psum[:, DF:DF + 1]
    g = sums / jnp.maximum(cnts, 1.0)
    g = jnp.maximum(jnp.dot(g, wm1_ref[...],
                            preferred_element_type=jnp.float32)
                    + bm1_ref[...], 0.0)
    g = jnp.maximum(jnp.dot(g, wm2_ref[...],
                            preferred_element_type=jnp.float32)
                    + bm2_ref[...], 0.0)
    g = jnp.dot(g, wm3_ref[...], preferred_element_type=jnp.float32) \
        + bm3_ref[...]
    og_ref[...] = _ln(g, ln1g_ref[...], ln1b_ref[...]) * scale
    tx = jnp.dot(text_ref[...], wt_ref[...],
                 preferred_element_type=jnp.float32) + bt_ref[...]
    otx_ref[...] = _ln(tx, ln2g_ref[...], ln2b_ref[...]) * scale


def _final(alo, ahi, hlo, hhi, dinv, b3, batch3, wm1, bm1, wm2, bm2, wm3,
           bm3, ln1g, ln1b, ln2g, ln2b, text, wt, bt, temp):
  row = lambda i: (jnp.minimum(i, _NPB - 1), 0)
  full = lambda i: (0, 0)
  return pl.pallas_call(
      _final_body,
      grid=(_NPB + 1,),
      in_specs=[
          pl.BlockSpec((_PB, HF), row),
          pl.BlockSpec((_PB, HF), row),
          pl.BlockSpec((_PB, HF), row),
          pl.BlockSpec((_PB, HF), row),
          pl.BlockSpec((_PB, 1), row),
          pl.BlockSpec((1, DF), full),
          pl.BlockSpec((1, 1, _PB), lambda i: (jnp.minimum(i, _NPB - 1), 0, 0)),
          pl.BlockSpec((DF, NHID), full),
          pl.BlockSpec((1, NHID), full),
          pl.BlockSpec((NHID, NHID), full),
          pl.BlockSpec((1, NHID), full),
          pl.BlockSpec((NHID, NOUT), full),
          pl.BlockSpec((1, NOUT), full),
          pl.BlockSpec((1, NOUT), full),
          pl.BlockSpec((1, NOUT), full),
          pl.BlockSpec((1, NOUT), full),
          pl.BlockSpec((1, NOUT), full),
          pl.BlockSpec((B, NINP), full),
          pl.BlockSpec((NINP, NOUT), full),
          pl.BlockSpec((1, NOUT), full),
          pl.BlockSpec((1, 1), full),
      ],
      out_specs=[
          pl.BlockSpec((B, NOUT), full),
          pl.BlockSpec((B, NOUT), full),
      ],
      out_shape=[
          jax.ShapeDtypeStruct((B, NOUT), jnp.float32),
          jax.ShapeDtypeStruct((B, NOUT), jnp.float32),
      ],
      scratch_shapes=[pltpu.VMEM((B, DF + DF), jnp.float32)],
  )(alo, ahi, hlo, hhi, dinv, b3, batch3, wm1, bm1, wm2, bm2, wm3, bm3,
    ln1g, ln1b, ln2g, ln2b, text, wt, bt, temp)



def kernel(text_pooled, x, edge_index, batch, Wt, bt, temp,
           ln1_g, ln1_b, ln2_g, ln2_b, W1, b1, W2, b2, W3, b3,
           Wm1, bm1, Wm2, bm2, Wm3, bm3):
  src = edge_index[0]
  dst = edge_index[1]
  dst_deg = dst.reshape(NW, NCHD, CH)
  src_sc = jnp.stack([src, src + N]).reshape(NC, NS, NCHS, CH)
  dst_sc = dst.reshape(NS, NCHS, CH)

  zeros8 = jnp.zeros((N, 8), jnp.float32)
  ones8 = jnp.ones((CH, 8), jnp.float32)
  zeros = jnp.zeros((N, HF), jnp.float32)

  degp = _sc_deg(dst_deg, zeros8, ones8)
  degp2 = degp.transpose(1, 0, 2).reshape(N, 16)

  def table(lo, hi):
    return jnp.concatenate([lo, hi], axis=0)

  h1lo, h1hi, dinv = _mm1(x, W1, degp2)
  a1 = _sc_scatter(table(h1lo, h1hi), src_sc, dst_sc, zeros)
  h2lo, h2hi = _mm_mid(a1[0], a1[1], h1lo, h1hi, dinv,
                       b1.reshape(1, DF), W2)
  a2 = _sc_scatter(table(h2lo, h2hi), src_sc, dst_sc, zeros)
  h3lo, h3hi = _mm_mid(a2[0], a2[1], h2lo, h2hi, dinv,
                       b2.reshape(1, DF), W3)
  a3 = _sc_scatter(table(h3lo, h3hi), src_sc, dst_sc, zeros)

  batch3 = batch.reshape(_NPB, 1, _PB)
  tx, g = _final(a3[0], a3[1], h3lo, h3hi, dinv, b3.reshape(1, DF), batch3,
                 Wm1, bm1.reshape(1, NHID), Wm2, bm2.reshape(1, NHID),
                 Wm3, bm3.reshape(1, NOUT),
                 ln1_g.reshape(1, NOUT), ln1_b.reshape(1, NOUT),
                 ln2_g.reshape(1, NOUT), ln2_b.reshape(1, NOUT),
                 text_pooled, Wt, bt.reshape(1, NOUT), temp.reshape(1, 1))
  return tx, g

# --- scband reference (transcript-rebuilt; emitter-appended) ---
"""Pipeline reference for scband-gcnmodel-30958124269685 (READ-ONLY COPY).

The authoritative reference and input builder live on the scoring server;
editing this copy changes nothing except your own understanding.
"""

import jax, jax.numpy as jnp
import numpy as np

N = 10000
E = 320000
DF = 128
GH = 128
NINP = 768
NHID = 256
NOUT = 256
B = 128

def _glorot(key, shape):
    s = jnp.sqrt(2.0 / (shape[0] + shape[1]))
    return jax.random.normal(key, shape, jnp.float32) * s

def setup_inputs(seed: int = 0):
    key = jax.random.key(seed)
    ks = jax.random.split(key, 16)
    inp = {}
    inp['text_pooled'] = jax.random.normal(ks[0], (B, NINP), jnp.float32)
    inp['x'] = jax.random.normal(ks[1], (N, DF), jnp.float32)
    inp['edge_index'] = jax.random.randint(ks[2], (2, E), 0, N, dtype=jnp.int32)
    inp['batch'] = jnp.sort(jax.random.randint(ks[3], (N,), 0, B, dtype=jnp.int32))
    inp['Wt'] = _glorot(ks[4], (NINP, NOUT))
    inp['bt'] = jnp.zeros((NOUT,), jnp.float32)
    inp['temp'] = jnp.array([0.07], jnp.float32)
    inp['ln1_g'] = jnp.ones((NOUT,), jnp.float32)
    inp['ln1_b'] = jnp.zeros((NOUT,), jnp.float32)
    inp['ln2_g'] = jnp.ones((NOUT,), jnp.float32)
    inp['ln2_b'] = jnp.zeros((NOUT,), jnp.float32)
    inp['W1'] = _glorot(ks[5], (DF, GH))
    inp['b1'] = jnp.zeros((GH,), jnp.float32)
    inp['W2'] = _glorot(ks[6], (GH, GH))
    inp['b2'] = jnp.zeros((GH,), jnp.float32)
    inp['W3'] = _glorot(ks[7], (GH, GH))
    inp['b3'] = jnp.zeros((GH,), jnp.float32)
    inp['Wm1'] = _glorot(ks[8], (GH, NHID))
    inp['bm1'] = jnp.zeros((NHID,), jnp.float32)
    inp['Wm2'] = _glorot(ks[9], (NHID, NHID))
    inp['bm2'] = jnp.zeros((NHID,), jnp.float32)
    inp['Wm3'] = _glorot(ks[10], (NHID, NOUT))
    inp['bm3'] = jnp.zeros((NOUT,), jnp.float32)
    return inp

def _layer_norm(h, g, b):
    mu = jnp.mean(h, axis=-1, keepdims=True)
    var = jnp.var(h, axis=-1, keepdims=True)
    return (h - mu) / jnp.sqrt(var + 1e-5) * g + b

def _gcn_conv(x, src, dst, W, b):
    n = x.shape[0]
    h = x @ W
    loop = jnp.arange(n, dtype=src.dtype)
    s = jnp.concatenate([src, loop])
    d = jnp.concatenate([dst, loop])
    deg = jnp.zeros((n,), h.dtype).at[d].add(1.0)
    dinv = 1.0 / jnp.sqrt(deg)
    norm = dinv[s] * dinv[d]
    msg = h[s] * norm[:, None]
    out = jnp.zeros_like(h).at[d].add(msg)
    return out + b

def reference(text_pooled, x, edge_index, batch, Wt, bt, temp, ln1_g, ln1_b, ln2_g, ln2_b, W1, b1, W2, b2, W3, b3, Wm1, bm1, Wm2, bm2, Wm3, bm3):
    text_x = text_pooled @ Wt + bt
    src = edge_index[0]
    dst = edge_index[1]
    h = jax.nn.relu(_gcn_conv(x, src, dst, W1, b1))
    h = jax.nn.relu(_gcn_conv(h, src, dst, W2, b2))
    h = _gcn_conv(h, src, dst, W3, b3)
    sums = jax.ops.segment_sum(h, batch, num_segments=B)
    cnts = jax.ops.segment_sum(jnp.ones((h.shape[0],), h.dtype), batch, num_segments=B)
    g = sums / jnp.maximum(cnts, 1.0)[:, None]
    g = jax.nn.relu(g @ Wm1 + bm1)
    g = jax.nn.relu(g @ Wm2 + bm2)
    g = g @ Wm3 + bm3
    g = _layer_norm(g, ln1_g, ln1_b)
    tx = _layer_norm(text_x, ln2_g, ln2_b)
    scale = jnp.exp(temp)
    return (tx * scale, g * scale)

if __name__ == "__main__":
    import jax
    _d = setup_inputs()
    print(jax.jit(kernel)(*tuple(_d.values())))

</pallas_src>

<mosaic_0001>
#map = affine_map<(d0, d1) -> (0, 0)>
#map1 = affine_map<(d0, d1) -> (0, 0, 0, 0)>
#map2 = affine_map<(d0, d1) -> (0, 0, 0)>
module attributes {stable_mosaic.version = 14 : i64} {
  func.func @_sc_scatter(%arg0: i32, %arg1: i32, %arg2: memref<20000x64xf32, #tpu.memory_space<hbm>>, %arg3: memref<2x16x160x125xi32, #tpu.memory_space<hbm>>, %arg4: memref<16x160x125xi32, #tpu.memory_space<hbm>>, %arg5: memref<10000x64xf32, #tpu.memory_space<hbm>>, %arg6: memref<2x10000x64xf32, #tpu.memory_space<hbm>>, %arg7: memref<160x125xi32, #tpu.memory_space<vmem>>, %arg8: memref<160x125xi32, #tpu.memory_space<vmem>>, %arg9: memref<125x64xf32, #tpu.memory_space<vmem>>, %arg10: memref<125x64xf32, #tpu.memory_space<vmem>>, %arg11: memref<125x64xf32, #tpu.memory_space<vmem>>, %arg12: memref<125x64xf32, #tpu.memory_space<vmem>>, %arg13: memref<!tpu.dma_semaphore, #tpu.memory_space<semaphore_mem>>, %arg14: memref<!tpu.dma_semaphore, #tpu.memory_space<semaphore_mem>>, %arg15: memref<!tpu.dma_semaphore, #tpu.memory_space<semaphore_mem>>, %arg16: memref<!tpu.dma_semaphore, #tpu.memory_space<semaphore_mem>>, %arg17: memref<!tpu.dma_semaphore, #tpu.memory_space<semaphore_mem>>, %arg18: memref<!tpu.dma_semaphore, #tpu.memory_space<semaphore_mem>>, %arg19: memref<!tpu.dma_semaphore, #tpu.memory_space<semaphore_mem>>, %arg20: memref<!tpu.dma_semaphore, #tpu.memory_space<semaphore_mem>>, %arg21: memref<10000x64xf32, #tpu.memory_space<vmem_shared>>) attributes {dimension_semantics = [#tpu.dimension_semantics<core_parallel>, #tpu.dimension_semantics<subcore_parallel>], iteration_bounds = array<i64: 2, 16>, scalar_prefetch = 0 : i64, scratch_operands = 15 : i64, tpu.core_type = #tpu.core_type<sc_vector_subcore>, window_params = [{transform_indices = #map}, {transform_indices = #map1}, {transform_indices = #map2}, {transform_indices = #map}, {transform_indices = #map2}]} {
    "tpu.region"() ({
      %run_scoped3A = tpu.sem_alloc : memref<!tpu.dma_semaphore, #tpu.memory_space<semaphore_mem>>
      %dma_start3A_43 = arith.constant 0 : i32
      %dma_start3A_44 = arith.constant 0 : i32
      %dma_start3A_45 = tpu.memref_slice %arg3[%arg0, %arg1, %dma_start3A_43, %dma_start3A_44] : memref<2x16x160x125xi32, #tpu.memory_space<hbm>> -> memref<1x1x160x125xi32, #tpu.memory_space<hbm>>
      %dma_start3A_46 = tpu.memref_squeeze %dma_start3A_45 : memref<1x1x160x125xi32, #tpu.memory_space<hbm>> -> memref<160x125xi32, #tpu.memory_space<hbm>>
      %dma_start3A_47 = arith.constant 0 : i32
      %dma_start3A_48 = arith.constant 0 : i32
      %dma_start3A_49 = tpu.memref_slice %arg3[%arg0, %arg1, %dma_start3A_47, %dma_start3A_48] : memref<2x16x160x125xi32, #tpu.memory_space<hbm>> -> memref<1x1x160x125xi32, #tpu.memory_space<hbm>>
      %dma_start3A_50 = tpu.memref_squeeze %dma_start3A_49 : memref<1x1x160x125xi32, #tpu.memory_space<hbm>> -> memref<160x125xi32, #tpu.memory_space<hbm>>
      tpu.enqueue_dma source(%dma_start3A_50 : memref<160x125xi32, #tpu.memory_space<hbm>>) target(%arg7 : memref<160x125xi32, #tpu.memory_space<vmem>>) target_semaphore(%run_scoped3A : memref<!tpu.dma_semaphore, #tpu.memory_space<semaphore_mem>>)
      %dma_wait3A = arith.constant 0 : i32
      %dma_wait3A_51 = arith.constant 0 : i32
      %dma_wait3A_52 = tpu.memref_slice %arg3[%arg0, %arg1, %dma_wait3A, %dma_wait3A_51] : memref<2x16x160x125xi32, #tpu.memory_space<hbm>> -> memref<1x1x160x125xi32, #tpu.memory_space<hbm>>
      %dma_wait3A_53 = tpu.memref_squeeze %dma_wait3A_52 : memref<1x1x160x125xi32, #tpu.memory_space<hbm>> -> memref<160x125xi32, #tpu.memory_space<hbm>>
      %dma_wait3A_54 = arith.constant 0 : i32
      %dma_wait3A_55 = arith.constant 0 : i32
      %dma_wait3A_56 = tpu.memref_slice %arg3[%arg0, %arg1, %dma_wait3A_54, %dma_wait3A_55] : memref<2x16x160x125xi32, #tpu.memory_space<hbm>> -> memref<1x1x160x125xi32, #tpu.memory_space<hbm>>
      %dma_wait3A_57 = tpu.memref_squeeze %dma_wait3A_56 : memref<1x1x160x125xi32, #tpu.memory_space<hbm>> -> memref<160x125xi32, #tpu.memory_space<hbm>>
      tpu.wait_dma2 semaphore(%run_scoped3A : memref<!tpu.dma_semaphore, #tpu.memory_space<semaphore_mem>>) src(%dma_wait3A_57 : memref<160x125xi32, #tpu.memory_space<hbm>>) dst(%arg7 : memref<160x125xi32, #tpu.memory_space<vmem>>)
      tpu.yield
    }) : () -> ()
    "tpu.region"() ({
      %run_scoped3A = tpu.sem_alloc : memref<!tpu.dma_semaphore, #tpu.memory_space<semaphore_mem>>
      %dma_start3A_43 = arith.constant 0 : i32
      %dma_start3A_44 = arith.constant 0 : i32
      %dma_start3A_45 = tpu.memref_slice %arg4[%arg1, %dma_start3A_43, %dma_start3A_44] : memref<16x160x125xi32, #tpu.memory_space<hbm>> -> memref<1x160x125xi32, #tpu.memory_space<hbm>>
      %dma_start3A_46 = tpu.memref_squeeze %dma_start3A_45 : memref<1x160x125xi32, #tpu.memory_space<hbm>> -> memref<160x125xi32, #tpu.memory_space<hbm>>
      %dma_start3A_47 = arith.constant 0 : i32
      %dma_start3A_48 = arith.constant 0 : i32
      %dma_start3A_49 = tpu.memref_slice %arg4[%arg1, %dma_start3A_47, %dma_start3A_48] : memref<16x160x125xi32, #tpu.memory_space<hbm>> -> memref<1x160x125xi32, #tpu.memory_space<hbm>>
      %dma_start3A_50 = tpu.memref_squeeze %dma_start3A_49 : memref<1x160x125xi32, #tpu.memory_space<hbm>> -> memref<160x125xi32, #tpu.memory_space<hbm>>
      tpu.enqueue_dma source(%dma_start3A_50 : memref<160x125xi32, #tpu.memory_space<hbm>>) target(%arg8 : memref<160x125xi32, #tpu.memory_space<vmem>>) target_semaphore(%run_scoped3A : memref<!tpu.dma_semaphore, #tpu.memory_space<semaphore_mem>>)
      %dma_wait3A = arith.constant 0 : i32
      %dma_wait3A_51 = arith.constant 0 : i32
      %dma_wait3A_52 = tpu.memref_slice %arg4[%arg1, %dma_wait3A, %dma_wait3A_51] : memref<16x160x125xi32, #tpu.memory_space<hbm>> -> memref<1x160x125xi32, #tpu.memory_space<hbm>>
      %dma_wait3A_53 = tpu.memref_squeeze %dma_wait3A_52 : memref<1x160x125xi32, #tpu.memory_space<hbm>> -> memref<160x125xi32, #tpu.memory_space<hbm>>
      %dma_wait3A_54 = arith.constant 0 : i32
      %dma_wait3A_55 = arith.constant 0 : i32
      %dma_wait3A_56 = tpu.memref_slice %arg4[%arg1, %dma_wait3A_54, %dma_wait3A_55] : memref<16x160x125xi32, #tpu.memory_space<hbm>> -> memref<1x160x125xi32, #tpu.memory_space<hbm>>
      %dma_wait3A_57 = tpu.memref_squeeze %dma_wait3A_56 : memref<1x160x125xi32, #tpu.memory_space<hbm>> -> memref<160x125xi32, #tpu.memory_space<hbm>>
      tpu.wait_dma2 semaphore(%run_scoped3A : memref<!tpu.dma_semaphore, #tpu.memory_space<semaphore_mem>>) src(%dma_wait3A_57 : memref<160x125xi32, #tpu.memory_space<hbm>>) dst(%arg8 : memref<160x125xi32, #tpu.memory_space<vmem>>)
      tpu.yield
    }) : () -> ()
    %eq3A = arith.constant 0 : i32
    %eq3A_0 = arith.cmpi eq, %arg1, %eq3A : i32
    %convert_element_type3A = arith.extui %eq3A_0 : i1 to i32
    %cond3A = arith.constant 0 : i32
    %cond3A_1 = arith.cmpi ne, %convert_element_type3A, %cond3A : i32
    scf.if %cond3A_1 {
      "tpu.region"() ({
        %run_scoped3A = tpu.sem_alloc : memref<!tpu.dma_semaphore, #tpu.memory_space<semaphore_mem>>
        tpu.enqueue_dma source(%arg5 : memref<10000x64xf32, #tpu.memory_space<hbm>>) target(%arg21 : memref<10000x64xf32, #tpu.memory_space<vmem_shared>>) target_semaphore(%run_scoped3A : memref<!tpu.dma_semaphore, #tpu.memory_space<semaphore_mem>>)
        tpu.wait_dma2 semaphore(%run_scoped3A : memref<!tpu.dma_semaphore, #tpu.memory_space<semaphore_mem>>) src(%arg5 : memref<10000x64xf32, #tpu.memory_space<hbm>>) dst(%arg21 : memref<10000x64xf32, #tpu.memory_space<vmem_shared>>)
        tpu.yield
      }) : () -> ()
    } else {
    }
    %barrier3A = arith.constant 0 : index
    tpu.barrier barrier_id(%barrier3A)
    %dma_start3A = arith.constant 0 : i32
    %dma_start3A_2 = arith.constant 0 : i32
    %dma_start3A_3 = tpu.memref_slice %arg7[%dma_start3A, %dma_start3A_2] : memref<160x125xi32, #tpu.memory_space<vmem>> -> memref<1x125xi32, #tpu.memory_space<vmem>>
    %dma_start3A_4 = tpu.memref_squeeze %dma_start3A_3 : memref<1x125xi32, #tpu.memory_space<vmem>> -> memref<125xi32, #tpu.memory_space<vmem>>
    %dma_start3A_5 = arith.constant 0 : i32
    %dma_start3A_6 = arith.constant 0 : i32
    %dma_start3A_7 = tpu.memref_slice %arg2[%dma_start3A_5, %dma_start3A_6] : memref<20000x64xf32, #tpu.memory_space<hbm>> -> memref<20000x64xf32, #tpu.memory_space<hbm>>
    tpu.enqueue_indirect_dma source(%dma_start3A_7 : memref<20000x64xf32, #tpu.memory_space<hbm>>) target(%arg9 : memref<125x64xf32, #tpu.memory_space<vmem>>) offsets(%dma_start3A_4 : memref<125xi32, #tpu.memory_space<vmem>>) semaphore(%arg13 : memref<!tpu.dma_semaphore, #tpu.memory_space<semaphore_mem>>)
    %dma_start3A_8 = arith.constant 1 : i32
    %dma_start3A_9 = arith.constant 0 : i32
    %dma_start3A_10 = tpu.memref_slice %arg7[%dma_start3A_8, %dma_start3A_9] : memref<160x125xi32, #tpu.memory_space<vmem>> -> memref<1x125xi32, #tpu.memory_space<vmem>>
    %dma_start3A_11 = tpu.memref_squeeze %dma_start3A_10 : memref<1x125xi32, #tpu.memory_space<vmem>> -> memref<125xi32, #tpu.memory_space<vmem>>
    %dma_start3A_12 = arith.constant 0 : i32
    %dma_start3A_13 = arith.constant 0 : i32
    %dma_start3A_14 = tpu.memref_slice %arg2[%dma_start3A_12, %dma_start3A_13] : memref<20000x64xf32, #tpu.memory_space<hbm>> -> memref<20000x64xf32, #tpu.memory_space<hbm>>
    tpu.enqueue_indirect_dma source(%dma_start3A_14 : memref<20000x64xf32, #tpu.memory_space<hbm>>) target(%arg10 : memref<125x64xf32, #tpu.memory_space<vmem>>) offsets(%dma_start3A_11 : memref<125xi32, #tpu.memory_space<vmem>>) semaphore(%arg14 : memref<!tpu.dma_semaphore, #tpu.memory_space<semaphore_mem>>)
    %dma_start3A_15 = arith.constant 2 : i32
    %dma_start3A_16 = arith.constant 0 : i32
    %dma_start3A_17 = tpu.memref_slice %arg7[%dma_start3A_15, %dma_start3A_16] : memref<160x125xi32, #tpu.memory_space<vmem>> -> memref<1x125xi32, #tpu.memory_space<vmem>>
    %dma_start3A_18 = tpu.memref_squeeze %dma_start3A_17 : memref<1x125xi32, #tpu.memory_space<vmem>> -> memref<125xi32, #tpu.memory_space<vmem>>
    %dma_start3A_19 = arith.constant 0 : i32
    %dma_start3A_20 = arith.constant 0 : i32
    %dma_start3A_21 = tpu.memref_slice %arg2[%dma_start3A_19, %dma_start3A_20] : memref<20000x64xf32, #tpu.memory_space<hbm>> -> memref<20000x64xf32, #tpu.memory_space<hbm>>
    tpu.enqueue_indirect_dma source(%dma_start3A_21 : memref<20000x64xf32, #tpu.memory_space<hbm>>) target(%arg11 : memref<125x64xf32, #tpu.memory_space<vmem>>) offsets(%dma_start3A_18 : memref<125xi32, #tpu.memory_space<vmem>>) semaphore(%arg15 : memref<!tpu.dma_semaphore, #tpu.memory_space<semaphore_mem>>)
    %dma_start3A_22 = arith.constant 3 : i32
    %dma_start3A_23 = arith.constant 0 : i32
    %dma_start3A_24 = tpu.memref_slice %arg7[%dma_start3A_22, %dma_start3A_23] : memref<160x125xi32, #tpu.memory_space<vmem>> -> memref<1x125xi32, #tpu.memory_space<vmem>>
    %dma_start3A_25 = tpu.memref_squeeze %dma_start3A_24 : memref<1x125xi32, #tpu.memory_space<vmem>> -> memref<125xi32, #tpu.memory_space<vmem>>
    %dma_start3A_26 = arith.constant 0 : i32
    %dma_start3A_27 = arith.constant 0 : i32
    %dma_start3A_28 = tpu.memref_slice %arg2[%dma_start3A_26, %dma_start3A_27] : memref<20000x64xf32, #tpu.memory_space<hbm>> -> memref<20000x64xf32, #tpu.memory_space<hbm>>
    tpu.enqueue_indirect_dma source(%dma_start3A_28 : memref<20000x64xf32, #tpu.memory_space<hbm>>) target(%arg12 : memref<125x64xf32, #tpu.memory_space<vmem>>) offsets(%dma_start3A_25 : memref<125xi32, #tpu.memory_space<vmem>>) semaphore(%arg16 : memref<!tpu.dma_semaphore, #tpu.memory_space<semaphore_mem>>)
    %scan3A = arith.constant 0 : i32
    %scan3A_29 = arith.constant 0 : i32
    %scan3A_30 = arith.constant 40 : i32
    %scan3A_31 = arith.addi %scan3A_29, %scan3A_30 : i32
    %scan3A_32 = arith.constant 1 : i32
    scf.for %scan3A_43 = %scan3A_29 to %scan3A_31 step %scan3A_32  : i32 {
      %mul3A_44 = arith.constant 4 : i32
      %mul3A_45 = arith.muli %mul3A_44, %scan3A_43 : i32
      %add3A = arith.constant 0 : i32
      %add3A_46 = arith.addi %mul3A_45, %add3A : i32
      %dma_wait3A = arith.constant 0 : i32
      %dma_wait3A_47 = tpu.memref_slice %arg7[%add3A_46, %dma_wait3A] : memref<160x125xi32, #tpu.memory_space<vmem>> -> memref<1x125xi32, #tpu.memory_space<vmem>>
      %dma_wait3A_48 = tpu.memref_squeeze %dma_wait3A_47 : memref<1x125xi32, #tpu.memory_space<vmem>> -> memref<125xi32, #tpu.memory_space<vmem>>
      %dma_wait3A_49 = arith.constant 0 : i32
      %dma_wait3A_50 = arith.constant 0 : i32
      %dma_wait3A_51 = tpu.memref_slice %arg2[%dma_wait3A_49, %dma_wait3A_50] : memref<20000x64xf32, #tpu.memory_space<hbm>> -> memref<20000x64xf32, #tpu.memory_space<hbm>>
      tpu.wait_indirect_dma semaphore(%arg13 : memref<!tpu.dma_semaphore, #tpu.memory_space<semaphore_mem>>) src(%dma_wait3A_51 : memref<20000x64xf32, #tpu.memory_space<hbm>>) dst(%arg9 : memref<125x64xf32, #tpu.memory_space<vmem>>)
      %add3A_52 = arith.constant 0 : i32
      %add3A_53 = arith.addi %mul3A_45, %add3A_52 : i32
      %dma_start3A_54 = arith.constant 0 : i32
      %dma_start3A_55 = tpu.memref_slice %arg8[%add3A_53, %dma_start3A_54] : memref<160x125xi32, #tpu.memory_space<vmem>> -> memref<1x125xi32, #tpu.memory_space<vmem>>
      %dma_start3A_56 = tpu.memref_squeeze %dma_start3A_55 : memref<1x125xi32, #tpu.memory_space<vmem>> -> memref<125xi32, #tpu.memory_space<vmem>>
      %dma_start3A_57 = arith.constant 0 : i32
      %dma_start3A_58 = arith.constant 0 : i32
      %dma_start3A_59 = tpu.memref_slice %arg21[%dma_start3A_57, %dma_start3A_58] : memref<10000x64xf32, #tpu.memory_space<vmem_shared>> -> memref<10000x64xf32, #tpu.memory_space<vmem_shared>>
      tpu.enqueue_indirect_dma source(%arg9 : memref<125x64xf32, #tpu.memory_space<vmem>>) target(%dma_start3A_59 : memref<10000x64xf32, #tpu.memory_space<vmem_shared>>) offsets(%dma_start3A_56 : memref<125xi32, #tpu.memory_space<vmem>>) semaphore(%arg17 : memref<!tpu.dma_semaphore, #tpu.memory_space<semaphore_mem>>) {add = true}
      %add3A_60 = arith.constant 1 : i32
      %add3A_61 = arith.addi %mul3A_45, %add3A_60 : i32
      %dma_wait3A_62 = arith.constant 0 : i32
      %dma_wait3A_63 = tpu.memref_slice %arg7[%add3A_61, %dma_wait3A_62] : memref<160x125xi32, #tpu.memory_space<vmem>> -> memref<1x125xi32, #tpu.memory_space<vmem>>
      %dma_wait3A_64 = tpu.memref_squeeze %dma_wait3A_63 : memref<1x125xi32, #tpu.memory_space<vmem>> -> memref<125xi32, #tpu.memory_space<vmem>>
      %dma_wait3A_65 = arith.constant 0 : i32
      %dma_wait3A_66 = arith.constant 0 : i32
      %dma_wait3A_67 = tpu.memref_slice %arg2[%dma_wait3A_65, %dma_wait3A_66] : memref<20000x64xf32, #tpu.memory_space<hbm>> -> memref<20000x64xf32, #tpu.memory_space<hbm>>
      tpu.wait_indirect_dma semaphore(%arg14 : memref<!tpu.dma_semaphore, #tpu.memory_space<semaphore_mem>>) src(%dma_wait3A_67 : memref<20000x64xf32, #tpu.memory_space<hbm>>) dst(%arg10 : memref<125x64xf32, #tpu.memory_space<vmem>>)
      %add3A_68 = arith.constant 1 : i32
      %add3A_69 = arith.addi %mul3A_45, %add3A_68 : i32
      %dma_start3A_70 = arith.constant 0 : i32
      %dma_start3A_71 = tpu.memref_slice %arg8[%add3A_69, %dma_start3A_70] : memref<160x125xi32, #tpu.memory_space<vmem>> -> memref<1x125xi32, #tpu.memory_space<vmem>>
      %dma_start3A_72 = tpu.memref_squeeze %dma_start3A_71 : memref<1x125xi32, #tpu.memory_space<vmem>> -> memref<125xi32, #tpu.memory_space<vmem>>
      %dma_start3A_73 = arith.constant 0 : i32
      %dma_start3A_74 = arith.constant 0 : i32
      %dma_start3A_75 = tpu.memref_slice %arg21[%dma_start3A_73, %dma_start3A_74] : memref<10000x64xf32, #tpu.memory_space<vmem_shared>> -> memref<10000x64xf32, #tpu.memory_space<vmem_shared>>
      tpu.enqueue_indirect_dma source(%arg10 : memref<125x64xf32, #tpu.memory_space<vmem>>) target(%dma_start3A_75 : memref<10000x64xf32, #tpu.memory_space<vmem_shared>>) offsets(%dma_start3A_72 : memref<125xi32, #tpu.memory_space<vmem>>) semaphore(%arg18 : memref<!tpu.dma_semaphore, #tpu.memory_space<semaphore_mem>>) {add = true}
      %add3A_76 = arith.constant 2 : i32
      %add3A_77 = arith.addi %mul3A_45, %add3A_76 : i32
      %dma_wait3A_78 = arith.constant 0 : i32
      %dma_wait3A_79 = tpu.memref_slice %arg7[%add3A_77, %dma_wait3A_78] : memref<160x125xi32, #tpu.memory_space<vmem>> -> memref<1x125xi32, #tpu.memory_space<vmem>>
      %dma_wait3A_80 = tpu.memref_squeeze %dma_wait3A_79 : memref<1x125xi32, #tpu.memory_space<vmem>> -> memref<125xi32, #tpu.memory_space<vmem>>
      %dma_wait3A_81 = arith.constant 0 : i32
      %dma_wait3A_82 = arith.constant 0 : i32
      %dma_wait3A_83 = tpu.memref_slice %arg2[%dma_wait3A_81, %dma_wait3A_82] : memref<20000x64xf32, #tpu.memory_space<hbm>> -> memref<20000x64xf32, #tpu.memory_space<hbm>>
      tpu.wait_indirect_dma semaphore(%arg15 : memref<!tpu.dma_semaphore, #tpu.memory_space<semaphore_mem>>) src(%dma_wait3A_83 : memref<20000x64xf32, #tpu.memory_space<hbm>>) dst(%arg11 : memref<125x64xf32, #tpu.memory_space<vmem>>)
      %add3A_84 = arith.constant 2 : i32
      %add3A_85 = arith.addi %mul3A_45, %add3A_84 : i32
      %dma_start3A_86 = arith.constant 0 : i32
      %dma_start3A_87 = tpu.memref_slice %arg8[%add3A_85, %dma_start3A_86] : memref<160x125xi32, #tpu.memory_space<vmem>> -> memref<1x125xi32, #tpu.memory_space<vmem>>
      %dma_start3A_88 = tpu.memref_squeeze %dma_start3A_87 : memref<1x125xi32, #tpu.memory_space<vmem>> -> memref<125xi32, #tpu.memory_space<vmem>>
      %dma_start3A_89 = arith.constant 0 : i32
      %dma_start3A_90 = arith.constant 0 : i32
      %dma_start3A_91 = tpu.memref_slice %arg21[%dma_start3A_89, %dma_start3A_90] : memref<10000x64xf32, #tpu.memory_space<vmem_shared>> -> memref<10000x64xf32, #tpu.memory_space<vmem_shared>>
      tpu.enqueue_indirect_dma source(%arg11 : memref<125x64xf32, #tpu.memory_space<vmem>>) target(%dma_start3A_91 : memref<10000x64xf32, #tpu.memory_space<vmem_shared>>) offsets(%dma_start3A_88 : memref<125xi32, #tpu.memory_space<vmem>>) semaphore(%arg19 : memref<!tpu.dma_semaphore, #tpu.memory_space<semaphore_mem>>) {add = true}
      %add3A_92 = arith.constant 3 : i32
      %add3A_93 = arith.addi %mul3A_45, %add3A_92 : i32
      %dma_wait3A_94 = arith.constant 0 : i32
      %dma_wait3A_95 = tpu.memref_slice %arg7[%add3A_93, %dma_wait3A_94] : memref<160x125xi32, #tpu.memory_space<vmem>> -> memref<1x125xi32, #tpu.memory_space<vmem>>
      %dma_wait3A_96 = tpu.memref_squeeze %dma_wait3A_95 : memref<1x125xi32, #tpu.memory_space<vmem>> -> memref<125xi32, #tpu.memory_space<vmem>>
      %dma_wait3A_97 = arith.constant 0 : i32
      %dma_wait3A_98 = arith.constant 0 : i32
      %dma_wait3A_99 = tpu.memref_slice %arg2[%dma_wait3A_97, %dma_wait3A_98] : memref<20000x64xf32, #tpu.memory_space<hbm>> -> memref<20000x64xf32, #tpu.memory_space<hbm>>
      tpu.wait_indirect_dma semaphore(%arg16 : memref<!tpu.dma_semaphore, #tpu.memory_space<semaphore_mem>>) src(%dma_wait3A_99 : memref<20000x64xf32, #tpu.memory_space<hbm>>) dst(%arg12 : memref<125x64xf32, #tpu.memory_space<vmem>>)
      %add3A_100 = arith.constant 3 : i32
      %add3A_101 = arith.addi %mul3A_45, %add3A_100 : i32
      %dma_start3A_102 = arith.constant 0 : i32
      %dma_start3A_103 = tpu.memref_slice %arg8[%add3A_101, %dma_start3A_102] : memref<160x125xi32, #tpu.memory_space<vmem>> -> memref<1x125xi32, #tpu.memory_space<vmem>>
      %dma_start3A_104 = tpu.memref_squeeze %dma_start3A_103 : memref<1x125xi32, #tpu.memory_space<vmem>> -> memref<125xi32, #tpu.memory_space<vmem>>
      %dma_start3A_105 = arith.constant 0 : i32
      %dma_start3A_106 = arith.constant 0 : i32
      %dma_start3A_107 = tpu.memref_slice %arg21[%dma_start3A_105, %dma_start3A_106] : memref<10000x64xf32, #tpu.memory_space<vmem_shared>> -> memref<10000x64xf32, #tpu.memory_space<vmem_shared>>
      tpu.enqueue_indirect_dma source(%arg12 : memref<125x64xf32, #tpu.memory_space<vmem>>) target(%dma_start3A_107 : memref<10000x64xf32, #tpu.memory_space<vmem_shared>>) offsets(%dma_start3A_104 : memref<125xi32, #tpu.memory_space<vmem>>) semaphore(%arg20 : memref<!tpu.dma_semaphore, #tpu.memory_space<semaphore_mem>>) {add = true}
      %add3A_108 = arith.constant 0 : i32
      %add3A_109 = arith.addi %mul3A_45, %add3A_108 : i32
      %dma_wait3A_110 = arith.constant 0 : i32
      %dma_wait3A_111 = tpu.memref_slice %arg8[%add3A_109, %dma_wait3A_110] : memref<160x125xi32, #tpu.memory_space<vmem>> -> memref<1x125xi32, #tpu.memory_space<vmem>>
      %dma_wait3A_112 = tpu.memref_squeeze %dma_wait3A_111 : memref<1x125xi32, #tpu.memory_space<vmem>> -> memref<125xi32, #tpu.memory_space<vmem>>
      %dma_wait3A_113 = arith.constant 0 : i32
      %dma_wait3A_114 = arith.constant 0 : i32
      %dma_wait3A_115 = tpu.memref_slice %arg21[%dma_wait3A_113, %dma_wait3A_114] : memref<10000x64xf32, #tpu.memory_space<vmem_shared>> -> memref<10000x64xf32, #tpu.memory_space<vmem_shared>>
      tpu.wait_indirect_dma semaphore(%arg17 : memref<!tpu.dma_semaphore, #tpu.memory_space<semaphore_mem>>) src(%arg9 : memref<125x64xf32, #tpu.memory_space<vmem>>) dst(%dma_wait3A_115 : memref<10000x64xf32, #tpu.memory_space<vmem_shared>>)
      %lt3A = arith.constant 39 : i32
      %lt3A_116 = arith.cmpi slt, %scan3A_43, %lt3A : i32
      %convert_element_type3A_117 = arith.extui %lt3A_116 : i1 to i32
      %cond3A_118 = arith.constant 0 : i32
      %cond3A_119 = arith.cmpi ne, %convert_element_type3A_117, %cond3A_118 : i32
      scf.if %cond3A_119 {
        %add3A_159 = arith.constant 4 : i32
        %add3A_160 = arith.addi %mul3A_45, %add3A_159 : i32
        %add3A_161 = arith.constant 0 : i32
        %add3A_162 = arith.addi %add3A_160, %add3A_161 : i32
        %dma_start3A_163 = arith.constant 0 : i32
        %dma_start3A_164 = tpu.memref_slice %arg7[%add3A_162, %dma_start3A_163] : memref<160x125xi32, #tpu.memory_space<vmem>> -> memref<1x125xi32, #tpu.memory_space<vmem>>
        %dma_start3A_165 = tpu.memref_squeeze %dma_start3A_164 : memref<1x125xi32, #tpu.memory_space<vmem>> -> memref<125xi32, #tpu.memory_space<vmem>>
        %dma_start3A_166 = arith.constant 0 : i32
        %dma_start3A_167 = arith.constant 0 : i32
        %dma_start3A_168 = tpu.memref_slice %arg2[%dma_start3A_166, %dma_start3A_167] : memref<20000x64xf32, #tpu.memory_space<hbm>> -> memref<20000x64xf32, #tpu.memory_space<hbm>>
        tpu.enqueue_indirect_dma source(%dma_start3A_168 : memref<20000x64xf32, #tpu.memory_space<hbm>>) target(%arg9 : memref<125x64xf32, #tpu.memory_space<vmem>>) offsets(%dma_start3A_165 : memref<125xi32, #tpu.memory_space<vmem>>) semaphore(%arg13 : memref<!tpu.dma_semaphore, #tpu.memory_space<semaphore_mem>>)
      } else {
      }
      %add3A_120 = arith.constant 1 : i32
      %add3A_121 = arith.addi %mul3A_45, %add3A_120 : i32
      %dma_wait3A_122 = arith.constant 0 : i32
      %dma_wait3A_123 = tpu.memref_slice %arg8[%add3A_121, %dma_wait3A_122] : memref<160x125xi32, #tpu.memory_space<vmem>> -> memref<1x125xi32, #tpu.memory_space<vmem>>
      %dma_wait3A_124 = tpu.memref_squeeze %dma_wait3A_123 : memref<1x125xi32, #tpu.memory_space<vmem>> -> memref<125xi32, #tpu.memory_space<vmem>>
      %dma_wait3A_125 = arith.constant 0 : i32
      %dma_wait3A_126 = arith.constant 0 : i32
      %dma_wait3A_127 = tpu.memref_slice %arg21[%dma_wait3A_125, %dma_wait3A_126] : memref<10000x64xf32, #tpu.memory_space<vmem_shared>> -> memref<10000x64xf32, #tpu.memory_space<vmem_shared>>
      tpu.wait_indirect_dma semaphore(%arg18 : memref<!tpu.dma_semaphore, #tpu.memory_space<semaphore_mem>>) src(%arg10 : memref<125x64xf32, #tpu.memory_space<vmem>>) dst(%dma_wait3A_127 : memref<10000x64xf32, #tpu.memory_space<vmem_shared>>)
      %lt3A_128 = arith.constant 39 : i32
      %lt3A_129 = arith.cmpi slt, %scan3A_43, %lt3A_128 : i32
      %convert_element_type3A_130 = arith.extui %lt3A_129 : i1 to i32
      %cond3A_131 = arith.constant 0 : i32
      %cond3A_132 = arith.cmpi ne, %convert_element_type3A_130, %cond3A_131 : i32
      scf.if %cond3A_132 {
        %add3A_159 = arith.constant 4 : i32
        %add3A_160 = arith.addi %mul3A_45, %add3A_159 : i32
        %add3A_161 = arith.constant 1 : i32
        %add3A_162 = arith.addi %add3A_160, %add3A_161 : i32
        %dma_start3A_163 = arith.constant 0 : i32
        %dma_start3A_164 = tpu.memref_slice %arg7[%add3A_162, %dma_start3A_163] : memref<160x125xi32, #tpu.memory_space<vmem>> -> memref<1x125xi32, #tpu.memory_space<vmem>>
        %dma_start3A_165 = tpu.memref_squeeze %dma_start3A_164 : memref<1x125xi32, #tpu.memory_space<vmem>> -> memref<125xi32, #tpu.memory_space<vmem>>
        %dma_start3A_166 = arith.constant 0 : i32
        %dma_start3A_167 = arith.constant 0 : i32
        %dma_start3A_168 = tpu.memref_slice %arg2[%dma_start3A_166, %dma_start3A_167] : memref<20000x64xf32, #tpu.memory_space<hbm>> -> memref<20000x64xf32, #tpu.memory_space<hbm>>
        tpu.enqueue_indirect_dma source(%dma_start3A_168 : memref<20000x64xf32, #tpu.memory_space<hbm>>) target(%arg10 : memref<125x64xf32, #tpu.memory_space<vmem>>) offsets(%dma_start3A_165 : memref<125xi32, #tpu.memory_space<vmem>>) semaphore(%arg14 : memref<!tpu.dma_semaphore, #tpu.memory_space<semaphore_mem>>)
      } else {
      }
      %add3A_133 = arith.constant 2 : i32
      %add3A_134 = arith.addi %mul3A_45, %add3A_133 : i32
      %dma_wait3A_135 = arith.constant 0 : i32
      %dma_wait3A_136 = tpu.memref_slice %arg8[%add3A_134, %dma_wait3A_135] : memref<160x125xi32, #tpu.memory_space<vmem>> -> memref<1x125xi32, #tpu.memory_space<vmem>>
      %dma_wait3A_137 = tpu.memref_squeeze %dma_wait3A_136 : memref<1x125xi32, #tpu.memory_space<vmem>> -> memref<125xi32, #tpu.memory_space<vmem>>
      %dma_wait3A_138 = arith.constant 0 : i32
      %dma_wait3A_139 = arith.constant 0 : i32
      %dma_wait3A_140 = tpu.memref_slice %arg21[%dma_wait3A_138, %dma_wait3A_139] : memref<10000x64xf32, #tpu.memory_space<vmem_shared>> -> memref<10000x64xf32, #tpu.memory_space<vmem_shared>>
      tpu.wait_indirect_dma semaphore(%arg19 : memref<!tpu.dma_semaphore, #tpu.memory_space<semaphore_mem>>) src(%arg11 : memref<125x64xf32, #tpu.memory_space<vmem>>) dst(%dma_wait3A_140 : memref<10000x64xf32, #tpu.memory_space<vmem_shared>>)
      %lt3A_141 = arith.constant 39 : i32
      %lt3A_142 = arith.cmpi slt, %scan3A_43, %lt3A_141 : i32
      %convert_element_type3A_143 = arith.extui %lt3A_142 : i1 to i32
      %cond3A_144 = arith.constant 0 : i32
      %cond3A_145 = arith.cmpi ne, %convert_element_type3A_143, %cond3A_144 : i32
      scf.if %cond3A_145 {
        %add3A_159 = arith.constant 4 : i32
        %add3A_160 = arith.addi %mul3A_45, %add3A_159 : i32
        %add3A_161 = arith.constant 2 : i32
        %add3A_162 = arith.addi %add3A_160, %add3A_161 : i32
        %dma_start3A_163 = arith.constant 0 : i32
        %dma_start3A_164 = tpu.memref_slice %arg7[%add3A_162, %dma_start3A_163] : memref<160x125xi32, #tpu.memory_space<vmem>> -> memref<1x125xi32, #tpu.memory_space<vmem>>
        %dma_start3A_165 = tpu.memref_squeeze %dma_start3A_164 : memref<1x125xi32, #tpu.memory_space<vmem>> -> memref<125xi32, #tpu.memory_space<vmem>>
        %dma_start3A_166 = arith.constant 0 : i32
        %dma_start3A_167 = arith.constant 0 : i32
        %dma_start3A_168 = tpu.memref_slice %arg2[%dma_start3A_166, %dma_start3A_167] : memref<20000x64xf32, #tpu.memory_space<hbm>> -> memref<20000x64xf32, #tpu.memory_space<hbm>>
        tpu.enqueue_indirect_dma source(%dma_start3A_168 : memref<20000x64xf32, #tpu.memory_space<hbm>>) target(%arg11 : memref<125x64xf32, #tpu.memory_space<vmem>>) offsets(%dma_start3A_165 : memref<125xi32, #tpu.memory_space<vmem>>) semaphore(%arg15 : memref<!tpu.dma_semaphore, #tpu.memory_space<semaphore_mem>>)
      } else {
      }
      %add3A_146 = arith.constant 3 : i32
      %add3A_147 = arith.addi %mul3A_45, %add3A_146 : i32
      %dma_wait3A_148 = arith.constant 0 : i32
      %dma_wait3A_149 = tpu.memref_slice %arg8[%add3A_147, %dma_wait3A_148] : memref<160x125xi32, #tpu.memory_space<vmem>> -> memref<1x125xi32, #tpu.memory_space<vmem>>
      %dma_wait3A_150 = tpu.memref_squeeze %dma_wait3A_149 : memref<1x125xi32, #tpu.memory_space<vmem>> -> memref<125xi32, #tpu.memory_space<vmem>>
      %dma_wait3A_151 = arith.constant 0 : i32
      %dma_wait3A_152 = arith.constant 0 : i32
      %dma_wait3A_153 = tpu.memref_slice %arg21[%dma_wait3A_151, %dma_wait3A_152] : memref<10000x64xf32, #tpu.memory_space<vmem_shared>> -> memref<10000x64xf32, #tpu.memory_space<vmem_shared>>
      tpu.wait_indirect_dma semaphore(%arg20 : memref<!tpu.dma_semaphore, #tpu.memory_space<semaphore_mem>>) src(%arg12 : memref<125x64xf32, #tpu.memory_space<vmem>>) dst(%dma_wait3A_153 : memref<10000x64xf32, #tpu.memory_space<vmem_shared>>)
      %lt3A_154 = arith.constant 39 : i32
      %lt3A_155 = arith.cmpi slt, %scan3A_43, %lt3A_154 : i32
      %convert_element_type3A_156 = arith.extui %lt3A_155 : i1 to i32
      %cond3A_157 = arith.constant 0 : i32
      %cond3A_158 = arith.cmpi ne, %convert_element_type3A_156, %cond3A_157 : i32
      scf.if %cond3A_158 {
        %add3A_159 = arith.constant 4 : i32
        %add3A_160 = arith.addi %mul3A_45, %add3A_159 : i32
        %add3A_161 = arith.constant 3 : i32
        %add3A_162 = arith.addi %add3A_160, %add3A_161 : i32
        %dma_start3A_163 = arith.constant 0 : i32
        %dma_start3A_164 = tpu.memref_slice %arg7[%add3A_162, %dma_start3A_163] : memref<160x125xi32, #tpu.memory_space<vmem>> -> memref<1x125xi32, #tpu.memory_space<vmem>>
        %dma_start3A_165 = tpu.memref_squeeze %dma_start3A_164 : memref<1x125xi32, #tpu.memory_space<vmem>> -> memref<125xi32, #tpu.memory_space<vmem>>
        %dma_start3A_166 = arith.constant 0 : i32
        %dma_start3A_167 = arith.constant 0 : i32
        %dma_start3A_168 = tpu.memref_slice %arg2[%dma_start3A_166, %dma_start3A_167] : memref<20000x64xf32, #tpu.memory_space<hbm>> -> memref<20000x64xf32, #tpu.memory_space<hbm>>
        tpu.enqueue_indirect_dma source(%dma_start3A_168 : memref<20000x64xf32, #tpu.memory_space<hbm>>) target(%arg12 : memref<125x64xf32, #tpu.memory_space<vmem>>) offsets(%dma_start3A_165 : memref<125xi32, #tpu.memory_space<vmem>>) semaphore(%arg16 : memref<!tpu.dma_semaphore, #tpu.memory_space<semaphore_mem>>)
      } else {
      }
    }
    %scan3A_33 = arith.constant 40 : i32
    %barrier3A_34 = arith.constant 0 : index
    tpu.barrier barrier_id(%barrier3A_34)
    %mul3A = arith.constant 624 : i32
    %mul3A_35 = arith.muli %arg1, %mul3A : i32
    %mul3A_36 = arith.constant 624 : i32
    %mul3A_37 = arith.muli %arg1, %mul3A_36 : i32
    "tpu.region"() ({
      %run_scoped3A = tpu.sem_alloc : memref<!tpu.dma_semaphore, #tpu.memory_space<semaphore_mem>>
      %dma_start3A_43 = arith.constant 0 : i32
      %dma_start3A_44 = tpu.memref_slice %arg6[%arg0, %mul3A_37, %dma_start3A_43] : memref<2x10000x64xf32, #tpu.memory_space<hbm>> -> memref<1x624x64xf32, #tpu.memory_space<hbm>>
      %dma_start3A_45 = tpu.memref_squeeze %dma_start3A_44 : memref<1x624x64xf32, #tpu.memory_space<hbm>> -> memref<624x64xf32, #tpu.memory_space<hbm>>
      %dma_start3A_46 = arith.constant 0 : i32
      %dma_start3A_47 = tpu.memref_slice %arg21[%mul3A_35, %dma_start3A_46] : memref<10000x64xf32, #tpu.memory_space<vmem_shared>> -> memref<624x64xf32, #tpu.memory_space<vmem_shared>>
      tpu.enqueue_dma source(%dma_start3A_47 : memref<624x64xf32, #tpu.memory_space<vmem_shared>>) target(%dma_start3A_45 : memref<624x64xf32, #tpu.memory_space<hbm>>) target_semaphore(%run_scoped3A : memref<!tpu.dma_semaphore, #tpu.memory_space<semaphore_mem>>)
      %dma_wait3A = arith.constant 0 : i32
      %dma_wait3A_48 = tpu.memref_slice %arg6[%arg0, %mul3A_37, %dma_wait3A] : memref<2x10000x64xf32, #tpu.memory_space<hbm>> -> memref<1x624x64xf32, #tpu.memory_space<hbm>>
      %dma_wait3A_49 = tpu.memref_squeeze %dma_wait3A_48 : memref<1x624x64xf32, #tpu.memory_space<hbm>> -> memref<624x64xf32, #tpu.memory_space<hbm>>
      %dma_wait3A_50 = arith.constant 0 : i32
      %dma_wait3A_51 = tpu.memref_slice %arg21[%mul3A_35, %dma_wait3A_50] : memref<10000x64xf32, #tpu.memory_space<vmem_shared>> -> memref<624x64xf32, #tpu.memory_space<vmem_shared>>
      tpu.wait_dma2 semaphore(%run_scoped3A : memref<!tpu.dma_semaphore, #tpu.memory_space<semaphore_mem>>) src(%dma_wait3A_51 : memref<624x64xf32, #tpu.memory_space<vmem_shared>>) dst(%dma_wait3A_49 : memref<624x64xf32, #tpu.memory_space<hbm>>)
      tpu.yield
    }) : () -> ()
    %eq3A_38 = arith.constant 0 : i32
    %eq3A_39 = arith.cmpi eq, %arg1, %eq3A_38 : i32
    %convert_element_type3A_40 = arith.extui %eq3A_39 : i1 to i32
    %cond3A_41 = arith.constant 0 : i32
    %cond3A_42 = arith.cmpi ne, %convert_element_type3A_40, %cond3A_41 : i32
    scf.if %cond3A_42 {
      "tpu.region"() ({
        %run_scoped3A = tpu.sem_alloc : memref<!tpu.dma_semaphore, #tpu.memory_space<semaphore_mem>>
        %dma_start3A_43 = arith.constant 9984 : i32
        %dma_start3A_44 = arith.constant 0 : i32
        %dma_start3A_45 = tpu.memref_slice %arg6[%arg0, %dma_start3A_43, %dma_start3A_44] : memref<2x10000x64xf32, #tpu.memory_space<hbm>> -> memref<1x16x64xf32, #tpu.memory_space<hbm>>
        %dma_start3A_46 = tpu.memref_squeeze %dma_start3A_45 : memref<1x16x64xf32, #tpu.memory_space<hbm>> -> memref<16x64xf32, #tpu.memory_space<hbm>>
        %dma_start3A_47 = arith.constant 9984 : i32
        %dma_start3A_48 = arith.constant 0 : i32
        %dma_start3A_49 = tpu.memref_slice %arg21[%dma_start3A_47, %dma_start3A_48] : memref<10000x64xf32, #tpu.memory_space<vmem_shared>> -> memref<16x64xf32, #tpu.memory_space<vmem_shared>>
        tpu.enqueue_dma source(%dma_start3A_49 : memref<16x64xf32, #tpu.memory_space<vmem_shared>>) target(%dma_start3A_46 : memref<16x64xf32, #tpu.memory_space<hbm>>) target_semaphore(%run_scoped3A : memref<!tpu.dma_semaphore, #tpu.memory_space<semaphore_mem>>)
        %dma_wait3A = arith.constant 9984 : i32
        %dma_wait3A_50 = arith.constant 0 : i32
        %dma_wait3A_51 = tpu.memref_slice %arg6[%arg0, %dma_wait3A, %dma_wait3A_50] : memref<2x10000x64xf32, #tpu.memory_space<hbm>> -> memref<1x16x64xf32, #tpu.memory_space<hbm>>
        %dma_wait3A_52 = tpu.memref_squeeze %dma_wait3A_51 : memref<1x16x64xf32, #tpu.memory_space<hbm>> -> memref<16x64xf32, #tpu.memory_space<hbm>>
        %dma_wait3A_53 = arith.constant 9984 : i32
        %dma_wait3A_54 = arith.constant 0 : i32
        %dma_wait3A_55 = tpu.memref_slice %arg21[%dma_wait3A_53, %dma_wait3A_54] : memref<10000x64xf32, #tpu.memory_space<vmem_shared>> -> memref<16x64xf32, #tpu.memory_space<vmem_shared>>
        tpu.wait_dma2 semaphore(%run_scoped3A : memref<!tpu.dma_semaphore, #tpu.memory_space<semaphore_mem>>) src(%dma_wait3A_55 : memref<16x64xf32, #tpu.memory_space<vmem_shared>>) dst(%dma_wait3A_52 : memref<16x64xf32, #tpu.memory_space<hbm>>)
        tpu.yield
      }) : () -> ()
    } else {
    }
    return
  }
}

#map = affine_map<(d0, d1) -> (0, 0, 0)>
#map1 = affine_map<(d0, d1) -> (0, 0)>
module attributes {stable_mosaic.version = 14 : i64} {
  func.func @_sc_deg(%arg0: i32, %arg1: i32, %arg2: memref<32x80x125xi32, #tpu.memory_space<hbm>>, %arg3: memref<10000x8xf32, #tpu.memory_space<hbm>>, %arg4: memref<125x8xf32, #tpu.memory_space<hbm>>, %arg5: memref<2x10000x8xf32, #tpu.memory_space<hbm>>, %arg6: memref<80x125xi32, #tpu.memory_space<vmem>>, %arg7: memref<125x8xf32, #tpu.memory_space<vmem>>, %arg8: memref<10000x8xf32, #tpu.memory_space<vmem_shared>>) attributes {dimension_semantics = [#tpu.dimension_semantics<core_parallel>, #tpu.dimension_semantics<subcore_parallel>], iteration_bounds = array<i64: 2, 16>, scalar_prefetch = 0 : i64, scratch_operands = 3 : i64, tpu.core_type = #tpu.core_type<sc_vector_subcore>, window_params = [{transform_indices = #map}, {transform_indices = #map1}, {transform_indices = #map1}, {transform_indices = #map}]} {
    %mul3A = arith.constant 16 : i32
    %mul3A_0 = arith.muli %arg0, %mul3A : i32
    %add3A = arith.addi %mul3A_0, %arg1 : i32
    "tpu.region"() ({
      %run_scoped3A = tpu.sem_alloc : memref<!tpu.dma_semaphore, #tpu.memory_space<semaphore_mem>>
      %dma_start3A = arith.constant 0 : i32
      %dma_start3A_18 = arith.constant 0 : i32
      %dma_start3A_19 = tpu.memref_slice %arg2[%add3A, %dma_start3A, %dma_start3A_18] : memref<32x80x125xi32, #tpu.memory_space<hbm>> -> memref<1x80x125xi32, #tpu.memory_space<hbm>>
      %dma_start3A_20 = tpu.memref_squeeze %dma_start3A_19 : memref<1x80x125xi32, #tpu.memory_space<hbm>> -> memref<80x125xi32, #tpu.memory_space<hbm>>
      %dma_start3A_21 = arith.constant 0 : i32
      %dma_start3A_22 = arith.constant 0 : i32
      %dma_start3A_23 = tpu.memref_slice %arg2[%add3A, %dma_start3A_21, %dma_start3A_22] : memref<32x80x125xi32, #tpu.memory_space<hbm>> -> memref<1x80x125xi32, #tpu.memory_space<hbm>>
      %dma_start3A_24 = tpu.memref_squeeze %dma_start3A_23 : memref<1x80x125xi32, #tpu.memory_space<hbm>> -> memref<80x125xi32, #tpu.memory_space<hbm>>
      tpu.enqueue_dma source(%dma_start3A_24 : memref<80x125xi32, #tpu.memory_space<hbm>>) target(%arg6 : memref<80x125xi32, #tpu.memory_space<vmem>>) target_semaphore(%run_scoped3A : memref<!tpu.dma_semaphore, #tpu.memory_space<semaphore_mem>>)
      %dma_wait3A = arith.constant 0 : i32
      %dma_wait3A_25 = arith.constant 0 : i32
      %dma_wait3A_26 = tpu.memref_slice %arg2[%add3A, %dma_wait3A, %dma_wait3A_25] : memref<32x80x125xi32, #tpu.memory_space<hbm>> -> memref<1x80x125xi32, #tpu.memory_space<hbm>>
      %dma_wait3A_27 = tpu.memref_squeeze %dma_wait3A_26 : memref<1x80x125xi32, #tpu.memory_space<hbm>> -> memref<80x125xi32, #tpu.memory_space<hbm>>
      %dma_wait3A_28 = arith.constant 0 : i32
      %dma_wait3A_29 = arith.constant 0 : i32
      %dma_wait3A_30 = tpu.memref_slice %arg2[%add3A, %dma_wait3A_28, %dma_wait3A_29] : memref<32x80x125xi32, #tpu.memory_space<hbm>> -> memref<1x80x125xi32, #tpu.memory_space<hbm>>
      %dma_wait3A_31 = tpu.memref_squeeze %dma_wait3A_30 : memref<1x80x125xi32, #tpu.memory_space<hbm>> -> memref<80x125xi32, #tpu.memory_space<hbm>>
      tpu.wait_dma2 semaphore(%run_scoped3A : memref<!tpu.dma_semaphore, #tpu.memory_space<semaphore_mem>>) src(%dma_wait3A_31 : memref<80x125xi32, #tpu.memory_space<hbm>>) dst(%arg6 : memref<80x125xi32, #tpu.memory_space<vmem>>)
      tpu.yield
    }) : () -> ()
    "tpu.region"() ({
      %run_scoped3A = tpu.sem_alloc : memref<!tpu.dma_semaphore, #tpu.memory_space<semaphore_mem>>
      tpu.enqueue_dma source(%arg4 : memref<125x8xf32, #tpu.memory_space<hbm>>) target(%arg7 : memref<125x8xf32, #tpu.memory_space<vmem>>) target_semaphore(%run_scoped3A : memref<!tpu.dma_semaphore, #tpu.memory_space<semaphore_mem>>)
      tpu.wait_dma2 semaphore(%run_scoped3A : memref<!tpu.dma_semaphore, #tpu.memory_space<semaphore_mem>>) src(%arg4 : memref<125x8xf32, #tpu.memory_space<hbm>>) dst(%arg7 : memref<125x8xf32, #tpu.memory_space<vmem>>)
      tpu.yield
    }) : () -> ()
    %eq3A = arith.constant 0 : i32
    %eq3A_1 = arith.cmpi eq, %arg1, %eq3A : i32
    %convert_element_type3A = arith.extui %eq3A_1 : i1 to i32
    %cond3A = arith.constant 0 : i32
    %cond3A_2 = arith.cmpi ne, %convert_element_type3A, %cond3A : i32
    scf.if %cond3A_2 {
      "tpu.region"() ({
        %run_scoped3A = tpu.sem_alloc : memref<!tpu.dma_semaphore, #tpu.memory_space<semaphore_mem>>
        tpu.enqueue_dma source(%arg3 : memref<10000x8xf32, #tpu.memory_space<hbm>>) target(%arg8 : memref<10000x8xf32, #tpu.memory_space<vmem_shared>>) target_semaphore(%run_scoped3A : memref<!tpu.dma_semaphore, #tpu.memory_space<semaphore_mem>>)
        tpu.wait_dma2 semaphore(%run_scoped3A : memref<!tpu.dma_semaphore, #tpu.memory_space<semaphore_mem>>) src(%arg3 : memref<10000x8xf32, #tpu.memory_space<hbm>>) dst(%arg8 : memref<10000x8xf32, #tpu.memory_space<vmem_shared>>)
        tpu.yield
      }) : () -> ()
    } else {
    }
    %barrier3A = arith.constant 0 : index
    tpu.barrier barrier_id(%barrier3A)
    %scan3A = arith.constant 0 : i32
    %scan3A_3 = arith.constant 0 : i32
    %scan3A_4 = arith.constant 80 : i32
    %scan3A_5 = arith.addi %scan3A_3, %scan3A_4 : i32
    %scan3A_6 = arith.constant 1 : i32
    scf.for %scan3A_18 = %scan3A_3 to %scan3A_5 step %scan3A_6  : i32 {
      "tpu.region"() ({
        %run_scoped3A = tpu.sem_alloc : memref<!tpu.dma_semaphore, #tpu.memory_space<semaphore_mem>>
        %dma_start3A = arith.constant 0 : i32
        %dma_start3A_19 = tpu.memref_slice %arg6[%scan3A_18, %dma_start3A] : memref<80x125xi32, #tpu.memory_space<vmem>> -> memref<1x125xi32, #tpu.memory_space<vmem>>
        %dma_start3A_20 = tpu.memref_squeeze %dma_start3A_19 : memref<1x125xi32, #tpu.memory_space<vmem>> -> memref<125xi32, #tpu.memory_space<vmem>>
        %dma_start3A_21 = arith.constant 0 : i32
        %dma_start3A_22 = arith.constant 0 : i32
        %dma_start3A_23 = tpu.memref_slice %arg8[%dma_start3A_21, %dma_start3A_22] : memref<10000x8xf32, #tpu.memory_space<vmem_shared>> -> memref<10000x8xf32, #tpu.memory_space<vmem_shared>>
        tpu.enqueue_indirect_dma source(%arg7 : memref<125x8xf32, #tpu.memory_space<vmem>>) target(%dma_start3A_23 : memref<10000x8xf32, #tpu.memory_space<vmem_shared>>) offsets(%dma_start3A_20 : memref<125xi32, #tpu.memory_space<vmem>>) semaphore(%run_scoped3A : memref<!tpu.dma_semaphore, #tpu.memory_space<semaphore_mem>>) {add = true}
        %dma_wait3A = arith.constant 0 : i32
        %dma_wait3A_24 = tpu.memref_slice %arg6[%scan3A_18, %dma_wait3A] : memref<80x125xi32, #tpu.memory_space<vmem>> -> memref<1x125xi32, #tpu.memory_space<vmem>>
        %dma_wait3A_25 = tpu.memref_squeeze %dma_wait3A_24 : memref<1x125xi32, #tpu.memory_space<vmem>> -> memref<125xi32, #tpu.memory_space<vmem>>
        %dma_wait3A_26 = arith.constant 0 : i32
        %dma_wait3A_27 = arith.constant 0 : i32
        %dma_wait3A_28 = tpu.memref_slice %arg8[%dma_wait3A_26, %dma_wait3A_27] : memref<10000x8xf32, #tpu.memory_space<vmem_shared>> -> memref<10000x8xf32, #tpu.memory_space<vmem_shared>>
        tpu.wait_indirect_dma semaphore(%run_scoped3A : memref<!tpu.dma_semaphore, #tpu.memory_space<semaphore_mem>>) src(%arg7 : memref<125x8xf32, #tpu.memory_space<vmem>>) dst(%dma_wait3A_28 : memref<10000x8xf32, #tpu.memory_space<vmem_shared>>)
        tpu.yield
      }) : () -> ()
    }
    %scan3A_7 = arith.constant 80 : i32
    %barrier3A_8 = arith.constant 0 : index
    tpu.barrier barrier_id(%barrier3A_8)
    %mul3A_9 = arith.constant 624 : i32
    %mul3A_10 = arith.muli %arg1, %mul3A_9 : i32
    %mul3A_11 = arith.constant 624 : i32
    %mul3A_12 = arith.muli %arg1, %mul3A_11 : i32
    "tpu.region"() ({
      %run_scoped3A = tpu.sem_alloc : memref<!tpu.dma_semaphore, #tpu.memory_space<semaphore_mem>>
      %dma_start3A = arith.constant 0 : i32
      %dma_start3A_18 = tpu.memref_slice %arg5[%arg0, %mul3A_12, %dma_start3A] : memref<2x10000x8xf32, #tpu.memory_space<hbm>> -> memref<1x624x8xf32, #tpu.memory_space<hbm>>
      %dma_start3A_19 = tpu.memref_squeeze %dma_start3A_18 : memref<1x624x8xf32, #tpu.memory_space<hbm>> -> memref<624x8xf32, #tpu.memory_space<hbm>>
      %dma_start3A_20 = arith.constant 0 : i32
      %dma_start3A_21 = tpu.memref_slice %arg8[%mul3A_10, %dma_start3A_20] : memref<10000x8xf32, #tpu.memory_space<vmem_shared>> -> memref<624x8xf32, #tpu.memory_space<vmem_shared>>
      tpu.enqueue_dma source(%dma_start3A_21 : memref<624x8xf32, #tpu.memory_space<vmem_shared>>) target(%dma_start3A_19 : memref<624x8xf32, #tpu.memory_space<hbm>>) target_semaphore(%run_scoped3A : memref<!tpu.dma_semaphore, #tpu.memory_space<semaphore_mem>>)
      %dma_wait3A = arith.constant 0 : i32
      %dma_wait3A_22 = tpu.memref_slice %arg5[%arg0, %mul3A_12, %dma_wait3A] : memref<2x10000x8xf32, #tpu.memory_space<hbm>> -> memref<1x624x8xf32, #tpu.memory_space<hbm>>
      %dma_wait3A_23 = tpu.memref_squeeze %dma_wait3A_22 : memref<1x624x8xf32, #tpu.memory_space<hbm>> -> memref<624x8xf32, #tpu.memory_space<hbm>>
      %dma_wait3A_24 = arith.constant 0 : i32
      %dma_wait3A_25 = tpu.memref_slice %arg8[%mul3A_10, %dma_wait3A_24] : memref<10000x8xf32, #tpu.memory_space<vmem_shared>> -> memref<624x8xf32, #tpu.memory_space<vmem_shared>>
      tpu.wait_dma2 semaphore(%run_scoped3A : memref<!tpu.dma_semaphore, #tpu.memory_space<semaphore_mem>>) src(%dma_wait3A_25 : memref<624x8xf32, #tpu.memory_space<vmem_shared>>) dst(%dma_wait3A_23 : memref<624x8xf32, #tpu.memory_space<hbm>>)
      tpu.yield
    }) : () -> ()
    %eq3A_13 = arith.constant 0 : i32
    %eq3A_14 = arith.cmpi eq, %arg1, %eq3A_13 : i32
    %convert_element_type3A_15 = arith.extui %eq3A_14 : i1 to i32
    %cond3A_16 = arith.constant 0 : i32
    %cond3A_17 = arith.cmpi ne, %convert_element_type3A_15, %cond3A_16 : i32
    scf.if %cond3A_17 {
      "tpu.region"() ({
        %run_scoped3A = tpu.sem_alloc : memref<!tpu.dma_semaphore, #tpu.memory_space<semaphore_mem>>
        %dma_start3A = arith.constant 9984 : i32
        %dma_start3A_18 = arith.constant 0 : i32
        %dma_start3A_19 = tpu.memref_slice %arg5[%arg0, %dma_start3A, %dma_start3A_18] : memref<2x10000x8xf32, #tpu.memory_space<hbm>> -> memref<1x16x8xf32, #tpu.memory_space<hbm>>
        %dma_start3A_20 = tpu.memref_squeeze %dma_start3A_19 : memref<1x16x8xf32, #tpu.memory_space<hbm>> -> memref<16x8xf32, #tpu.memory_space<hbm>>
        %dma_start3A_21 = arith.constant 9984 : i32
        %dma_start3A_22 = arith.constant 0 : i32
        %dma_start3A_23 = tpu.memref_slice %arg8[%dma_start3A_21, %dma_start3A_22] : memref<10000x8xf32, #tpu.memory_space<vmem_shared>> -> memref<16x8xf32, #tpu.memory_space<vmem_shared>>
        tpu.enqueue_dma source(%dma_start3A_23 : memref<16x8xf32, #tpu.memory_space<vmem_shared>>) target(%dma_start3A_20 : memref<16x8xf32, #tpu.memory_space<hbm>>) target_semaphore(%run_scoped3A : memref<!tpu.dma_semaphore, #tpu.memory_space<semaphore_mem>>)
        %dma_wait3A = arith.constant 9984 : i32
        %dma_wait3A_24 = arith.constant 0 : i32
        %dma_wait3A_25 = tpu.memref_slice %arg5[%arg0, %dma_wait3A, %dma_wait3A_24] : memref<2x10000x8xf32, #tpu.memory_space<hbm>> -> memref<1x16x8xf32, #tpu.memory_space<hbm>>
        %dma_wait3A_26 = tpu.memref_squeeze %dma_wait3A_25 : memref<1x16x8xf32, #tpu.memory_space<hbm>> -> memref<16x8xf32, #tpu.memory_space<hbm>>
        %dma_wait3A_27 = arith.constant 9984 : i32
        %dma_wait3A_28 = arith.constant 0 : i32
        %dma_wait3A_29 = tpu.memref_slice %arg8[%dma_wait3A_27, %dma_wait3A_28] : memref<10000x8xf32, #tpu.memory_space<vmem_shared>> -> memref<16x8xf32, #tpu.memory_space<vmem_shared>>
        tpu.wait_dma2 semaphore(%run_scoped3A : memref<!tpu.dma_semaphore, #tpu.memory_space<semaphore_mem>>) src(%dma_wait3A_29 : memref<16x8xf32, #tpu.memory_space<vmem_shared>>) dst(%dma_wait3A_26 : memref<16x8xf32, #tpu.memory_space<hbm>>)
        tpu.yield
      }) : () -> ()
    } else {
    }
    return
  }
}

#map = affine_map<(d0, d1) -> (0, 0)>
#map1 = affine_map<(d0, d1) -> (0, 0, 0, 0)>
#map2 = affine_map<(d0, d1) -> (0, 0, 0)>
module attributes {stable_mosaic.version = 14 : i64} {
  func.func @_sc_scatter(%arg0: i32, %arg1: i32, %arg2: memref<20000x64xf32, #tpu.memory_space<hbm>>, %arg3: memref<2x16x160x125xi32, #tpu.memory_space<hbm>>, %arg4: memref<16x160x125xi32, #tpu.memory_space<hbm>>, %arg5: memref<10000x64xf32, #tpu.memory_space<hbm>>, %arg6: memref<2x10000x64xf32, #tpu.memory_space<hbm>>, %arg7: memref<160x125xi32, #tpu.memory_space<vmem>>, %arg8: memref<160x125xi32, #tpu.memory_space<vmem>>, %arg9: memref<125x64xf32, #tpu.memory_space<vmem>>, %arg10: memref<125x64xf32, #tpu.memory_space<vmem>>, %arg11: memref<125x64xf32, #tpu.memory_space<vmem>>, %arg12: memref<125x64xf32, #tpu.memory_space<vmem>>, %arg13: memref<!tpu.dma_semaphore, #tpu.memory_space<semaphore_mem>>, %arg14: memref<!tpu.dma_semaphore, #tpu.memory_space<semaphore_mem>>, %arg15: memref<!tpu.dma_semaphore, #tpu.memory_space<semaphore_mem>>, %arg16: memref<!tpu.dma_semaphore, #tpu.memory_space<semaphore_mem>>, %arg17: memref<!tpu.dma_semaphore, #tpu.memory_space<semaphore_mem>>, %arg18: memref<!tpu.dma_semaphore, #tpu.memory_space<semaphore_mem>>, %arg19: memref<!tpu.dma_semaphore, #tpu.memory_space<semaphore_mem>>, %arg20: memref<!tpu.dma_semaphore, #tpu.memory_space<semaphore_mem>>, %arg21: memref<10000x64xf32, #tpu.memory_space<vmem_shared>>) attributes {dimension_semantics = [#tpu.dimension_semantics<core_parallel>, #tpu.dimension_semantics<subcore_parallel>], iteration_bounds = array<i64: 2, 16>, scalar_prefetch = 0 : i64, scratch_operands = 15 : i64, tpu.core_type = #tpu.core_type<sc_vector_subcore>, window_params = [{transform_indices = #map}, {transform_indices = #map1}, {transform_indices = #map2}, {transform_indices = #map}, {transform_indices = #map2}]} {
    "tpu.region"() ({
      %run_scoped3A = tpu.sem_alloc : memref<!tpu.dma_semaphore, #tpu.memory_space<semaphore_mem>>
      %dma_start3A_43 = arith.constant 0 : i32
      %dma_start3A_44 = arith.constant 0 : i32
      %dma_start3A_45 = tpu.memref_slice %arg3[%arg0, %arg1, %dma_start3A_43, %dma_start3A_44] : memref<2x16x160x125xi32, #tpu.memory_space<hbm>> -> memref<1x1x160x125xi32, #tpu.memory_space<hbm>>
      %dma_start3A_46 = tpu.memref_squeeze %dma_start3A_45 : memref<1x1x160x125xi32, #tpu.memory_space<hbm>> -> memref<160x125xi32, #tpu.memory_space<hbm>>
      %dma_start3A_47 = arith.constant 0 : i32
      %dma_start3A_48 = arith.constant 0 : i32
      %dma_start3A_49 = tpu.memref_slice %arg3[%arg0, %arg1, %dma_start3A_47, %dma_start3A_48] : memref<2x16x160x125xi32, #tpu.memory_space<hbm>> -> memref<1x1x160x125xi32, #tpu.memory_space<hbm>>
      %dma_start3A_50 = tpu.memref_squeeze %dma_start3A_49 : memref<1x1x160x125xi32, #tpu.memory_space<hbm>> -> memref<160x125xi32, #tpu.memory_space<hbm>>
      tpu.enqueue_dma source(%dma_start3A_50 : memref<160x125xi32, #tpu.memory_space<hbm>>) target(%arg7 : memref<160x125xi32, #tpu.memory_space<vmem>>) target_semaphore(%run_scoped3A : memref<!tpu.dma_semaphore, #tpu.memory_space<semaphore_mem>>)
      %dma_wait3A = arith.constant 0 : i32
      %dma_wait3A_51 = arith.constant 0 : i32
      %dma_wait3A_52 = tpu.memref_slice %arg3[%arg0, %arg1, %dma_wait3A, %dma_wait3A_51] : memref<2x16x160x125xi32, #tpu.memory_space<hbm>> -> memref<1x1x160x125xi32, #tpu.memory_space<hbm>>
      %dma_wait3A_53 = tpu.memref_squeeze %dma_wait3A_52 : memref<1x1x160x125xi32, #tpu.memory_space<hbm>> -> memref<160x125xi32, #tpu.memory_space<hbm>>
      %dma_wait3A_54 = arith.constant 0 : i32
      %dma_wait3A_55 = arith.constant 0 : i32
      %dma_wait3A_56 = tpu.memref_slice %arg3[%arg0, %arg1, %dma_wait3A_54, %dma_wait3A_55] : memref<2x16x160x125xi32, #tpu.memory_space<hbm>> -> memref<1x1x160x125xi32, #tpu.memory_space<hbm>>
      %dma_wait3A_57 = tpu.memref_squeeze %dma_wait3A_56 : memref<1x1x160x125xi32, #tpu.memory_space<hbm>> -> memref<160x125xi32, #tpu.memory_space<hbm>>
      tpu.wait_dma2 semaphore(%run_scoped3A : memref<!tpu.dma_semaphore, #tpu.memory_space<semaphore_mem>>) src(%dma_wait3A_57 : memref<160x125xi32, #tpu.memory_space<hbm>>) dst(%arg7 : memref<160x125xi32, #tpu.memory_space<vmem>>)
      tpu.yield
    }) : () -> ()
    "tpu.region"() ({
      %run_scoped3A = tpu.sem_alloc : memref<!tpu.dma_semaphore, #tpu.memory_space<semaphore_mem>>
      %dma_start3A_43 = arith.constant 0 : i32
      %dma_start3A_44 = arith.constant 0 : i32
      %dma_start3A_45 = tpu.memref_slice %arg4[%arg1, %dma_start3A_43, %dma_start3A_44] : memref<16x160x125xi32, #tpu.memory_space<hbm>> -> memref<1x160x125xi32, #tpu.memory_space<hbm>>
      %dma_start3A_46 = tpu.memref_squeeze %dma_start3A_45 : memref<1x160x125xi32, #tpu.memory_space<hbm>> -> memref<160x125xi32, #tpu.memory_space<hbm>>
      %dma_start3A_47 = arith.constant 0 : i32
      %dma_start3A_48 = arith.constant 0 : i32
      %dma_start3A_49 = tpu.memref_slice %arg4[%arg1, %dma_start3A_47, %dma_start3A_48] : memref<16x160x125xi32, #tpu.memory_space<hbm>> -> memref<1x160x125xi32, #tpu.memory_space<hbm>>
      %dma_start3A_50 = tpu.memref_squeeze %dma_start3A_49 : memref<1x160x125xi32, #tpu.memory_space<hbm>> -> memref<160x125xi32, #tpu.memory_space<hbm>>
      tpu.enqueue_dma source(%dma_start3A_50 : memref<160x125xi32, #tpu.memory_space<hbm>>) target(%arg8 : memref<160x125xi32, #tpu.memory_space<vmem>>) target_semaphore(%run_scoped3A : memref<!tpu.dma_semaphore, #tpu.memory_space<semaphore_mem>>)
      %dma_wait3A = arith.constant 0 : i32
      %dma_wait3A_51 = arith.constant 0 : i32
      %dma_wait3A_52 = tpu.memref_slice %arg4[%arg1, %dma_wait3A, %dma_wait3A_51] : memref<16x160x125xi32, #tpu.memory_space<hbm>> -> memref<1x160x125xi32, #tpu.memory_space<hbm>>
      %dma_wait3A_53 = tpu.memref_squeeze %dma_wait3A_52 : memref<1x160x125xi32, #tpu.memory_space<hbm>> -> memref<160x125xi32, #tpu.memory_space<hbm>>
      %dma_wait3A_54 = arith.constant 0 : i32
      %dma_wait3A_55 = arith.constant 0 : i32
      %dma_wait3A_56 = tpu.memref_slice %arg4[%arg1, %dma_wait3A_54, %dma_wait3A_55] : memref<16x160x125xi32, #tpu.memory_space<hbm>> -> memref<1x160x125xi32, #tpu.memory_space<hbm>>
      %dma_wait3A_57 = tpu.memref_squeeze %dma_wait3A_56 : memref<1x160x125xi32, #tpu.memory_space<hbm>> -> memref<160x125xi32, #tpu.memory_space<hbm>>
      tpu.wait_dma2 semaphore(%run_scoped3A : memref<!tpu.dma_semaphore, #tpu.memory_space<semaphore_mem>>) src(%dma_wait3A_57 : memref<160x125xi32, #tpu.memory_space<hbm>>) dst(%arg8 : memref<160x125xi32, #tpu.memory_space<vmem>>)
      tpu.yield
    }) : () -> ()
    %eq3A = arith.constant 0 : i32
    %eq3A_0 = arith.cmpi eq, %arg1, %eq3A : i32
    %convert_element_type3A = arith.extui %eq3A_0 : i1 to i32
    %cond3A = arith.constant 0 : i32
    %cond3A_1 = arith.cmpi ne, %convert_element_type3A, %cond3A : i32
    scf.if %cond3A_1 {
      "tpu.region"() ({
        %run_scoped3A = tpu.sem_alloc : memref<!tpu.dma_semaphore, #tpu.memory_space<semaphore_mem>>
        tpu.enqueue_dma source(%arg5 : memref<10000x64xf32, #tpu.memory_space<hbm>>) target(%arg21 : memref<10000x64xf32, #tpu.memory_space<vmem_shared>>) target_semaphore(%run_scoped3A : memref<!tpu.dma_semaphore, #tpu.memory_space<semaphore_mem>>)
        tpu.wait_dma2 semaphore(%run_scoped3A : memref<!tpu.dma_semaphore, #tpu.memory_space<semaphore_mem>>) src(%arg5 : memref<10000x64xf32, #tpu.memory_space<hbm>>) dst(%arg21 : memref<10000x64xf32, #tpu.memory_space<vmem_shared>>)
        tpu.yield
      }) : () -> ()
    } else {
    }
    %barrier3A = arith.constant 0 : index
    tpu.barrier barrier_id(%barrier3A)
    %dma_start3A = arith.constant 0 : i32
    %dma_start3A_2 = arith.constant 0 : i32
    %dma_start3A_3 = tpu.memref_slice %arg7[%dma_start3A, %dma_start3A_2] : memref<160x125xi32, #tpu.memory_space<vmem>> -> memref<1x125xi32, #tpu.memory_space<vmem>>
    %dma_start3A_4 = tpu.memref_squeeze %dma_start3A_3 : memref<1x125xi32, #tpu.memory_space<vmem>> -> memref<125xi32, #tpu.memory_space<vmem>>
    %dma_start3A_5 = arith.constant 0 : i32
    %dma_start3A_6 = arith.constant 0 : i32
    %dma_start3A_7 = tpu.memref_slice %arg2[%dma_start3A_5, %dma_start3A_6] : memref<20000x64xf32, #tpu.memory_space<hbm>> -> memref<20000x64xf32, #tpu.memory_space<hbm>>
    tpu.enqueue_indirect_dma source(%dma_start3A_7 : memref<20000x64xf32, #tpu.memory_space<hbm>>) target(%arg9 : memref<125x64xf32, #tpu.memory_space<vmem>>) offsets(%dma_start3A_4 : memref<125xi32, #tpu.memory_space<vmem>>) semaphore(%arg13 : memref<!tpu.dma_semaphore, #tpu.memory_space<semaphore_mem>>)
    %dma_start3A_8 = arith.constant 1 : i32
    %dma_start3A_9 = arith.constant 0 : i32
    %dma_start3A_10 = tpu.memref_slice %arg7[%dma_start3A_8, %dma_start3A_9] : memref<160x125xi32, #tpu.memory_space<vmem>> -> memref<1x125xi32, #tpu.memory_space<vmem>>
    %dma_start3A_11 = tpu.memref_squeeze %dma_start3A_10 : memref<1x125xi32, #tpu.memory_space<vmem>> -> memref<125xi32, #tpu.memory_space<vmem>>
    %dma_start3A_12 = arith.constant 0 : i32
    %dma_start3A_13 = arith.constant 0 : i32
    %dma_start3A_14 = tpu.memref_slice %arg2[%dma_start3A_12, %dma_start3A_13] : memref<20000x64xf32, #tpu.memory_space<hbm>> -> memref<20000x64xf32, #tpu.memory_space<hbm>>
    tpu.enqueue_indirect_dma source(%dma_start3A_14 : memref<20000x64xf32, #tpu.memory_space<hbm>>) target(%arg10 : memref<125x64xf32, #tpu.memory_space<vmem>>) offsets(%dma_start3A_11 : memref<125xi32, #tpu.memory_space<vmem>>) semaphore(%arg14 : memref<!tpu.dma_semaphore, #tpu.memory_space<semaphore_mem>>)
    %dma_start3A_15 = arith.constant 2 : i32
    %dma_start3A_16 = arith.constant 0 : i32
    %dma_start3A_17 = tpu.memref_slice %arg7[%dma_start3A_15, %dma_start3A_16] : memref<160x125xi32, #tpu.memory_space<vmem>> -> memref<1x125xi32, #tpu.memory_space<vmem>>
    %dma_start3A_18 = tpu.memref_squeeze %dma_start3A_17 : memref<1x125xi32, #tpu.memory_space<vmem>> -> memref<125xi32, #tpu.memory_space<vmem>>
    %dma_start3A_19 = arith.constant 0 : i32
    %dma_start3A_20 = arith.constant 0 : i32
    %dma_start3A_21 = tpu.memref_slice %arg2[%dma_start3A_19, %dma_start3A_20] : memref<20000x64xf32, #tpu.memory_space<hbm>> -> memref<20000x64xf32, #tpu.memory_space<hbm>>
    tpu.enqueue_indirect_dma source(%dma_start3A_21 : memref<20000x64xf32, #tpu.memory_space<hbm>>) target(%arg11 : memref<125x64xf32, #tpu.memory_space<vmem>>) offsets(%dma_start3A_18 : memref<125xi32, #tpu.memory_space<vmem>>) semaphore(%arg15 : memref<!tpu.dma_semaphore, #tpu.memory_space<semaphore_mem>>)
    %dma_start3A_22 = arith.constant 3 : i32
    %dma_start3A_23 = arith.constant 0 : i32
    %dma_start3A_24 = tpu.memref_slice %arg7[%dma_start3A_22, %dma_start3A_23] : memref<160x125xi32, #tpu.memory_space<vmem>> -> memref<1x125xi32, #tpu.memory_space<vmem>>
    %dma_start3A_25 = tpu.memref_squeeze %dma_start3A_24 : memref<1x125xi32, #tpu.memory_space<vmem>> -> memref<125xi32, #tpu.memory_space<vmem>>
    %dma_start3A_26 = arith.constant 0 : i32
    %dma_start3A_27 = arith.constant 0 : i32
    %dma_start3A_28 = tpu.memref_slice %arg2[%dma_start3A_26, %dma_start3A_27] : memref<20000x64xf32, #tpu.memory_space<hbm>> -> memref<20000x64xf32, #tpu.memory_space<hbm>>
    tpu.enqueue_indirect_dma source(%dma_start3A_28 : memref<20000x64xf32, #tpu.memory_space<hbm>>) target(%arg12 : memref<125x64xf32, #tpu.memory_space<vmem>>) offsets(%dma_start3A_25 : memref<125xi32, #tpu.memory_space<vmem>>) semaphore(%arg16 : memref<!tpu.dma_semaphore, #tpu.memory_space<semaphore_mem>>)
    %scan3A = arith.constant 0 : i32
    %scan3A_29 = arith.constant 0 : i32
    %scan3A_30 = arith.constant 40 : i32
    %scan3A_31 = arith.addi %scan3A_29, %scan3A_30 : i32
    %scan3A_32 = arith.constant 1 : i32
    scf.for %scan3A_43 = %scan3A_29 to %scan3A_31 step %scan3A_32  : i32 {
      %mul3A_44 = arith.constant 4 : i32
      %mul3A_45 = arith.muli %mul3A_44, %scan3A_43 : i32
      %add3A = arith.constant 0 : i32
      %add3A_46 = arith.addi %mul3A_45, %add3A : i32
      %dma_wait3A = arith.constant 0 : i32
      %dma_wait3A_47 = tpu.memref_slice %arg7[%add3A_46, %dma_wait3A] : memref<160x125xi32, #tpu.memory_space<vmem>> -> memref<1x125xi32, #tpu.memory_space<vmem>>
      %dma_wait3A_48 = tpu.memref_squeeze %dma_wait3A_47 : memref<1x125xi32, #tpu.memory_space<vmem>> -> memref<125xi32, #tpu.memory_space<vmem>>
      %dma_wait3A_49 = arith.constant 0 : i32
      %dma_wait3A_50 = arith.constant 0 : i32
      %dma_wait3A_51 = tpu.memref_slice %arg2[%dma_wait3A_49, %dma_wait3A_50] : memref<20000x64xf32, #tpu.memory_space<hbm>> -> memref<20000x64xf32, #tpu.memory_space<hbm>>
      tpu.wait_indirect_dma semaphore(%arg13 : memref<!tpu.dma_semaphore, #tpu.memory_space<semaphore_mem>>) src(%dma_wait3A_51 : memref<20000x64xf32, #tpu.memory_space<hbm>>) dst(%arg9 : memref<125x64xf32, #tpu.memory_space<vmem>>)
      %add3A_52 = arith.constant 0 : i32
      %add3A_53 = arith.addi %mul3A_45, %add3A_52 : i32
      %dma_start3A_54 = arith.constant 0 : i32
      %dma_start3A_55 = tpu.memref_slice %arg8[%add3A_53, %dma_start3A_54] : memref<160x125xi32, #tpu.memory_space<vmem>> -> memref<1x125xi32, #tpu.memory_space<vmem>>
      %dma_start3A_56 = tpu.memref_squeeze %dma_start3A_55 : memref<1x125xi32, #tpu.memory_space<vmem>> -> memref<125xi32, #tpu.memory_space<vmem>>
      %dma_start3A_57 = arith.constant 0 : i32
      %dma_start3A_58 = arith.constant 0 : i32
      %dma_start3A_59 = tpu.memref_slice %arg21[%dma_start3A_57, %dma_start3A_58] : memref<10000x64xf32, #tpu.memory_space<vmem_shared>> -> memref<10000x64xf32, #tpu.memory_space<vmem_shared>>
      tpu.enqueue_indirect_dma source(%arg9 : memref<125x64xf32, #tpu.memory_space<vmem>>) target(%dma_start3A_59 : memref<10000x64xf32, #tpu.memory_space<vmem_shared>>) offsets(%dma_start3A_56 : memref<125xi32, #tpu.memory_space<vmem>>) semaphore(%arg17 : memref<!tpu.dma_semaphore, #tpu.memory_space<semaphore_mem>>) {add = true}
      %add3A_60 = arith.constant 1 : i32
      %add3A_61 = arith.addi %mul3A_45, %add3A_60 : i32
      %dma_wait3A_62 = arith.constant 0 : i32
      %dma_wait3A_63 = tpu.memref_slice %arg7[%add3A_61, %dma_wait3A_62] : memref<160x125xi32, #tpu.memory_space<vmem>> -> memref<1x125xi32, #tpu.memory_space<vmem>>
      %dma_wait3A_64 = tpu.memref_squeeze %dma_wait3A_63 : memref<1x125xi32, #tpu.memory_space<vmem>> -> memref<125xi32, #tpu.memory_space<vmem>>
      %dma_wait3A_65 = arith.constant 0 : i32
      %dma_wait3A_66 = arith.constant 0 : i32
      %dma_wait3A_67 = tpu.memref_slice %arg2[%dma_wait3A_65, %dma_wait3A_66] : memref<20000x64xf32, #tpu.memory_space<hbm>> -> memref<20000x64xf32, #tpu.memory_space<hbm>>
      tpu.wait_indirect_dma semaphore(%arg14 : memref<!tpu.dma_semaphore, #tpu.memory_space<semaphore_mem>>) src(%dma_wait3A_67 : memref<20000x64xf32, #tpu.memory_space<hbm>>) dst(%arg10 : memref<125x64xf32, #tpu.memory_space<vmem>>)
      %add3A_68 = arith.constant 1 : i32
      %add3A_69 = arith.addi %mul3A_45, %add3A_68 : i32
      %dma_start3A_70 = arith.constant 0 : i32
      %dma_start3A_71 = tpu.memref_slice %arg8[%add3A_69, %dma_start3A_70] : memref<160x125xi32, #tpu.memory_space<vmem>> -> memref<1x125xi32, #tpu.memory_space<vmem>>
      %dma_start3A_72 = tpu.memref_squeeze %dma_start3A_71 : memref<1x125xi32, #tpu.memory_space<vmem>> -> memref<125xi32, #tpu.memory_space<vmem>>
      %dma_start3A_73 = arith.constant 0 : i32
      %dma_start3A_74 = arith.constant 0 : i32
      %dma_start3A_75 = tpu.memref_slice %arg21[%dma_start3A_73, %dma_start3A_74] : memref<10000x64xf32, #tpu.memory_space<vmem_shared>> -> memref<10000x64xf32, #tpu.memory_space<vmem_shared>>
      tpu.enqueue_indirect_dma source(%arg10 : memref<125x64xf32, #tpu.memory_space<vmem>>) target(%dma_start3A_75 : memref<10000x64xf32, #tpu.memory_space<vmem_shared>>) offsets(%dma_start3A_72 : memref<125xi32, #tpu.memory_space<vmem>>) semaphore(%arg18 : memref<!tpu.dma_semaphore, #tpu.memory_space<semaphore_mem>>) {add = true}
      %add3A_76 = arith.constant 2 : i32
      %add3A_77 = arith.addi %mul3A_45, %add3A_76 : i32
      %dma_wait3A_78 = arith.constant 0 : i32
      %dma_wait3A_79 = tpu.memref_slice %arg7[%add3A_77, %dma_wait3A_78] : memref<160x125xi32, #tpu.memory_space<vmem>> -> memref<1x125xi32, #tpu.memory_space<vmem>>
      %dma_wait3A_80 = tpu.memref_squeeze %dma_wait3A_79 : memref<1x125xi32, #tpu.memory_space<vmem>> -> memref<125xi32, #tpu.memory_space<vmem>>
      %dma_wait3A_81 = arith.constant 0 : i32
      %dma_wait3A_82 = arith.constant 0 : i32
      %dma_wait3A_83 = tpu.memref_slice %arg2[%dma_wait3A_81, %dma_wait3A_82] : memref<20000x64xf32, #tpu.memory_space<hbm>> -> memref<20000x64xf32, #tpu.memory_space<hbm>>
      tpu.wait_indirect_dma semaphore(%arg15 : memref<!tpu.dma_semaphore, #tpu.memory_space<semaphore_mem>>) src(%dma_wait3A_83 : memref<20000x64xf32, #tpu.memory_space<hbm>>) dst(%arg11 : memref<125x64xf32, #tpu.memory_space<vmem>>)
      %add3A_84 = arith.constant 2 : i32
      %add3A_85 = arith.addi %mul3A_45, %add3A_84 : i32
      %dma_start3A_86 = arith.constant 0 : i32
      %dma_start3A_87 = tpu.memref_slice %arg8[%add3A_85, %dma_start3A_86] : memref<160x125xi32, #tpu.memory_space<vmem>> -> memref<1x125xi32, #tpu.memory_space<vmem>>
      %dma_start3A_88 = tpu.memref_squeeze %dma_start3A_87 : memref<1x125xi32, #tpu.memory_space<vmem>> -> memref<125xi32, #tpu.memory_space<vmem>>
      %dma_start3A_89 = arith.constant 0 : i32
      %dma_start3A_90 = arith.constant 0 : i32
      %dma_start3A_91 = tpu.memref_slice %arg21[%dma_start3A_89, %dma_start3A_90] : memref<10000x64xf32, #tpu.memory_space<vmem_shared>> -> memref<10000x64xf32, #tpu.memory_space<vmem_shared>>
      tpu.enqueue_indirect_dma source(%arg11 : memref<125x64xf32, #tpu.memory_space<vmem>>) target(%dma_start3A_91 : memref<10000x64xf32, #tpu.memory_space<vmem_shared>>) offsets(%dma_start3A_88 : memref<125xi32, #tpu.memory_space<vmem>>) semaphore(%arg19 : memref<!tpu.dma_semaphore, #tpu.memory_space<semaphore_mem>>) {add = true}
      %add3A_92 = arith.constant 3 : i32
      %add3A_93 = arith.addi %mul3A_45, %add3A_92 : i32
      %dma_wait3A_94 = arith.constant 0 : i32
      %dma_wait3A_95 = tpu.memref_slice %arg7[%add3A_93, %dma_wait3A_94] : memref<160x125xi32, #tpu.memory_space<vmem>> -> memref<1x125xi32, #tpu.memory_space<vmem>>
      %dma_wait3A_96 = tpu.memref_squeeze %dma_wait3A_95 : memref<1x125xi32, #tpu.memory_space<vmem>> -> memref<125xi32, #tpu.memory_space<vmem>>
      %dma_wait3A_97 = arith.constant 0 : i32
      %dma_wait3A_98 = arith.constant 0 : i32
      %dma_wait3A_99 = tpu.memref_slice %arg2[%dma_wait3A_97, %dma_wait3A_98] : memref<20000x64xf32, #tpu.memory_space<hbm>> -> memref<20000x64xf32, #tpu.memory_space<hbm>>
      tpu.wait_indirect_dma semaphore(%arg16 : memref<!tpu.dma_semaphore, #tpu.memory_space<semaphore_mem>>) src(%dma_wait3A_99 : memref<20000x64xf32, #tpu.memory_space<hbm>>) dst(%arg12 : memref<125x64xf32, #tpu.memory_space<vmem>>)
      %add3A_100 = arith.constant 3 : i32
      %add3A_101 = arith.addi %mul3A_45, %add3A_100 : i32
      %dma_start3A_102 = arith.constant 0 : i32
      %dma_start3A_103 = tpu.memref_slice %arg8[%add3A_101, %dma_start3A_102] : memref<160x125xi32, #tpu.memory_space<vmem>> -> memref<1x125xi32, #tpu.memory_space<vmem>>
      %dma_start3A_104 = tpu.memref_squeeze %dma_start3A_103 : memref<1x125xi32, #tpu.memory_space<vmem>> -> memref<125xi32, #tpu.memory_space<vmem>>
      %dma_start3A_105 = arith.constant 0 : i32
      %dma_start3A_106 = arith.constant 0 : i32
      %dma_start3A_107 = tpu.memref_slice %arg21[%dma_start3A_105, %dma_start3A_106] : memref<10000x64xf32, #tpu.memory_space<vmem_shared>> -> memref<10000x64xf32, #tpu.memory_space<vmem_shared>>
      tpu.enqueue_indirect_dma source(%arg12 : memref<125x64xf32, #tpu.memory_space<vmem>>) target(%dma_start3A_107 : memref<10000x64xf32, #tpu.memory_space<vmem_shared>>) offsets(%dma_start3A_104 : memref<125xi32, #tpu.memory_space<vmem>>) semaphore(%arg20 : memref<!tpu.dma_semaphore, #tpu.memory_space<semaphore_mem>>) {add = true}
      %add3A_108 = arith.constant 0 : i32
      %add3A_109 = arith.addi %mul3A_45, %add3A_108 : i32
      %dma_wait3A_110 = arith.constant 0 : i32
      %dma_wait3A_111 = tpu.memref_slice %arg8[%add3A_109, %dma_wait3A_110] : memref<160x125xi32, #tpu.memory_space<vmem>> -> memref<1x125xi32, #tpu.memory_space<vmem>>
      %dma_wait3A_112 = tpu.memref_squeeze %dma_wait3A_111 : memref<1x125xi32, #tpu.memory_space<vmem>> -> memref<125xi32, #tpu.memory_space<vmem>>
      %dma_wait3A_113 = arith.constant 0 : i32
      %dma_wait3A_114 = arith.constant 0 : i32
      %dma_wait3A_115 = tpu.memref_slice %arg21[%dma_wait3A_113, %dma_wait3A_114] : memref<10000x64xf32, #tpu.memory_space<vmem_shared>> -> memref<10000x64xf32, #tpu.memory_space<vmem_shared>>
      tpu.wait_indirect_dma semaphore(%arg17 : memref<!tpu.dma_semaphore, #tpu.memory_space<semaphore_mem>>) src(%arg9 : memref<125x64xf32, #tpu.memory_space<vmem>>) dst(%dma_wait3A_115 : memref<10000x64xf32, #tpu.memory_space<vmem_shared>>)
      %lt3A = arith.constant 39 : i32
      %lt3A_116 = arith.cmpi slt, %scan3A_43, %lt3A : i32
      %convert_element_type3A_117 = arith.extui %lt3A_116 : i1 to i32
      %cond3A_118 = arith.constant 0 : i32
      %cond3A_119 = arith.cmpi ne, %convert_element_type3A_117, %cond3A_118 : i32
      scf.if %cond3A_119 {
        %add3A_159 = arith.constant 4 : i32
        %add3A_160 = arith.addi %mul3A_45, %add3A_159 : i32
        %add3A_161 = arith.constant 0 : i32
        %add3A_162 = arith.addi %add3A_160, %add3A_161 : i32
        %dma_start3A_163 = arith.constant 0 : i32
        %dma_start3A_164 = tpu.memref_slice %arg7[%add3A_162, %dma_start3A_163] : memref<160x125xi32, #tpu.memory_space<vmem>> -> memref<1x125xi32, #tpu.memory_space<vmem>>
        %dma_start3A_165 = tpu.memref_squeeze %dma_start3A_164 : memref<1x125xi32, #tpu.memory_space<vmem>> -> memref<125xi32, #tpu.memory_space<vmem>>
        %dma_start3A_166 = arith.constant 0 : i32
        %dma_start3A_167 = arith.constant 0 : i32
        %dma_start3A_168 = tpu.memref_slice %arg2[%dma_start3A_166, %dma_start3A_167] : memref<20000x64xf32, #tpu.memory_space<hbm>> -> memref<20000x64xf32, #tpu.memory_space<hbm>>
        tpu.enqueue_indirect_dma source(%dma_start3A_168 : memref<20000x64xf32, #tpu.memory_space<hbm>>) target(%arg9 : memref<125x64xf32, #tpu.memory_space<vmem>>) offsets(%dma_start3A_165 : memref<125xi32, #tpu.memory_space<vmem>>) semaphore(%arg13 : memref<!tpu.dma_semaphore, #tpu.memory_space<semaphore_mem>>)
      } else {
      }
      %add3A_120 = arith.constant 1 : i32
      %add3A_121 = arith.addi %mul3A_45, %add3A_120 : i32
      %dma_wait3A_122 = arith.constant 0 : i32
      %dma_wait3A_123 = tpu.memref_slice %arg8[%add3A_121, %dma_wait3A_122] : memref<160x125xi32, #tpu.memory_space<vmem>> -> memref<1x125xi32, #tpu.memory_space<vmem>>
      %dma_wait3A_124 = tpu.memref_squeeze %dma_wait3A_123 : memref<1x125xi32, #tpu.memory_space<vmem>> -> memref<125xi32, #tpu.memory_space<vmem>>
      %dma_wait3A_125 = arith.constant 0 : i32
      %dma_wait3A_126 = arith.constant 0 : i32
      %dma_wait3A_127 = tpu.memref_slice %arg21[%dma_wait3A_125, %dma_wait3A_126] : memref<10000x64xf32, #tpu.memory_space<vmem_shared>> -> memref<10000x64xf32, #tpu.memory_space<vmem_shared>>
      tpu.wait_indirect_dma semaphore(%arg18 : memref<!tpu.dma_semaphore, #tpu.memory_space<semaphore_mem>>) src(%arg10 : memref<125x64xf32, #tpu.memory_space<vmem>>) dst(%dma_wait3A_127 : memref<10000x64xf32, #tpu.memory_space<vmem_shared>>)
      %lt3A_128 = arith.constant 39 : i32
      %lt3A_129 = arith.cmpi slt, %scan3A_43, %lt3A_128 : i32
      %convert_element_type3A_130 = arith.extui %lt3A_129 : i1 to i32
      %cond3A_131 = arith.constant 0 : i32
      %cond3A_132 = arith.cmpi ne, %convert_element_type3A_130, %cond3A_131 : i32
      scf.if %cond3A_132 {
        %add3A_159 = arith.constant 4 : i32
        %add3A_160 = arith.addi %mul3A_45, %add3A_159 : i32
        %add3A_161 = arith.constant 1 : i32
        %add3A_162 = arith.addi %add3A_160, %add3A_161 : i32
        %dma_start3A_163 = arith.constant 0 : i32
        %dma_start3A_164 = tpu.memref_slice %arg7[%add3A_162, %dma_start3A_163] : memref<160x125xi32, #tpu.memory_space<vmem>> -> memref<1x125xi32, #tpu.memory_space<vmem>>
        %dma_start3A_165 = tpu.memref_squeeze %dma_start3A_164 : memref<1x125xi32, #tpu.memory_space<vmem>> -> memref<125xi32, #tpu.memory_space<vmem>>
        %dma_start3A_166 = arith.constant 0 : i32
        %dma_start3A_167 = arith.constant 0 : i32
        %dma_start3A_168 = tpu.memref_slice %arg2[%dma_start3A_166, %dma_start3A_167] : memref<20000x64xf32, #tpu.memory_space<hbm>> -> memref<20000x64xf32, #tpu.memory_space<hbm>>
        tpu.enqueue_indirect_dma source(%dma_start3A_168 : memref<20000x64xf32, #tpu.memory_space<hbm>>) target(%arg10 : memref<125x64xf32, #tpu.memory_space<vmem>>) offsets(%dma_start3A_165 : memref<125xi32, #tpu.memory_space<vmem>>) semaphore(%arg14 : memref<!tpu.dma_semaphore, #tpu.memory_space<semaphore_mem>>)
      } else {
      }
      %add3A_133 = arith.constant 2 : i32
      %add3A_134 = arith.addi %mul3A_45, %add3A_133 : i32
      %dma_wait3A_135 = arith.constant 0 : i32
      %dma_wait3A_136 = tpu.memref_slice %arg8[%add3A_134, %dma_wait3A_135] : memref<160x125xi32, #tpu.memory_space<vmem>> -> memref<1x125xi32, #tpu.memory_space<vmem>>
      %dma_wait3A_137 = tpu.memref_squeeze %dma_wait3A_136 : memref<1x125xi32, #tpu.memory_space<vmem>> -> memref<125xi32, #tpu.memory_space<vmem>>
      %dma_wait3A_138 = arith.constant 0 : i32
      %dma_wait3A_139 = arith.constant 0 : i32
      %dma_wait3A_140 = tpu.memref_slice %arg21[%dma_wait3A_138, %dma_wait3A_139] : memref<10000x64xf32, #tpu.memory_space<vmem_shared>> -> memref<10000x64xf32, #tpu.memory_space<vmem_shared>>
      tpu.wait_indirect_dma semaphore(%arg19 : memref<!tpu.dma_semaphore, #tpu.memory_space<semaphore_mem>>) src(%arg11 : memref<125x64xf32, #tpu.memory_space<vmem>>) dst(%dma_wait3A_140 : memref<10000x64xf32, #tpu.memory_space<vmem_shared>>)
      %lt3A_141 = arith.constant 39 : i32
      %lt3A_142 = arith.cmpi slt, %scan3A_43, %lt3A_141 : i32
      %convert_element_type3A_143 = arith.extui %lt3A_142 : i1 to i32
      %cond3A_144 = arith.constant 0 : i32
      %cond3A_145 = arith.cmpi ne, %convert_element_type3A_143, %cond3A_144 : i32
      scf.if %cond3A_145 {
        %add3A_159 = arith.constant 4 : i32
        %add3A_160 = arith.addi %mul3A_45, %add3A_159 : i32
        %add3A_161 = arith.constant 2 : i32
        %add3A_162 = arith.addi %add3A_160, %add3A_161 : i32
        %dma_start3A_163 = arith.constant 0 : i32
        %dma_start3A_164 = tpu.memref_slice %arg7[%add3A_162, %dma_start3A_163] : memref<160x125xi32, #tpu.memory_space<vmem>> -> memref<1x125xi32, #tpu.memory_space<vmem>>
        %dma_start3A_165 = tpu.memref_squeeze %dma_start3A_164 : memref<1x125xi32, #tpu.memory_space<vmem>> -> memref<125xi32, #tpu.memory_space<vmem>>
        %dma_start3A_166 = arith.constant 0 : i32
        %dma_start3A_167 = arith.constant 0 : i32
        %dma_start3A_168 = tpu.memref_slice %arg2[%dma_start3A_166, %dma_start3A_167] : memref<20000x64xf32, #tpu.memory_space<hbm>> -> memref<20000x64xf32, #tpu.memory_space<hbm>>
        tpu.enqueue_indirect_dma source(%dma_start3A_168 : memref<20000x64xf32, #tpu.memory_space<hbm>>) target(%arg11 : memref<125x64xf32, #tpu.memory_space<vmem>>) offsets(%dma_start3A_165 : memref<125xi32, #tpu.memory_space<vmem>>) semaphore(%arg15 : memref<!tpu.dma_semaphore, #tpu.memory_space<semaphore_mem>>)
      } else {
      }
      %add3A_146 = arith.constant 3 : i32
      %add3A_147 = arith.addi %mul3A_45, %add3A_146 : i32
      %dma_wait3A_148 = arith.constant 0 : i32
      %dma_wait3A_149 = tpu.memref_slice %arg8[%add3A_147, %dma_wait3A_148] : memref<160x125xi32, #tpu.memory_space<vmem>> -> memref<1x125xi32, #tpu.memory_space<vmem>>
      %dma_wait3A_150 = tpu.memref_squeeze %dma_wait3A_149 : memref<1x125xi32, #tpu.memory_space<vmem>> -> memref<125xi32, #tpu.memory_space<vmem>>
      %dma_wait3A_151 = arith.constant 0 : i32
      %dma_wait3A_152 = arith.constant 0 : i32
      %dma_wait3A_153 = tpu.memref_slice %arg21[%dma_wait3A_151, %dma_wait3A_152] : memref<10000x64xf32, #tpu.memory_space<vmem_shared>> -> memref<10000x64xf32, #tpu.memory_space<vmem_shared>>
      tpu.wait_indirect_dma semaphore(%arg20 : memref<!tpu.dma_semaphore, #tpu.memory_space<semaphore_mem>>) src(%arg12 : memref<125x64xf32, #tpu.memory_space<vmem>>) dst(%dma_wait3A_153 : memref<10000x64xf32, #tpu.memory_space<vmem_shared>>)
      %lt3A_154 = arith.constant 39 : i32
      %lt3A_155 = arith.cmpi slt, %scan3A_43, %lt3A_154 : i32
      %convert_element_type3A_156 = arith.extui %lt3A_155 : i1 to i32
      %cond3A_157 = arith.constant 0 : i32
      %cond3A_158 = arith.cmpi ne, %convert_element_type3A_156, %cond3A_157 : i32
      scf.if %cond3A_158 {
        %add3A_159 = arith.constant 4 : i32
        %add3A_160 = arith.addi %mul3A_45, %add3A_159 : i32
        %add3A_161 = arith.constant 3 : i32
        %add3A_162 = arith.addi %add3A_160, %add3A_161 : i32
        %dma_start3A_163 = arith.constant 0 : i32
        %dma_start3A_164 = tpu.memref_slice %arg7[%add3A_162, %dma_start3A_163] : memref<160x125xi32, #tpu.memory_space<vmem>> -> memref<1x125xi32, #tpu.memory_space<vmem>>
        %dma_start3A_165 = tpu.memref_squeeze %dma_start3A_164 : memref<1x125xi32, #tpu.memory_space<vmem>> -> memref<125xi32, #tpu.memory_space<vmem>>
        %dma_start3A_166 = arith.constant 0 : i32
        %dma_start3A_167 = arith.constant 0 : i32
        %dma_start3A_168 = tpu.memref_slice %arg2[%dma_start3A_166, %dma_start3A_167] : memref<20000x64xf32, #tpu.memory_space<hbm>> -> memref<20000x64xf32, #tpu.memory_space<hbm>>
        tpu.enqueue_indirect_dma source(%dma_start3A_168 : memref<20000x64xf32, #tpu.memory_space<hbm>>) target(%arg12 : memref<125x64xf32, #tpu.memory_space<vmem>>) offsets(%dma_start3A_165 : memref<125xi32, #tpu.memory_space<vmem>>) semaphore(%arg16 : memref<!tpu.dma_semaphore, #tpu.memory_space<semaphore_mem>>)
      } else {
      }
    }
    %scan3A_33 = arith.constant 40 : i32
    %barrier3A_34 = arith.constant 0 : index
    tpu.barrier barrier_id(%barrier3A_34)
    %mul3A = arith.constant 624 : i32
    %mul3A_35 = arith.muli %arg1, %mul3A : i32
    %mul3A_36 = arith.constant 624 : i32
    %mul3A_37 = arith.muli %arg1, %mul3A_36 : i32
    "tpu.region"() ({
      %run_scoped3A = tpu.sem_alloc : memref<!tpu.dma_semaphore, #tpu.memory_space<semaphore_mem>>
      %dma_start3A_43 = arith.constant 0 : i32
      %dma_start3A_44 = tpu.memref_slice %arg6[%arg0, %mul3A_37, %dma_start3A_43] : memref<2x10000x64xf32, #tpu.memory_space<hbm>> -> memref<1x624x64xf32, #tpu.memory_space<hbm>>
      %dma_start3A_45 = tpu.memref_squeeze %dma_start3A_44 : memref<1x624x64xf32, #tpu.memory_space<hbm>> -> memref<624x64xf32, #tpu.memory_space<hbm>>
      %dma_start3A_46 = arith.constant 0 : i32
      %dma_start3A_47 = tpu.memref_slice %arg21[%mul3A_35, %dma_start3A_46] : memref<10000x64xf32, #tpu.memory_space<vmem_shared>> -> memref<624x64xf32, #tpu.memory_space<vmem_shared>>
      tpu.enqueue_dma source(%dma_start3A_47 : memref<624x64xf32, #tpu.memory_space<vmem_shared>>) target(%dma_start3A_45 : memref<624x64xf32, #tpu.memory_space<hbm>>) target_semaphore(%run_scoped3A : memref<!tpu.dma_semaphore, #tpu.memory_space<semaphore_mem>>)
      %dma_wait3A = arith.constant 0 : i32
      %dma_wait3A_48 = tpu.memref_slice %arg6[%arg0, %mul3A_37, %dma_wait3A] : memref<2x10000x64xf32, #tpu.memory_space<hbm>> -> memref<1x624x64xf32, #tpu.memory_space<hbm>>
      %dma_wait3A_49 = tpu.memref_squeeze %dma_wait3A_48 : memref<1x624x64xf32, #tpu.memory_space<hbm>> -> memref<624x64xf32, #tpu.memory_space<hbm>>
      %dma_wait3A_50 = arith.constant 0 : i32
      %dma_wait3A_51 = tpu.memref_slice %arg21[%mul3A_35, %dma_wait3A_50] : memref<10000x64xf32, #tpu.memory_space<vmem_shared>> -> memref<624x64xf32, #tpu.memory_space<vmem_shared>>
      tpu.wait_dma2 semaphore(%run_scoped3A : memref<!tpu.dma_semaphore, #tpu.memory_space<semaphore_mem>>) src(%dma_wait3A_51 : memref<624x64xf32, #tpu.memory_space<vmem_shared>>) dst(%dma_wait3A_49 : memref<624x64xf32, #tpu.memory_space<hbm>>)
      tpu.yield
    }) : () -> ()
    %eq3A_38 = arith.constant 0 : i32
    %eq3A_39 = arith.cmpi eq, %arg1, %eq3A_38 : i32
    %convert_element_type3A_40 = arith.extui %eq3A_39 : i1 to i32
    %cond3A_41 = arith.constant 0 : i32
    %cond3A_42 = arith.cmpi ne, %convert_element_type3A_40, %cond3A_41 : i32
    scf.if %cond3A_42 {
      "tpu.region"() ({
        %run_scoped3A = tpu.sem_alloc : memref<!tpu.dma_semaphore, #tpu.memory_space<semaphore_mem>>
        %dma_start3A_43 = arith.constant 9984 : i32
        %dma_start3A_44 = arith.constant 0 : i32
        %dma_start3A_45 = tpu.memref_slice %arg6[%arg0, %dma_start3A_43, %dma_start3A_44] : memref<2x10000x64xf32, #tpu.memory_space<hbm>> -> memref<1x16x64xf32, #tpu.memory_space<hbm>>
        %dma_start3A_46 = tpu.memref_squeeze %dma_start3A_45 : memref<1x16x64xf32, #tpu.memory_space<hbm>> -> memref<16x64xf32, #tpu.memory_space<hbm>>
        %dma_start3A_47 = arith.constant 9984 : i32
        %dma_start3A_48 = arith.constant 0 : i32
        %dma_start3A_49 = tpu.memref_slice %arg21[%dma_start3A_47, %dma_start3A_48] : memref<10000x64xf32, #tpu.memory_space<vmem_shared>> -> memref<16x64xf32, #tpu.memory_space<vmem_shared>>
        tpu.enqueue_dma source(%dma_start3A_49 : memref<16x64xf32, #tpu.memory_space<vmem_shared>>) target(%dma_start3A_46 : memref<16x64xf32, #tpu.memory_space<hbm>>) target_semaphore(%run_scoped3A : memref<!tpu.dma_semaphore, #tpu.memory_space<semaphore_mem>>)
        %dma_wait3A = arith.constant 9984 : i32
        %dma_wait3A_50 = arith.constant 0 : i32
        %dma_wait3A_51 = tpu.memref_slice %arg6[%arg0, %dma_wait3A, %dma_wait3A_50] : memref<2x10000x64xf32, #tpu.memory_space<hbm>> -> memref<1x16x64xf32, #tpu.memory_space<hbm>>
        %dma_wait3A_52 = tpu.memref_squeeze %dma_wait3A_51 : memref<1x16x64xf32, #tpu.memory_space<hbm>> -> memref<16x64xf32, #tpu.memory_space<hbm>>
        %dma_wait3A_53 = arith.constant 9984 : i32
        %dma_wait3A_54 = arith.constant 0 : i32
        %dma_wait3A_55 = tpu.memref_slice %arg21[%dma_wait3A_53, %dma_wait3A_54] : memref<10000x64xf32, #tpu.memory_space<vmem_shared>> -> memref<16x64xf32, #tpu.memory_space<vmem_shared>>
        tpu.wait_dma2 semaphore(%run_scoped3A : memref<!tpu.dma_semaphore, #tpu.memory_space<semaphore_mem>>) src(%dma_wait3A_55 : memref<16x64xf32, #tpu.memory_space<vmem_shared>>) dst(%dma_wait3A_52 : memref<16x64xf32, #tpu.memory_space<hbm>>)
        tpu.yield
      }) : () -> ()
    } else {
    }
    return
  }
}

#map = affine_map<(d0, d1) -> (0, 0)>
#map1 = affine_map<(d0, d1) -> (0, 0, 0, 0)>
#map2 = affine_map<(d0, d1) -> (0, 0, 0)>
module attributes {stable_mosaic.version = 14 : i64} {
  func.func @_sc_scatter(%arg0: i32, %arg1: i32, %arg2: memref<20000x64xf32, #tpu.memory_space<hbm>>, %arg3: memref<2x16x160x125xi32, #tpu.memory_space<hbm>>, %arg4: memref<16x160x125xi32, #tpu.memory_space<hbm>>, %arg5: memref<10000x64xf32, #tpu.memory_space<hbm>>, %arg6: memref<2x10000x64xf32, #tpu.memory_space<hbm>>, %arg7: memref<160x125xi32, #tpu.memory_space<vmem>>, %arg8: memref<160x125xi32, #tpu.memory_space<vmem>>, %arg9: memref<125x64xf32, #tpu.memory_space<vmem>>, %arg10: memref<125x64xf32, #tpu.memory_space<vmem>>, %arg11: memref<125x64xf32, #tpu.memory_space<vmem>>, %arg12: memref<125x64xf32, #tpu.memory_space<vmem>>, %arg13: memref<!tpu.dma_semaphore, #tpu.memory_space<semaphore_mem>>, %arg14: memref<!tpu.dma_semaphore, #tpu.memory_space<semaphore_mem>>, %arg15: memref<!tpu.dma_semaphore, #tpu.memory_space<semaphore_mem>>, %arg16: memref<!tpu.dma_semaphore, #tpu.memory_space<semaphore_mem>>, %arg17: memref<!tpu.dma_semaphore, #tpu.memory_space<semaphore_mem>>, %arg18: memref<!tpu.dma_semaphore, #tpu.memory_space<semaphore_mem>>, %arg19: memref<!tpu.dma_semaphore, #tpu.memory_space<semaphore_mem>>, %arg20: memref<!tpu.dma_semaphore, #tpu.memory_space<semaphore_mem>>, %arg21: memref<10000x64xf32, #tpu.memory_space<vmem_shared>>) attributes {dimension_semantics = [#tpu.dimension_semantics<core_parallel>, #tpu.dimension_semantics<subcore_parallel>], iteration_bounds = array<i64: 2, 16>, scalar_prefetch = 0 : i64, scratch_operands = 15 : i64, tpu.core_type = #tpu.core_type<sc_vector_subcore>, window_params = [{transform_indices = #map}, {transform_indices = #map1}, {transform_indices = #map2}, {transform_indices = #map}, {transform_indices = #map2}]} {
    "tpu.region"() ({
      %run_scoped3A = tpu.sem_alloc : memref<!tpu.dma_semaphore, #tpu.memory_space<semaphore_mem>>
      %dma_start3A_43 = arith.constant 0 : i32
      %dma_start3A_44 = arith.constant 0 : i32
      %dma_start3A_45 = tpu.memref_slice %arg3[%arg0, %arg1, %dma_start3A_43, %dma_start3A_44] : memref<2x16x160x125xi32, #tpu.memory_space<hbm>> -> memref<1x1x160x125xi32, #tpu.memory_space<hbm>>
      %dma_start3A_46 = tpu.memref_squeeze %dma_start3A_45 : memref<1x1x160x125xi32, #tpu.memory_space<hbm>> -> memref<160x125xi32, #tpu.memory_space<hbm>>
      %dma_start3A_47 = arith.constant 0 : i32
      %dma_start3A_48 = arith.constant 0 : i32
      %dma_start3A_49 = tpu.memref_slice %arg3[%arg0, %arg1, %dma_start3A_47, %dma_start3A_48] : memref<2x16x160x125xi32, #tpu.memory_space<hbm>> -> memref<1x1x160x125xi32, #tpu.memory_space<hbm>>
      %dma_start3A_50 = tpu.memref_squeeze %dma_start3A_49 : memref<1x1x160x125xi32, #tpu.memory_space<hbm>> -> memref<160x125xi32, #tpu.memory_space<hbm>>
      tpu.enqueue_dma source(%dma_start3A_50 : memref<160x125xi32, #tpu.memory_space<hbm>>) target(%arg7 : memref<160x125xi32, #tpu.memory_space<vmem>>) target_semaphore(%run_scoped3A : memref<!tpu.dma_semaphore, #tpu.memory_space<semaphore_mem>>)
      %dma_wait3A = arith.constant 0 : i32
      %dma_wait3A_51 = arith.constant 0 : i32
      %dma_wait3A_52 = tpu.memref_slice %arg3[%arg0, %arg1, %dma_wait3A, %dma_wait3A_51] : memref<2x16x160x125xi32, #tpu.memory_space<hbm>> -> memref<1x1x160x125xi32, #tpu.memory_space<hbm>>
      %dma_wait3A_53 = tpu.memref_squeeze %dma_wait3A_52 : memref<1x1x160x125xi32, #tpu.memory_space<hbm>> -> memref<160x125xi32, #tpu.memory_space<hbm>>
      %dma_wait3A_54 = arith.constant 0 : i32
      %dma_wait3A_55 = arith.constant 0 : i32
      %dma_wait3A_56 = tpu.memref_slice %arg3[%arg0, %arg1, %dma_wait3A_54, %dma_wait3A_55] : memref<2x16x160x125xi32, #tpu.memory_space<hbm>> -> memref<1x1x160x125xi32, #tpu.memory_space<hbm>>
      %dma_wait3A_57 = tpu.memref_squeeze %dma_wait3A_56 : memref<1x1x160x125xi32, #tpu.memory_space<hbm>> -> memref<160x125xi32, #tpu.memory_space<hbm>>
      tpu.wait_dma2 semaphore(%run_scoped3A : memref<!tpu.dma_semaphore, #tpu.memory_space<semaphore_mem>>) src(%dma_wait3A_57 : memref<160x125xi32, #tpu.memory_space<hbm>>) dst(%arg7 : memref<160x125xi32, #tpu.memory_space<vmem>>)
      tpu.yield
    }) : () -> ()
    "tpu.region"() ({
      %run_scoped3A = tpu.sem_alloc : memref<!tpu.dma_semaphore, #tpu.memory_space<semaphore_mem>>
      %dma_start3A_43 = arith.constant 0 : i32
      %dma_start3A_44 = arith.constant 0 : i32
      %dma_start3A_45 = tpu.memref_slice %arg4[%arg1, %dma_start3A_43, %dma_start3A_44] : memref<16x160x125xi32, #tpu.memory_space<hbm>> -> memref<1x160x125xi32, #tpu.memory_space<hbm>>
      %dma_start3A_46 = tpu.memref_squeeze %dma_start3A_45 : memref<1x160x125xi32, #tpu.memory_space<hbm>> -> memref<160x125xi32, #tpu.memory_space<hbm>>
      %dma_start3A_47 = arith.constant 0 : i32
      %dma_start3A_48 = arith.constant 0 : i32
      %dma_start3A_49 = tpu.memref_slice %arg4[%arg1, %dma_start3A_47, %dma_start3A_48] : memref<16x160x125xi32, #tpu.memory_space<hbm>> -> memref<1x160x125xi32, #tpu.memory_space<hbm>>
      %dma_start3A_50 = tpu.memref_squeeze %dma_start3A_49 : memref<1x160x125xi32, #tpu.memory_space<hbm>> -> memref<160x125xi32, #tpu.memory_space<hbm>>
      tpu.enqueue_dma source(%dma_start3A_50 : memref<160x125xi32, #tpu.memory_space<hbm>>) target(%arg8 : memref<160x125xi32, #tpu.memory_space<vmem>>) target_semaphore(%run_scoped3A : memref<!tpu.dma_semaphore, #tpu.memory_space<semaphore_mem>>)
      %dma_wait3A = arith.constant 0 : i32
      %dma_wait3A_51 = arith.constant 0 : i32
      %dma_wait3A_52 = tpu.memref_slice %arg4[%arg1, %dma_wait3A, %dma_wait3A_51] : memref<16x160x125xi32, #tpu.memory_space<hbm>> -> memref<1x160x125xi32, #tpu.memory_space<hbm>>
      %dma_wait3A_53 = tpu.memref_squeeze %dma_wait3A_52 : memref<1x160x125xi32, #tpu.memory_space<hbm>> -> memref<160x125xi32, #tpu.memory_space<hbm>>
      %dma_wait3A_54 = arith.constant 0 : i32
      %dma_wait3A_55 = arith.constant 0 : i32
      %dma_wait3A_56 = tpu.memref_slice %arg4[%arg1, %dma_wait3A_54, %dma_wait3A_55] : memref<16x160x125xi32, #tpu.memory_space<hbm>> -> memref<1x160x125xi32, #tpu.memory_space<hbm>>
      %dma_wait3A_57 = tpu.memref_squeeze %dma_wait3A_56 : memref<1x160x125xi32, #tpu.memory_space<hbm>> -> memref<160x125xi32, #tpu.memory_space<hbm>>
      tpu.wait_dma2 semaphore(%run_scoped3A : memref<!tpu.dma_semaphore, #tpu.memory_space<semaphore_mem>>) src(%dma_wait3A_57 : memref<160x125xi32, #tpu.memory_space<hbm>>) dst(%arg8 : memref<160x125xi32, #tpu.memory_space<vmem>>)
      tpu.yield
    }) : () -> ()
    %eq3A = arith.constant 0 : i32
    %eq3A_0 = arith.cmpi eq, %arg1, %eq3A : i32
    %convert_element_type3A = arith.extui %eq3A_0 : i1 to i32
    %cond3A = arith.constant 0 : i32
    %cond3A_1 = arith.cmpi ne, %convert_element_type3A, %cond3A : i32
    scf.if %cond3A_1 {
      "tpu.region"() ({
        %run_scoped3A = tpu.sem_alloc : memref<!tpu.dma_semaphore, #tpu.memory_space<semaphore_mem>>
        tpu.enqueue_dma source(%arg5 : memref<10000x64xf32, #tpu.memory_space<hbm>>) target(%arg21 : memref<10000x64xf32, #tpu.memory_space<vmem_shared>>) target_semaphore(%run_scoped3A : memref<!tpu.dma_semaphore, #tpu.memory_space<semaphore_mem>>)
        tpu.wait_dma2 semaphore(%run_scoped3A : memref<!tpu.dma_semaphore, #tpu.memory_space<semaphore_mem>>) src(%arg5 : memref<10000x64xf32, #tpu.memory_space<hbm>>) dst(%arg21 : memref<10000x64xf32, #tpu.memory_space<vmem_shared>>)
        tpu.yield
      }) : () -> ()
    } else {
    }
    %barrier3A = arith.constant 0 : index
    tpu.barrier barrier_id(%barrier3A)
    %dma_start3A = arith.constant 0 : i32
    %dma_start3A_2 = arith.constant 0 : i32
    %dma_start3A_3 = tpu.memref_slice %arg7[%dma_start3A, %dma_start3A_2] : memref<160x125xi32, #tpu.memory_space<vmem>> -> memref<1x125xi32, #tpu.memory_space<vmem>>
    %dma_start3A_4 = tpu.memref_squeeze %dma_start3A_3 : memref<1x125xi32, #tpu.memory_space<vmem>> -> memref<125xi32, #tpu.memory_space<vmem>>
    %dma_start3A_5 = arith.constant 0 : i32
    %dma_start3A_6 = arith.constant 0 : i32
    %dma_start3A_7 = tpu.memref_slice %arg2[%dma_start3A_5, %dma_start3A_6] : memref<20000x64xf32, #tpu.memory_space<hbm>> -> memref<20000x64xf32, #tpu.memory_space<hbm>>
    tpu.enqueue_indirect_dma source(%dma_start3A_7 : memref<20000x64xf32, #tpu.memory_space<hbm>>) target(%arg9 : memref<125x64xf32, #tpu.memory_space<vmem>>) offsets(%dma_start3A_4 : memref<125xi32, #tpu.memory_space<vmem>>) semaphore(%arg13 : memref<!tpu.dma_semaphore, #tpu.memory_space<semaphore_mem>>)
    %dma_start3A_8 = arith.constant 1 : i32
    %dma_start3A_9 = arith.constant 0 : i32
    %dma_start3A_10 = tpu.memref_slice %arg7[%dma_start3A_8, %dma_start3A_9] : memref<160x125xi32, #tpu.memory_space<vmem>> -> memref<1x125xi32, #tpu.memory_space<vmem>>
    %dma_start3A_11 = tpu.memref_squeeze %dma_start3A_10 : memref<1x125xi32, #tpu.memory_space<vmem>> -> memref<125xi32, #tpu.memory_space<vmem>>
    %dma_start3A_12 = arith.constant 0 : i32
    %dma_start3A_13 = arith.constant 0 : i32
    %dma_start3A_14 = tpu.memref_slice %arg2[%dma_start3A_12, %dma_start3A_13] : memref<20000x64xf32, #tpu.memory_space<hbm>> -> memref<20000x64xf32, #tpu.memory_space<hbm>>
    tpu.enqueue_indirect_dma source(%dma_start3A_14 : memref<20000x64xf32, #tpu.memory_space<hbm>>) target(%arg10 : memref<125x64xf32, #tpu.memory_space<vmem>>) offsets(%dma_start3A_11 : memref<125xi32, #tpu.memory_space<vmem>>) semaphore(%arg14 : memref<!tpu.dma_semaphore, #tpu.memory_space<semaphore_mem>>)
    %dma_start3A_15 = arith.constant 2 : i32
    %dma_start3A_16 = arith.constant 0 : i32
    %dma_start3A_17 = tpu.memref_slice %arg7[%dma_start3A_15, %dma_start3A_16] : memref<160x125xi32, #tpu.memory_space<vmem>> -> memref<1x125xi32, #tpu.memory_space<vmem>>
    %dma_start3A_18 = tpu.memref_squeeze %dma_start3A_17 : memref<1x125xi32, #tpu.memory_space<vmem>> -> memref<125xi32, #tpu.memory_space<vmem>>
    %dma_start3A_19 = arith.constant 0 : i32
    %dma_start3A_20 = arith.constant 0 : i32
    %dma_start3A_21 = tpu.memref_slice %arg2[%dma_start3A_19, %dma_start3A_20] : memref<20000x64xf32, #tpu.memory_space<hbm>> -> memref<20000x64xf32, #tpu.memory_space<hbm>>
    tpu.enqueue_indirect_dma source(%dma_start3A_21 : memref<20000x64xf32, #tpu.memory_space<hbm>>) target(%arg11 : memref<125x64xf32, #tpu.memory_space<vmem>>) offsets(%dma_start3A_18 : memref<125xi32, #tpu.memory_space<vmem>>) semaphore(%arg15 : memref<!tpu.dma_semaphore, #tpu.memory_space<semaphore_mem>>)
    %dma_start3A_22 = arith.constant 3 : i32
    %dma_start3A_23 = arith.constant 0 : i32
    %dma_start3A_24 = tpu.memref_slice %arg7[%dma_start3A_22, %dma_start3A_23] : memref<160x125xi32, #tpu.memory_space<vmem>> -> memref<1x125xi32, #tpu.memory_space<vmem>>
    %dma_start3A_25 = tpu.memref_squeeze %dma_start3A_24 : memref<1x125xi32, #tpu.memory_space<vmem>> -> memref<125xi32, #tpu.memory_space<vmem>>
    %dma_start3A_26 = arith.constant 0 : i32
    %dma_start3A_27 = arith.constant 0 : i32
    %dma_start3A_28 = tpu.memref_slice %arg2[%dma_start3A_26, %dma_start3A_27] : memref<20000x64xf32, #tpu.memory_space<hbm>> -> memref<20000x64xf32, #tpu.memory_space<hbm>>
    tpu.enqueue_indirect_dma source(%dma_start3A_28 : memref<20000x64xf32, #tpu.memory_space<hbm>>) target(%arg12 : memref<125x64xf32, #tpu.memory_space<vmem>>) offsets(%dma_start3A_25 : memref<125xi32, #tpu.memory_space<vmem>>) semaphore(%arg16 : memref<!tpu.dma_semaphore, #tpu.memory_space<semaphore_mem>>)
    %scan3A = arith.constant 0 : i32
    %scan3A_29 = arith.constant 0 : i32
    %scan3A_30 = arith.constant 40 : i32
    %scan3A_31 = arith.addi %scan3A_29, %scan3A_30 : i32
    %scan3A_32 = arith.constant 1 : i32
    scf.for %scan3A_43 = %scan3A_29 to %scan3A_31 step %scan3A_32  : i32 {
      %mul3A_44 = arith.constant 4 : i32
      %mul3A_45 = arith.muli %mul3A_44, %scan3A_43 : i32
      %add3A = arith.constant 0 : i32
      %add3A_46 = arith.addi %mul3A_45, %add3A : i32
      %dma_wait3A = arith.constant 0 : i32
      %dma_wait3A_47 = tpu.memref_slice %arg7[%add3A_46, %dma_wait3A] : memref<160x125xi32, #tpu.memory_space<vmem>> -> memref<1x125xi32, #tpu.memory_space<vmem>>
      %dma_wait3A_48 = tpu.memref_squeeze %dma_wait3A_47 : memref<1x125xi32, #tpu.memory_space<vmem>> -> memref<125xi32, #tpu.memory_space<vmem>>
      %dma_wait3A_49 = arith.constant 0 : i32
      %dma_wait3A_50 = arith.constant 0 : i32
      %dma_wait3A_51 = tpu.memref_slice %arg2[%dma_wait3A_49, %dma_wait3A_50] : memref<20000x64xf32, #tpu.memory_space<hbm>> -> memref<20000x64xf32, #tpu.memory_space<hbm>>
      tpu.wait_indirect_dma semaphore(%arg13 : memref<!tpu.dma_semaphore, #tpu.memory_space<semaphore_mem>>) src(%dma_wait3A_51 : memref<20000x64xf32, #tpu.memory_space<hbm>>) dst(%arg9 : memref<125x64xf32, #tpu.memory_space<vmem>>)
      %add3A_52 = arith.constant 0 : i32
      %add3A_53 = arith.addi %mul3A_45, %add3A_52 : i32
      %dma_start3A_54 = arith.constant 0 : i32
      %dma_start3A_55 = tpu.memref_slice %arg8[%add3A_53, %dma_start3A_54] : memref<160x125xi32, #tpu.memory_space<vmem>> -> memref<1x125xi32, #tpu.memory_space<vmem>>
      %dma_start3A_56 = tpu.memref_squeeze %dma_start3A_55 : memref<1x125xi32, #tpu.memory_space<vmem>> -> memref<125xi32, #tpu.memory_space<vmem>>
      %dma_start3A_57 = arith.constant 0 : i32
      %dma_start3A_58 = arith.constant 0 : i32
      %dma_start3A_59 = tpu.memref_slice %arg21[%dma_start3A_57, %dma_start3A_58] : memref<10000x64xf32, #tpu.memory_space<vmem_shared>> -> memref<10000x64xf32, #tpu.memory_space<vmem_shared>>
      tpu.enqueue_indirect_dma source(%arg9 : memref<125x64xf32, #tpu.memory_space<vmem>>) target(%dma_start3A_59 : memref<10000x64xf32, #tpu.memory_space<vmem_shared>>) offsets(%dma_start3A_56 : memref<125xi32, #tpu.memory_space<vmem>>) semaphore(%arg17 : memref<!tpu.dma_semaphore, #tpu.memory_space<semaphore_mem>>) {add = true}
      %add3A_60 = arith.constant 1 : i32
      %add3A_61 = arith.addi %mul3A_45, %add3A_60 : i32
      %dma_wait3A_62 = arith.constant 0 : i32
      %dma_wait3A_63 = tpu.memref_slice %arg7[%add3A_61, %dma_wait3A_62] : memref<160x125xi32, #tpu.memory_space<vmem>> -> memref<1x125xi32, #tpu.memory_space<vmem>>
      %dma_wait3A_64 = tpu.memref_squeeze %dma_wait3A_63 : memref<1x125xi32, #tpu.memory_space<vmem>> -> memref<125xi32, #tpu.memory_space<vmem>>
      %dma_wait3A_65 = arith.constant 0 : i32
      %dma_wait3A_66 = arith.constant 0 : i32
      %dma_wait3A_67 = tpu.memref_slice %arg2[%dma_wait3A_65, %dma_wait3A_66] : memref<20000x64xf32, #tpu.memory_space<hbm>> -> memref<20000x64xf32, #tpu.memory_space<hbm>>
      tpu.wait_indirect_dma semaphore(%arg14 : memref<!tpu.dma_semaphore, #tpu.memory_space<semaphore_mem>>) src(%dma_wait3A_67 : memref<20000x64xf32, #tpu.memory_space<hbm>>) dst(%arg10 : memref<125x64xf32, #tpu.memory_space<vmem>>)
      %add3A_68 = arith.constant 1 : i32
      %add3A_69 = arith.addi %mul3A_45, %add3A_68 : i32
      %dma_start3A_70 = arith.constant 0 : i32
      %dma_start3A_71 = tpu.memref_slice %arg8[%add3A_69, %dma_start3A_70] : memref<160x125xi32, #tpu.memory_space<vmem>> -> memref<1x125xi32, #tpu.memory_space<vmem>>
      %dma_start3A_72 = tpu.memref_squeeze %dma_start3A_71 : memref<1x125xi32, #tpu.memory_space<vmem>> -> memref<125xi32, #tpu.memory_space<vmem>>
      %dma_start3A_73 = arith.constant 0 : i32
      %dma_start3A_74 = arith.constant 0 : i32
      %dma_start3A_75 = tpu.memref_slice %arg21[%dma_start3A_73, %dma_start3A_74] : memref<10000x64xf32, #tpu.memory_space<vmem_shared>> -> memref<10000x64xf32, #tpu.memory_space<vmem_shared>>
      tpu.enqueue_indirect_dma source(%arg10 : memref<125x64xf32, #tpu.memory_space<vmem>>) target(%dma_start3A_75 : memref<10000x64xf32, #tpu.memory_space<vmem_shared>>) offsets(%dma_start3A_72 : memref<125xi32, #tpu.memory_space<vmem>>) semaphore(%arg18 : memref<!tpu.dma_semaphore, #tpu.memory_space<semaphore_mem>>) {add = true}
      %add3A_76 = arith.constant 2 : i32
      %add3A_77 = arith.addi %mul3A_45, %add3A_76 : i32
      %dma_wait3A_78 = arith.constant 0 : i32
      %dma_wait3A_79 = tpu.memref_slice %arg7[%add3A_77, %dma_wait3A_78] : memref<160x125xi32, #tpu.memory_space<vmem>> -> memref<1x125xi32, #tpu.memory_space<vmem>>
      %dma_wait3A_80 = tpu.memref_squeeze %dma_wait3A_79 : memref<1x125xi32, #tpu.memory_space<vmem>> -> memref<125xi32, #tpu.memory_space<vmem>>
      %dma_wait3A_81 = arith.constant 0 : i32
      %dma_wait3A_82 = arith.constant 0 : i32
      %dma_wait3A_83 = tpu.memref_slice %arg2[%dma_wait3A_81, %dma_wait3A_82] : memref<20000x64xf32, #tpu.memory_space<hbm>> -> memref<20000x64xf32, #tpu.memory_space<hbm>>
      tpu.wait_indirect_dma semaphore(%arg15 : memref<!tpu.dma_semaphore, #tpu.memory_space<semaphore_mem>>) src(%dma_wait3A_83 : memref<20000x64xf32, #tpu.memory_space<hbm>>) dst(%arg11 : memref<125x64xf32, #tpu.memory_space<vmem>>)
      %add3A_84 = arith.constant 2 : i32
      %add3A_85 = arith.addi %mul3A_45, %add3A_84 : i32
      %dma_start3A_86 = arith.constant 0 : i32
      %dma_start3A_87 = tpu.memref_slice %arg8[%add3A_85, %dma_start3A_86] : memref<160x125xi32, #tpu.memory_space<vmem>> -> memref<1x125xi32, #tpu.memory_space<vmem>>
      %dma_start3A_88 = tpu.memref_squeeze %dma_start3A_87 : memref<1x125xi32, #tpu.memory_space<vmem>> -> memref<125xi32, #tpu.memory_space<vmem>>
      %dma_start3A_89 = arith.constant 0 : i32
      %dma_start3A_90 = arith.constant 0 : i32
      %dma_start3A_91 = tpu.memref_slice %arg21[%dma_start3A_89, %dma_start3A_90] : memref<10000x64xf32, #tpu.memory_space<vmem_shared>> -> memref<10000x64xf32, #tpu.memory_space<vmem_shared>>
      tpu.enqueue_indirect_dma source(%arg11 : memref<125x64xf32, #tpu.memory_space<vmem>>) target(%dma_start3A_91 : memref<10000x64xf32, #tpu.memory_space<vmem_shared>>) offsets(%dma_start3A_88 : memref<125xi32, #tpu.memory_space<vmem>>) semaphore(%arg19 : memref<!tpu.dma_semaphore, #tpu.memory_space<semaphore_mem>>) {add = true}
      %add3A_92 = arith.constant 3 : i32
      %add3A_93 = arith.addi %mul3A_45, %add3A_92 : i32
      %dma_wait3A_94 = arith.constant 0 : i32
      %dma_wait3A_95 = tpu.memref_slice %arg7[%add3A_93, %dma_wait3A_94] : memref<160x125xi32, #tpu.memory_space<vmem>> -> memref<1x125xi32, #tpu.memory_space<vmem>>
      %dma_wait3A_96 = tpu.memref_squeeze %dma_wait3A_95 : memref<1x125xi32, #tpu.memory_space<vmem>> -> memref<125xi32, #tpu.memory_space<vmem>>
      %dma_wait3A_97 = arith.constant 0 : i32
      %dma_wait3A_98 = arith.constant 0 : i32
      %dma_wait3A_99 = tpu.memref_slice %arg2[%dma_wait3A_97, %dma_wait3A_98] : memref<20000x64xf32, #tpu.memory_space<hbm>> -> memref<20000x64xf32, #tpu.memory_space<hbm>>
      tpu.wait_indirect_dma semaphore(%arg16 : memref<!tpu.dma_semaphore, #tpu.memory_space<semaphore_mem>>) src(%dma_wait3A_99 : memref<20000x64xf32, #tpu.memory_space<hbm>>) dst(%arg12 : memref<125x64xf32, #tpu.memory_space<vmem>>)
      %add3A_100 = arith.constant 3 : i32
      %add3A_101 = arith.addi %mul3A_45, %add3A_100 : i32
      %dma_start3A_102 = arith.constant 0 : i32
      %dma_start3A_103 = tpu.memref_slice %arg8[%add3A_101, %dma_start3A_102] : memref<160x125xi32, #tpu.memory_space<vmem>> -> memref<1x125xi32, #tpu.memory_space<vmem>>
      %dma_start3A_104 = tpu.memref_squeeze %dma_start3A_103 : memref<1x125xi32, #tpu.memory_space<vmem>> -> memref<125xi32, #tpu.memory_space<vmem>>
      %dma_start3A_105 = arith.constant 0 : i32
      %dma_start3A_106 = arith.constant 0 : i32
      %dma_start3A_107 = tpu.memref_slice %arg21[%dma_start3A_105, %dma_start3A_106] : memref<10000x64xf32, #tpu.memory_space<vmem_shared>> -> memref<10000x64xf32, #tpu.memory_space<vmem_shared>>
      tpu.enqueue_indirect_dma source(%arg12 : memref<125x64xf32, #tpu.memory_space<vmem>>) target(%dma_start3A_107 : memref<10000x64xf32, #tpu.memory_space<vmem_shared>>) offsets(%dma_start3A_104 : memref<125xi32, #tpu.memory_space<vmem>>) semaphore(%arg20 : memref<!tpu.dma_semaphore, #tpu.memory_space<semaphore_mem>>) {add = true}
      %add3A_108 = arith.constant 0 : i32
      %add3A_109 = arith.addi %mul3A_45, %add3A_108 : i32
      %dma_wait3A_110 = arith.constant 0 : i32
      %dma_wait3A_111 = tpu.memref_slice %arg8[%add3A_109, %dma_wait3A_110] : memref<160x125xi32, #tpu.memory_space<vmem>> -> memref<1x125xi32, #tpu.memory_space<vmem>>
      %dma_wait3A_112 = tpu.memref_squeeze %dma_wait3A_111 : memref<1x125xi32, #tpu.memory_space<vmem>> -> memref<125xi32, #tpu.memory_space<vmem>>
      %dma_wait3A_113 = arith.constant 0 : i32
      %dma_wait3A_114 = arith.constant 0 : i32
      %dma_wait3A_115 = tpu.memref_slice %arg21[%dma_wait3A_113, %dma_wait3A_114] : memref<10000x64xf32, #tpu.memory_space<vmem_shared>> -> memref<10000x64xf32, #tpu.memory_space<vmem_shared>>
      tpu.wait_indirect_dma semaphore(%arg17 : memref<!tpu.dma_semaphore, #tpu.memory_space<semaphore_mem>>) src(%arg9 : memref<125x64xf32, #tpu.memory_space<vmem>>) dst(%dma_wait3A_115 : memref<10000x64xf32, #tpu.memory_space<vmem_shared>>)
      %lt3A = arith.constant 39 : i32
      %lt3A_116 = arith.cmpi slt, %scan3A_43, %lt3A : i32
      %convert_element_type3A_117 = arith.extui %lt3A_116 : i1 to i32
      %cond3A_118 = arith.constant 0 : i32
      %cond3A_119 = arith.cmpi ne, %convert_element_type3A_117, %cond3A_118 : i32
      scf.if %cond3A_119 {
        %add3A_159 = arith.constant 4 : i32
        %add3A_160 = arith.addi %mul3A_45, %add3A_159 : i32
        %add3A_161 = arith.constant 0 : i32
        %add3A_162 = arith.addi %add3A_160, %add3A_161 : i32
        %dma_start3A_163 = arith.constant 0 : i32
        %dma_start3A_164 = tpu.memref_slice %arg7[%add3A_162, %dma_start3A_163] : memref<160x125xi32, #tpu.memory_space<vmem>> -> memref<1x125xi32, #tpu.memory_space<vmem>>
        %dma_start3A_165 = tpu.memref_squeeze %dma_start3A_164 : memref<1x125xi32, #tpu.memory_space<vmem>> -> memref<125xi32, #tpu.memory_space<vmem>>
        %dma_start3A_166 = arith.constant 0 : i32
        %dma_start3A_167 = arith.constant 0 : i32
        %dma_start3A_168 = tpu.memref_slice %arg2[%dma_start3A_166, %dma_start3A_167] : memref<20000x64xf32, #tpu.memory_space<hbm>> -> memref<20000x64xf32, #tpu.memory_space<hbm>>
        tpu.enqueue_indirect_dma source(%dma_start3A_168 : memref<20000x64xf32, #tpu.memory_space<hbm>>) target(%arg9 : memref<125x64xf32, #tpu.memory_space<vmem>>) offsets(%dma_start3A_165 : memref<125xi32, #tpu.memory_space<vmem>>) semaphore(%arg13 : memref<!tpu.dma_semaphore, #tpu.memory_space<semaphore_mem>>)
      } else {
      }
      %add3A_120 = arith.constant 1 : i32
      %add3A_121 = arith.addi %mul3A_45, %add3A_120 : i32
      %dma_wait3A_122 = arith.constant 0 : i32
      %dma_wait3A_123 = tpu.memref_slice %arg8[%add3A_121, %dma_wait3A_122] : memref<160x125xi32, #tpu.memory_space<vmem>> -> memref<1x125xi32, #tpu.memory_space<vmem>>
      %dma_wait3A_124 = tpu.memref_squeeze %dma_wait3A_123 : memref<1x125xi32, #tpu.memory_space<vmem>> -> memref<125xi32, #tpu.memory_space<vmem>>
      %dma_wait3A_125 = arith.constant 0 : i32
      %dma_wait3A_126 = arith.constant 0 : i32
      %dma_wait3A_127 = tpu.memref_slice %arg21[%dma_wait3A_125, %dma_wait3A_126] : memref<10000x64xf32, #tpu.memory_space<vmem_shared>> -> memref<10000x64xf32, #tpu.memory_space<vmem_shared>>
      tpu.wait_indirect_dma semaphore(%arg18 : memref<!tpu.dma_semaphore, #tpu.memory_space<semaphore_mem>>) src(%arg10 : memref<125x64xf32, #tpu.memory_space<vmem>>) dst(%dma_wait3A_127 : memref<10000x64xf32, #tpu.memory_space<vmem_shared>>)
      %lt3A_128 = arith.constant 39 : i32
      %lt3A_129 = arith.cmpi slt, %scan3A_43, %lt3A_128 : i32
      %convert_element_type3A_130 = arith.extui %lt3A_129 : i1 to i32
      %cond3A_131 = arith.constant 0 : i32
      %cond3A_132 = arith.cmpi ne, %convert_element_type3A_130, %cond3A_131 : i32
      scf.if %cond3A_132 {
        %add3A_159 = arith.constant 4 : i32
        %add3A_160 = arith.addi %mul3A_45, %add3A_159 : i32
        %add3A_161 = arith.constant 1 : i32
        %add3A_162 = arith.addi %add3A_160, %add3A_161 : i32
        %dma_start3A_163 = arith.constant 0 : i32
        %dma_start3A_164 = tpu.memref_slice %arg7[%add3A_162, %dma_start3A_163] : memref<160x125xi32, #tpu.memory_space<vmem>> -> memref<1x125xi32, #tpu.memory_space<vmem>>
        %dma_start3A_165 = tpu.memref_squeeze %dma_start3A_164 : memref<1x125xi32, #tpu.memory_space<vmem>> -> memref<125xi32, #tpu.memory_space<vmem>>
        %dma_start3A_166 = arith.constant 0 : i32
        %dma_start3A_167 = arith.constant 0 : i32
        %dma_start3A_168 = tpu.memref_slice %arg2[%dma_start3A_166, %dma_start3A_167] : memref<20000x64xf32, #tpu.memory_space<hbm>> -> memref<20000x64xf32, #tpu.memory_space<hbm>>
        tpu.enqueue_indirect_dma source(%dma_start3A_168 : memref<20000x64xf32, #tpu.memory_space<hbm>>) target(%arg10 : memref<125x64xf32, #tpu.memory_space<vmem>>) offsets(%dma_start3A_165 : memref<125xi32, #tpu.memory_space<vmem>>) semaphore(%arg14 : memref<!tpu.dma_semaphore, #tpu.memory_space<semaphore_mem>>)
      } else {
      }
      %add3A_133 = arith.constant 2 : i32
      %add3A_134 = arith.addi %mul3A_45, %add3A_133 : i32
      %dma_wait3A_135 = arith.constant 0 : i32
      %dma_wait3A_136 = tpu.memref_slice %arg8[%add3A_134, %dma_wait3A_135] : memref<160x125xi32, #tpu.memory_space<vmem>> -> memref<1x125xi32, #tpu.memory_space<vmem>>
      %dma_wait3A_137 = tpu.memref_squeeze %dma_wait3A_136 : memref<1x125xi32, #tpu.memory_space<vmem>> -> memref<125xi32, #tpu.memory_space<vmem>>
      %dma_wait3A_138 = arith.constant 0 : i32
      %dma_wait3A_139 = arith.constant 0 : i32
      %dma_wait3A_140 = tpu.memref_slice %arg21[%dma_wait3A_138, %dma_wait3A_139] : memref<10000x64xf32, #tpu.memory_space<vmem_shared>> -> memref<10000x64xf32, #tpu.memory_space<vmem_shared>>
      tpu.wait_indirect_dma semaphore(%arg19 : memref<!tpu.dma_semaphore, #tpu.memory_space<semaphore_mem>>) src(%arg11 : memref<125x64xf32, #tpu.memory_space<vmem>>) dst(%dma_wait3A_140 : memref<10000x64xf32, #tpu.memory_space<vmem_shared>>)
      %lt3A_141 = arith.constant 39 : i32
      %lt3A_142 = arith.cmpi slt, %scan3A_43, %lt3A_141 : i32
      %convert_element_type3A_143 = arith.extui %lt3A_142 : i1 to i32
      %cond3A_144 = arith.constant 0 : i32
      %cond3A_145 = arith.cmpi ne, %convert_element_type3A_143, %cond3A_144 : i32
      scf.if %cond3A_145 {
        %add3A_159 = arith.constant 4 : i32
        %add3A_160 = arith.addi %mul3A_45, %add3A_159 : i32
        %add3A_161 = arith.constant 2 : i32
        %add3A_162 = arith.addi %add3A_160, %add3A_161 : i32
        %dma_start3A_163 = arith.constant 0 : i32
        %dma_start3A_164 = tpu.memref_slice %arg7[%add3A_162, %dma_start3A_163] : memref<160x125xi32, #tpu.memory_space<vmem>> -> memref<1x125xi32, #tpu.memory_space<vmem>>
        %dma_start3A_165 = tpu.memref_squeeze %dma_start3A_164 : memref<1x125xi32, #tpu.memory_space<vmem>> -> memref<125xi32, #tpu.memory_space<vmem>>
        %dma_start3A_166 = arith.constant 0 : i32
        %dma_start3A_167 = arith.constant 0 : i32
        %dma_start3A_168 = tpu.memref_slice %arg2[%dma_start3A_166, %dma_start3A_167] : memref<20000x64xf32, #tpu.memory_space<hbm>> -> memref<20000x64xf32, #tpu.memory_space<hbm>>
        tpu.enqueue_indirect_dma source(%dma_start3A_168 : memref<20000x64xf32, #tpu.memory_space<hbm>>) target(%arg11 : memref<125x64xf32, #tpu.memory_space<vmem>>) offsets(%dma_start3A_165 : memref<125xi32, #tpu.memory_space<vmem>>) semaphore(%arg15 : memref<!tpu.dma_semaphore, #tpu.memory_space<semaphore_mem>>)
      } else {
      }
      %add3A_146 = arith.constant 3 : i32
      %add3A_147 = arith.addi %mul3A_45, %add3A_146 : i32
      %dma_wait3A_148 = arith.constant 0 : i32
      %dma_wait3A_149 = tpu.memref_slice %arg8[%add3A_147, %dma_wait3A_148] : memref<160x125xi32, #tpu.memory_space<vmem>> -> memref<1x125xi32, #tpu.memory_space<vmem>>
      %dma_wait3A_150 = tpu.memref_squeeze %dma_wait3A_149 : memref<1x125xi32, #tpu.memory_space<vmem>> -> memref<125xi32, #tpu.memory_space<vmem>>
      %dma_wait3A_151 = arith.constant 0 : i32
      %dma_wait3A_152 = arith.constant 0 : i32
      %dma_wait3A_153 = tpu.memref_slice %arg21[%dma_wait3A_151, %dma_wait3A_152] : memref<10000x64xf32, #tpu.memory_space<vmem_shared>> -> memref<10000x64xf32, #tpu.memory_space<vmem_shared>>
      tpu.wait_indirect_dma semaphore(%arg20 : memref<!tpu.dma_semaphore, #tpu.memory_space<semaphore_mem>>) src(%arg12 : memref<125x64xf32, #tpu.memory_space<vmem>>) dst(%dma_wait3A_153 : memref<10000x64xf32, #tpu.memory_space<vmem_shared>>)
      %lt3A_154 = arith.constant 39 : i32
      %lt3A_155 = arith.cmpi slt, %scan3A_43, %lt3A_154 : i32
      %convert_element_type3A_156 = arith.extui %lt3A_155 : i1 to i32
      %cond3A_157 = arith.constant 0 : i32
      %cond3A_158 = arith.cmpi ne, %convert_element_type3A_156, %cond3A_157 : i32
      scf.if %cond3A_158 {
        %add3A_159 = arith.constant 4 : i32
        %add3A_160 = arith.addi %mul3A_45, %add3A_159 : i32
        %add3A_161 = arith.constant 3 : i32
        %add3A_162 = arith.addi %add3A_160, %add3A_161 : i32
        %dma_start3A_163 = arith.constant 0 : i32
        %dma_start3A_164 = tpu.memref_slice %arg7[%add3A_162, %dma_start3A_163] : memref<160x125xi32, #tpu.memory_space<vmem>> -> memref<1x125xi32, #tpu.memory_space<vmem>>
        %dma_start3A_165 = tpu.memref_squeeze %dma_start3A_164 : memref<1x125xi32, #tpu.memory_space<vmem>> -> memref<125xi32, #tpu.memory_space<vmem>>
        %dma_start3A_166 = arith.constant 0 : i32
        %dma_start3A_167 = arith.constant 0 : i32
        %dma_start3A_168 = tpu.memref_slice %arg2[%dma_start3A_166, %dma_start3A_167] : memref<20000x64xf32, #tpu.memory_space<hbm>> -> memref<20000x64xf32, #tpu.memory_space<hbm>>
        tpu.enqueue_indirect_dma source(%dma_start3A_168 : memref<20000x64xf32, #tpu.memory_space<hbm>>) target(%arg12 : memref<125x64xf32, #tpu.memory_space<vmem>>) offsets(%dma_start3A_165 : memref<125xi32, #tpu.memory_space<vmem>>) semaphore(%arg16 : memref<!tpu.dma_semaphore, #tpu.memory_space<semaphore_mem>>)
      } else {
      }
    }
    %scan3A_33 = arith.constant 40 : i32
    %barrier3A_34 = arith.constant 0 : index
    tpu.barrier barrier_id(%barrier3A_34)
    %mul3A = arith.constant 624 : i32
    %mul3A_35 = arith.muli %arg1, %mul3A : i32
    %mul3A_36 = arith.constant 624 : i32
    %mul3A_37 = arith.muli %arg1, %mul3A_36 : i32
    "tpu.region"() ({
      %run_scoped3A = tpu.sem_alloc : memref<!tpu.dma_semaphore, #tpu.memory_space<semaphore_mem>>
      %dma_start3A_43 = arith.constant 0 : i32
      %dma_start3A_44 = tpu.memref_slice %arg6[%arg0, %mul3A_37, %dma_start3A_43] : memref<2x10000x64xf32, #tpu.memory_space<hbm>> -> memref<1x624x64xf32, #tpu.memory_space<hbm>>
      %dma_start3A_45 = tpu.memref_squeeze %dma_start3A_44 : memref<1x624x64xf32, #tpu.memory_space<hbm>> -> memref<624x64xf32, #tpu.memory_space<hbm>>
      %dma_start3A_46 = arith.constant 0 : i32
      %dma_start3A_47 = tpu.memref_slice %arg21[%mul3A_35, %dma_start3A_46] : memref<10000x64xf32, #tpu.memory_space<vmem_shared>> -> memref<624x64xf32, #tpu.memory_space<vmem_shared>>
      tpu.enqueue_dma source(%dma_start3A_47 : memref<624x64xf32, #tpu.memory_space<vmem_shared>>) target(%dma_start3A_45 : memref<624x64xf32, #tpu.memory_space<hbm>>) target_semaphore(%run_scoped3A : memref<!tpu.dma_semaphore, #tpu.memory_space<semaphore_mem>>)
      %dma_wait3A = arith.constant 0 : i32
      %dma_wait3A_48 = tpu.memref_slice %arg6[%arg0, %mul3A_37, %dma_wait3A] : memref<2x10000x64xf32, #tpu.memory_space<hbm>> -> memref<1x624x64xf32, #tpu.memory_space<hbm>>
      %dma_wait3A_49 = tpu.memref_squeeze %dma_wait3A_48 : memref<1x624x64xf32, #tpu.memory_space<hbm>> -> memref<624x64xf32, #tpu.memory_space<hbm>>
      %dma_wait3A_50 = arith.constant 0 : i32
      %dma_wait3A_51 = tpu.memref_slice %arg21[%mul3A_35, %dma_wait3A_50] : memref<10000x64xf32, #tpu.memory_space<vmem_shared>> -> memref<624x64xf32, #tpu.memory_space<vmem_shared>>
      tpu.wait_dma2 semaphore(%run_scoped3A : memref<!tpu.dma_semaphore, #tpu.memory_space<semaphore_mem>>) src(%dma_wait3A_51 : memref<624x64xf32, #tpu.memory_space<vmem_shared>>) dst(%dma_wait3A_49 : memref<624x64xf32, #tpu.memory_space<hbm>>)
      tpu.yield
    }) : () -> ()
    %eq3A_38 = arith.constant 0 : i32
    %eq3A_39 = arith.cmpi eq, %arg1, %eq3A_38 : i32
    %convert_element_type3A_40 = arith.extui %eq3A_39 : i1 to i32
    %cond3A_41 = arith.constant 0 : i32
    %cond3A_42 = arith.cmpi ne, %convert_element_type3A_40, %cond3A_41 : i32
    scf.if %cond3A_42 {
      "tpu.region"() ({
        %run_scoped3A = tpu.sem_alloc : memref<!tpu.dma_semaphore, #tpu.memory_space<semaphore_mem>>
        %dma_start3A_43 = arith.constant 9984 : i32
        %dma_start3A_44 = arith.constant 0 : i32
        %dma_start3A_45 = tpu.memref_slice %arg6[%arg0, %dma_start3A_43, %dma_start3A_44] : memref<2x10000x64xf32, #tpu.memory_space<hbm>> -> memref<1x16x64xf32, #tpu.memory_space<hbm>>
        %dma_start3A_46 = tpu.memref_squeeze %dma_start3A_45 : memref<1x16x64xf32, #tpu.memory_space<hbm>> -> memref<16x64xf32, #tpu.memory_space<hbm>>
        %dma_start3A_47 = arith.constant 9984 : i32
        %dma_start3A_48 = arith.constant 0 : i32
        %dma_start3A_49 = tpu.memref_slice %arg21[%dma_start3A_47, %dma_start3A_48] : memref<10000x64xf32, #tpu.memory_space<vmem_shared>> -> memref<16x64xf32, #tpu.memory_space<vmem_shared>>
        tpu.enqueue_dma source(%dma_start3A_49 : memref<16x64xf32, #tpu.memory_space<vmem_shared>>) target(%dma_start3A_46 : memref<16x64xf32, #tpu.memory_space<hbm>>) target_semaphore(%run_scoped3A : memref<!tpu.dma_semaphore, #tpu.memory_space<semaphore_mem>>)
        %dma_wait3A = arith.constant 9984 : i32
        %dma_wait3A_50 = arith.constant 0 : i32
        %dma_wait3A_51 = tpu.memref_slice %arg6[%arg0, %dma_wait3A, %dma_wait3A_50] : memref<2x10000x64xf32, #tpu.memory_space<hbm>> -> memref<1x16x64xf32, #tpu.memory_space<hbm>>
        %dma_wait3A_52 = tpu.memref_squeeze %dma_wait3A_51 : memref<1x16x64xf32, #tpu.memory_space<hbm>> -> memref<16x64xf32, #tpu.memory_space<hbm>>
        %dma_wait3A_53 = arith.constant 9984 : i32
        %dma_wait3A_54 = arith.constant 0 : i32
        %dma_wait3A_55 = tpu.memref_slice %arg21[%dma_wait3A_53, %dma_wait3A_54] : memref<10000x64xf32, #tpu.memory_space<vmem_shared>> -> memref<16x64xf32, #tpu.memory_space<vmem_shared>>
        tpu.wait_dma2 semaphore(%run_scoped3A : memref<!tpu.dma_semaphore, #tpu.memory_space<semaphore_mem>>) src(%dma_wait3A_55 : memref<16x64xf32, #tpu.memory_space<vmem_shared>>) dst(%dma_wait3A_52 : memref<16x64xf32, #tpu.memory_space<hbm>>)
        tpu.yield
      }) : () -> ()
    } else {
    }
    return
  }
}

module attributes {stable_mosaic.version = 14 : i64} {
  func.func @_mm1_body(%arg0: i32, %arg1: memref<1000x128xf32, #tpu.memory_space<vmem>>, %arg2: memref<128x128xf32, #tpu.memory_space<vmem>>, %arg3: memref<1000x16xf32, #tpu.memory_space<vmem>>, %arg4: memref<1000x64xf32, #tpu.memory_space<vmem>>, %arg5: memref<1000x64xf32, #tpu.memory_space<vmem>>, %arg6: memref<1000x1xf32, #tpu.memory_space<vmem>>) attributes {dimension_semantics = [#tpu.dimension_semantics<arbitrary>], iteration_bounds = array<i64: 10>, scalar_prefetch = 0 : i64, scratch_operands = 0 : i64, tpu.core_type = #tpu.core_type<tc>, window_params = [{transform_indices = @transform_0, window_bounds = array<i64: 1000, 128>}, {pipeline_mode = #tpu.pipeline_mode<synchronous>, transform_indices = @transform_1, window_bounds = array<i64: 128, 128>}, {transform_indices = @transform_2, window_bounds = array<i64: 1000, 16>}, {transform_indices = @transform_3, window_bounds = array<i64: 1000, 64>}, {transform_indices = @transform_4, window_bounds = array<i64: 1000, 64>}, {transform_indices = @transform_5, window_bounds = array<i64: 1000, 1>}]} {
    %get3A = arith.constant 0 : index
    %get3A_0 = arith.constant 0 : index
    %get3A_1 = vector.load %arg3[%get3A, %get3A_0] : memref<1000x16xf32, #tpu.memory_space<vmem>>, vector<1000x16xf32>
    %reduce_sum3A = arith.constant dense<0.000000e+00> : vector<1000xf32>
    %reduce_sum3A_2 = vector.multi_reduction <add>, %get3A_1, %reduce_sum3A [1] : vector<1000x16xf32> to vector<1000xf32>
    %broadcast_in_dim3A = vector.shape_cast %reduce_sum3A_2 : vector<1000xf32> to vector<1000x1xf32>
    %add3A = arith.constant 1.000000e+00 : f32
    %add3A_3 = vector.broadcast %add3A : f32 to vector<1000x1xf32>
    %add3A_4 = arith.addf %broadcast_in_dim3A, %add3A_3 : vector<1000x1xf32>
    %rsqrt3A = math.rsqrt %add3A_4 : vector<1000x1xf32>
    %get3A_5 = arith.constant 0 : index
    %get3A_6 = arith.constant 0 : index
    %get3A_7 = vector.load %arg1[%get3A_5, %get3A_6] : memref<1000x128xf32, #tpu.memory_space<vmem>>, vector<1000x128xf32>
    %get3A_8 = arith.constant 0 : index
    %get3A_9 = arith.constant 0 : index
    %get3A_10 = vector.load %arg2[%get3A_8, %get3A_9] : memref<128x128xf32, #tpu.memory_space<vmem>>, vector<128x128xf32>
    %dot_general3A = arith.constant dense<0.000000e+00> : vector<1000x128xf32>
    %dot_general3A_11 = tpu.matmul %get3A_7, %get3A_10, %dot_general3A {dimension_numbers = #tpu.dot_dimension_numbers<[1], [0], [0], [1], [0, 0, 1, 1], [], []>, transpose_lhs_hint = false} : vector<1000x128xf32>, vector<128x128xf32>, vector<1000x128xf32> -> vector<1000x128xf32>
    %mul3A = vector.broadcast %rsqrt3A : vector<1000x1xf32> to vector<1000x128xf32>
    %mul3A_12 = arith.mulf %dot_general3A_11, %mul3A : vector<1000x128xf32>
    %slice3A = vector.extract_strided_slice %mul3A_12 {offsets = [0, 0], sizes = [1000, 64], strides = [1, 1]} : vector<1000x128xf32> to vector<1000x64xf32>
    %swap3A = arith.constant 0 : index
    %swap3A_13 = arith.constant 0 : index
    %swap3A_14 = vector.load %arg4[%swap3A, %swap3A_13] : memref<1000x64xf32, #tpu.memory_space<vmem>>, vector<1000x64xf32>
    tpu.vector_store %arg4[%swap3A, %swap3A_13], %slice3A {strides = array<i32>} : memref<1000x64xf32, #tpu.memory_space<vmem>>, vector<1000x64xf32>,
    %slice3A_15 = vector.extract_strided_slice %mul3A_12 {offsets = [0, 64], sizes = [1000, 64], strides = [1, 1]} : vector<1000x128xf32> to vector<1000x64xf32>
    %swap3A_16 = arith.constant 0 : index
    %swap3A_17 = arith.constant 0 : index
    %swap3A_18 = vector.load %arg5[%swap3A_16, %swap3A_17] : memref<1000x64xf32, #tpu.memory_space<vmem>>, vector<1000x64xf32>
    tpu.vector_store %arg5[%swap3A_16, %swap3A_17], %slice3A_15 {strides = array<i32>} : memref<1000x64xf32, #tpu.memory_space<vmem>>, vector<1000x64xf32>,
    %swap3A_19 = arith.constant 0 : index
    %swap3A_20 = arith.constant 0 : index
    %swap3A_21 = vector.load %arg6[%swap3A_19, %swap3A_20] : memref<1000x1xf32, #tpu.memory_space<vmem>>, vector<1000x1xf32>
    tpu.vector_store %arg6[%swap3A_19, %swap3A_20], %rsqrt3A {strides = array<i32>} : memref<1000x1xf32, #tpu.memory_space<vmem>>, vector<1000x1xf32>,
    return
  }
  func.func @transform_0(%arg0: i32) -> (i32, i32) {
    %c0_i32 = arith.constant 0 : i32
    %c0_i32_0 = arith.constant 0 : i32
    return %arg0, %c0_i32 : i32, i32
  }
  func.func @transform_1(%arg0: i32) -> (i32, i32) {
    %c0_i32 = arith.constant 0 : i32
    %c0_i32_0 = arith.constant 0 : i32
    %c0_i32_1 = arith.constant 0 : i32
    return %c0_i32, %c0_i32_0 : i32, i32
  }
  func.func @transform_2(%arg0: i32) -> (i32, i32) {
    %c0_i32 = arith.constant 0 : i32
    %c0_i32_0 = arith.constant 0 : i32
    return %arg0, %c0_i32 : i32, i32
  }
  func.func @transform_3(%arg0: i32) -> (i32, i32) {
    %c0_i32 = arith.constant 0 : i32
    %c0_i32_0 = arith.constant 0 : i32
    return %arg0, %c0_i32 : i32, i32
  }
  func.func @transform_4(%arg0: i32) -> (i32, i32) {
    %c0_i32 = arith.constant 0 : i32
    %c0_i32_0 = arith.constant 0 : i32
    return %arg0, %c0_i32 : i32, i32
  }
  func.func @transform_5(%arg0: i32) -> (i32, i32) {
    %c0_i32 = arith.constant 0 : i32
    %c0_i32_0 = arith.constant 0 : i32
    return %arg0, %c0_i32 : i32, i32
  }
}

module attributes {stable_mosaic.version = 14 : i64} {
  func.func @_mm_mid_body(%arg0: i32, %arg1: memref<1000x64xf32, #tpu.memory_space<vmem>>, %arg2: memref<1000x64xf32, #tpu.memory_space<vmem>>, %arg3: memref<1000x64xf32, #tpu.memory_space<vmem>>, %arg4: memref<1000x64xf32, #tpu.memory_space<vmem>>, %arg5: memref<1000x1xf32, #tpu.memory_space<vmem>>, %arg6: memref<1x128xf32, #tpu.memory_space<vmem>>, %arg7: memref<128x128xf32, #tpu.memory_space<vmem>>, %arg8: memref<1000x64xf32, #tpu.memory_space<vmem>>, %arg9: memref<1000x64xf32, #tpu.memory_space<vmem>>) attributes {dimension_semantics = [#tpu.dimension_semantics<arbitrary>], iteration_bounds = array<i64: 10>, scalar_prefetch = 0 : i64, scratch_operands = 0 : i64, tpu.core_type = #tpu.core_type<tc>, window_params = [{transform_indices = @transform_0, window_bounds = array<i64: 1000, 64>}, {transform_indices = @transform_1, window_bounds = array<i64: 1000, 64>}, {transform_indices = @transform_2, window_bounds = array<i64: 1000, 64>}, {transform_indices = @transform_3, window_bounds = array<i64: 1000, 64>}, {transform_indices = @transform_4, window_bounds = array<i64: 1000, 1>}, {pipeline_mode = #tpu.pipeline_mode<synchronous>, transform_indices = @transform_5, window_bounds = array<i64: 1, 128>}, {pipeline_mode = #tpu.pipeline_mode<synchronous>, transform_indices = @transform_6, window_bounds = array<i64: 128, 128>}, {transform_indices = @transform_7, window_bounds = array<i64: 1000, 64>}, {transform_indices = @transform_8, window_bounds = array<i64: 1000, 64>}]} {
    %get3A = arith.constant 0 : index
    %get3A_0 = arith.constant 0 : index
    %get3A_1 = vector.load %arg5[%get3A, %get3A_0] : memref<1000x1xf32, #tpu.memory_space<vmem>>, vector<1000x1xf32>
    %get3A_2 = arith.constant 0 : index
    %get3A_3 = arith.constant 0 : index
    %get3A_4 = vector.load %arg1[%get3A_2, %get3A_3] : memref<1000x64xf32, #tpu.memory_space<vmem>>, vector<1000x64xf32>
    %get3A_5 = arith.constant 0 : index
    %get3A_6 = arith.constant 0 : index
    %get3A_7 = vector.load %arg3[%get3A_5, %get3A_6] : memref<1000x64xf32, #tpu.memory_space<vmem>>, vector<1000x64xf32>
    %add3A = arith.addf %get3A_4, %get3A_7 : vector<1000x64xf32>
    %get3A_8 = arith.constant 0 : index
    %get3A_9 = arith.constant 0 : index
    %get3A_10 = vector.load %arg2[%get3A_8, %get3A_9] : memref<1000x64xf32, #tpu.memory_space<vmem>>, vector<1000x64xf32>
    %get3A_11 = arith.constant 0 : index
    %get3A_12 = arith.constant 0 : index
    %get3A_13 = vector.load %arg4[%get3A_11, %get3A_12] : memref<1000x64xf32, #tpu.memory_space<vmem>>, vector<1000x64xf32>
    %add3A_14 = arith.addf %get3A_10, %get3A_13 : vector<1000x64xf32>
    %concatenate3A = tpu.concatenate %add3A, %add3A_14 in 1 : vector<1000x64xf32>, vector<1000x64xf32> -> vector<1000x128xf32>
    %mul3A = vector.broadcast %get3A_1 : vector<1000x1xf32> to vector<1000x128xf32>
    %mul3A_15 = arith.mulf %mul3A, %concatenate3A : vector<1000x128xf32>
    %get3A_16 = arith.constant 0 : index
    %get3A_17 = arith.constant 0 : index
    %get3A_18 = vector.load %arg6[%get3A_16, %get3A_17] : memref<1x128xf32, #tpu.memory_space<vmem>>, vector<1x128xf32>
    %add3A_19 = vector.broadcast %get3A_18 : vector<1x128xf32> to vector<1000x128xf32>
    %add3A_20 = arith.addf %mul3A_15, %add3A_19 : vector<1000x128xf32>
    %max3A = arith.constant 0.000000e+00 : f32
    %max3A_21 = vector.broadcast %max3A : f32 to vector<1000x128xf32>
    %max3A_22 = arith.maximumf %add3A_20, %max3A_21 : vector<1000x128xf32>
    %get3A_23 = arith.constant 0 : index
    %get3A_24 = arith.constant 0 : index
    %get3A_25 = vector.load %arg7[%get3A_23, %get3A_24] : memref<128x128xf32, #tpu.memory_space<vmem>>, vector<128x128xf32>
    %dot_general3A = arith.constant dense<0.000000e+00> : vector<1000x128xf32>
    %dot_general3A_26 = tpu.matmul %max3A_22, %get3A_25, %dot_general3A {dimension_numbers = #tpu.dot_dimension_numbers<[1], [0], [0], [1], [0, 0, 1, 1], [], []>, transpose_lhs_hint = false} : vector<1000x128xf32>, vector<128x128xf32>, vector<1000x128xf32> -> vector<1000x128xf32>
    %mul3A_27 = vector.broadcast %get3A_1 : vector<1000x1xf32> to vector<1000x128xf32>
    %mul3A_28 = arith.mulf %dot_general3A_26, %mul3A_27 : vector<1000x128xf32>
    %slice3A = vector.extract_strided_slice %mul3A_28 {offsets = [0, 0], sizes = [1000, 64], strides = [1, 1]} : vector<1000x128xf32> to vector<1000x64xf32>
    %swap3A = arith.constant 0 : index
    %swap3A_29 = arith.constant 0 : index
    %swap3A_30 = vector.load %arg8[%swap3A, %swap3A_29] : memref<1000x64xf32, #tpu.memory_space<vmem>>, vector<1000x64xf32>
    tpu.vector_store %arg8[%swap3A, %swap3A_29], %slice3A {strides = array<i32>} : memref<1000x64xf32, #tpu.memory_space<vmem>>, vector<1000x64xf32>,
    %slice3A_31 = vector.extract_strided_slice %mul3A_28 {offsets = [0, 64], sizes = [1000, 64], strides = [1, 1]} : vector<1000x128xf32> to vector<1000x64xf32>
    %swap3A_32 = arith.constant 0 : index
    %swap3A_33 = arith.constant 0 : index
    %swap3A_34 = vector.load %arg9[%swap3A_32, %swap3A_33] : memref<1000x64xf32, #tpu.memory_space<vmem>>, vector<1000x64xf32>
    tpu.vector_store %arg9[%swap3A_32, %swap3A_33], %slice3A_31 {strides = array<i32>} : memref<1000x64xf32, #tpu.memory_space<vmem>>, vector<1000x64xf32>,
    return
  }
  func.func @transform_0(%arg0: i32) -> (i32, i32) {
    %c0_i32 = arith.constant 0 : i32
    %c0_i32_0 = arith.constant 0 : i32
    return %arg0, %c0_i32 : i32, i32
  }
  func.func @transform_1(%arg0: i32) -> (i32, i32) {
    %c0_i32 = arith.constant 0 : i32
    %c0_i32_0 = arith.constant 0 : i32
    return %arg0, %c0_i32 : i32, i32
  }
  func.func @transform_2(%arg0: i32) -> (i32, i32) {
    %c0_i32 = arith.constant 0 : i32
    %c0_i32_0 = arith.constant 0 : i32
    return %arg0, %c0_i32 : i32, i32
  }
  func.func @transform_3(%arg0: i32) -> (i32, i32) {
    %c0_i32 = arith.constant 0 : i32
    %c0_i32_0 = arith.constant 0 : i32
    return %arg0, %c0_i32 : i32, i32
  }
  func.func @transform_4(%arg0: i32) -> (i32, i32) {
    %c0_i32 = arith.constant 0 : i32
    %c0_i32_0 = arith.constant 0 : i32
    return %arg0, %c0_i32 : i32, i32
  }
  func.func @transform_5(%arg0: i32) -> (i32, i32) {
    %c0_i32 = arith.constant 0 : i32
    %c0_i32_0 = arith.constant 0 : i32
    %c0_i32_1 = arith.constant 0 : i32
    return %c0_i32, %c0_i32_0 : i32, i32
  }
  func.func @transform_6(%arg0: i32) -> (i32, i32) {
    %c0_i32 = arith.constant 0 : i32
    %c0_i32_0 = arith.constant 0 : i32
    %c0_i32_1 = arith.constant 0 : i32
    return %c0_i32, %c0_i32_0 : i32, i32
  }
  func.func @transform_7(%arg0: i32) -> (i32, i32) {
    %c0_i32 = arith.constant 0 : i32
    %c0_i32_0 = arith.constant 0 : i32
    return %arg0, %c0_i32 : i32, i32
  }
  func.func @transform_8(%arg0: i32) -> (i32, i32) {
    %c0_i32 = arith.constant 0 : i32
    %c0_i32_0 = arith.constant 0 : i32
    return %arg0, %c0_i32 : i32, i32
  }
}

module attributes {stable_mosaic.version = 14 : i64} {
  func.func @_final_body(%arg0: i32, %arg1: memref<400x64xf32, #tpu.memory_space<vmem>>, %arg2: memref<400x64xf32, #tpu.memory_space<vmem>>, %arg3: memref<400x64xf32, #tpu.memory_space<vmem>>, %arg4: memref<400x64xf32, #tpu.memory_space<vmem>>, %arg5: memref<400x1xf32, #tpu.memory_space<vmem>>, %arg6: memref<1x128xf32, #tpu.memory_space<vmem>>, %arg7: memref<1x1x400xi32, #tpu.memory_space<vmem>>, %arg8: memref<128x256xf32, #tpu.memory_space<vmem>>, %arg9: memref<1x256xf32, #tpu.memory_space<vmem>>, %arg10: memref<256x256xf32, #tpu.memory_space<vmem>>, %arg11: memref<1x256xf32, #tpu.memory_space<vmem>>, %arg12: memref<256x256xf32, #tpu.memory_space<vmem>>, %arg13: memref<1x256xf32, #tpu.memory_space<vmem>>, %arg14: memref<1x256xf32, #tpu.memory_space<vmem>>, %arg15: memref<1x256xf32, #tpu.memory_space<vmem>>, %arg16: memref<1x256xf32, #tpu.memory_space<vmem>>, %arg17: memref<1x256xf32, #tpu.memory_space<vmem>>, %arg18: memref<128x768xf32, #tpu.memory_space<vmem>>, %arg19: memref<768x256xf32, #tpu.memory_space<vmem>>, %arg20: memref<1x256xf32, #tpu.memory_space<vmem>>, %arg21: memref<1x1xf32, #tpu.memory_space<vmem>>, %arg22: memref<128x256xf32, #tpu.memory_space<vmem>>, %arg23: memref<128x256xf32, #tpu.memory_space<vmem>>, %arg24: memref<128x256xf32, #tpu.memory_space<vmem>>) attributes {dimension_semantics = [#tpu.dimension_semantics<arbitrary>], iteration_bounds = array<i64: 26>, scalar_prefetch = 0 : i64, scratch_operands = 1 : i64, tpu.core_type = #tpu.core_type<tc>, window_params = [{transform_indices = @transform_0, window_bounds = array<i64: 400, 64>}, {transform_indices = @transform_1, window_bounds = array<i64: 400, 64>}, {transform_indices = @transform_2, window_bounds = array<i64: 400, 64>}, {transform_indices = @transform_3, window_bounds = array<i64: 400, 64>}, {transform_indices = @transform_4, window_bounds = array<i64: 400, 1>}, {pipeline_mode = #tpu.pipeline_mode<synchronous>, transform_indices = @transform_5, window_bounds = array<i64: 1, 128>}, {transform_indices = @transform_6, window_bounds = array<i64: 1, 1, 400>}, {pipeline_mode = #tpu.pipeline_mode<synchronous>, transform_indices = @transform_7, window_bounds = array<i64: 128, 256>}, {pipeline_mode = #tpu.pipeline_mode<synchronous>, transform_indices = @transform_8, window_bounds = array<i64: 1, 256>}, {pipeline_mode = #tpu.pipeline_mode<synchronous>, transform_indices = @transform_9, window_bounds = array<i64: 256, 256>}, {pipeline_mode = #tpu.pipeline_mode<synchronous>, transform_indices = @transform_10, window_bounds = array<i64: 1, 256>}, {pipeline_mode = #tpu.pipeline_mode<synchronous>, transform_indices = @transform_11, window_bounds = array<i64: 256, 256>}, {pipeline_mode = #tpu.pipeline_mode<synchronous>, transform_indices = @transform_12, window_bounds = array<i64: 1, 256>}, {pipeline_mode = #tpu.pipeline_mode<synchronous>, transform_indices = @transform_13, window_bounds = array<i64: 1, 256>}, {pipeline_mode = #tpu.pipeline_mode<synchronous>, transform_indices = @transform_14, window_bounds = array<i64: 1, 256>}, {pipeline_mode = #tpu.pipeline_mode<synchronous>, transform_indices = @transform_15, window_bounds = array<i64: 1, 256>}, {pipeline_mode = #tpu.pipeline_mode<synchronous>, transform_indices = @transform_16, window_bounds = array<i64: 1, 256>}, {pipeline_mode = #tpu.pipeline_mode<synchronous>, transform_indices = @transform_17, window_bounds = array<i64: 128, 768>}, {pipeline_mode = #tpu.pipeline_mode<synchronous>, transform_indices = @transform_18, window_bounds = array<i64: 768, 256>}, {pipeline_mode = #tpu.pipeline_mode<synchronous>, transform_indices = @transform_19, window_bounds = array<i64: 1, 256>}, {pipeline_mode = #tpu.pipeline_mode<synchronous>, transform_indices = @transform_20, window_bounds = array<i64: 1, 1>}, {pipeline_mode = #tpu.pipeline_mode<synchronous>, transform_indices = @transform_21, window_bounds = array<i64: 128, 256>}, {pipeline_mode = #tpu.pipeline_mode<synchronous>, transform_indices = @transform_22, window_bounds = array<i64: 128, 256>}]} {
    %eq3A = arith.constant 0 : i32
    %eq3A_0 = arith.cmpi eq, %arg0, %eq3A : i32
    %convert_element_type3A = arith.extui %eq3A_0 : i1 to i32
    %cond3A = arith.constant 0 : i32
    %cond3A_1 = arith.cmpi ne, %convert_element_type3A, %cond3A : i32
    scf.if %cond3A_1 {
      %broadcast_in_dim3A = arith.constant 0.000000e+00 : f32
      %broadcast_in_dim3A_11 = vector.broadcast %broadcast_in_dim3A : f32 to vector<128x256xf32>
      %swap3A = arith.constant 0 : index
      %swap3A_12 = arith.constant 0 : index
      %swap3A_13 = vector.load %arg24[%swap3A, %swap3A_12] : memref<128x256xf32, #tpu.memory_space<vmem>>, vector<128x256xf32>
      tpu.vector_store %arg24[%swap3A, %swap3A_12], %broadcast_in_dim3A_11 {strides = array<i32>} : memref<128x256xf32, #tpu.memory_space<vmem>>, vector<128x256xf32>,
    } else {
    }
    %lt3A = arith.constant 25 : i32
    %lt3A_2 = arith.cmpi slt, %arg0, %lt3A : i32
    %convert_element_type3A_3 = arith.extui %lt3A_2 : i1 to i32
    %cond3A_4 = arith.constant 0 : i32
    %cond3A_5 = arith.cmpi ne, %convert_element_type3A_3, %cond3A_4 : i32
    scf.if %cond3A_5 {
      %get3A = arith.constant 0 : index
      %get3A_11 = arith.constant 0 : index
      %get3A_12 = vector.load %arg1[%get3A, %get3A_11] : memref<400x64xf32, #tpu.memory_space<vmem>>, vector<400x64xf32>
      %get3A_13 = arith.constant 0 : index
      %get3A_14 = arith.constant 0 : index
      %get3A_15 = vector.load %arg3[%get3A_13, %get3A_14] : memref<400x64xf32, #tpu.memory_space<vmem>>, vector<400x64xf32>
      %add3A = arith.addf %get3A_12, %get3A_15 : vector<400x64xf32>
      %get3A_16 = arith.constant 0 : index
      %get3A_17 = arith.constant 0 : index
      %get3A_18 = vector.load %arg2[%get3A_16, %get3A_17] : memref<400x64xf32, #tpu.memory_space<vmem>>, vector<400x64xf32>
      %get3A_19 = arith.constant 0 : index
      %get3A_20 = arith.constant 0 : index
      %get3A_21 = vector.load %arg4[%get3A_19, %get3A_20] : memref<400x64xf32, #tpu.memory_space<vmem>>, vector<400x64xf32>
      %add3A_22 = arith.addf %get3A_18, %get3A_21 : vector<400x64xf32>
      %concatenate3A = tpu.concatenate %add3A, %add3A_22 in 1 : vector<400x64xf32>, vector<400x64xf32> -> vector<400x128xf32>
      %get3A_23 = arith.constant 0 : index
      %get3A_24 = arith.constant 0 : index
      %get3A_25 = vector.load %arg5[%get3A_23, %get3A_24] : memref<400x1xf32, #tpu.memory_space<vmem>>, vector<400x1xf32>
      %mul3A = vector.broadcast %get3A_25 : vector<400x1xf32> to vector<400x128xf32>
      %mul3A_26 = arith.mulf %mul3A, %concatenate3A : vector<400x128xf32>
      %get3A_27 = arith.constant 0 : index
      %get3A_28 = arith.constant 0 : index
      %get3A_29 = vector.load %arg6[%get3A_27, %get3A_28] : memref<1x128xf32, #tpu.memory_space<vmem>>, vector<1x128xf32>
      %add3A_30 = vector.broadcast %get3A_29 : vector<1x128xf32> to vector<400x128xf32>
      %add3A_31 = arith.addf %mul3A_26, %add3A_30 : vector<400x128xf32>
      %get3A_32 = arith.constant 0 : index
      %get3A_33 = arith.constant 0 : index
      %get3A_34 = arith.constant 0 : index
      %get3A_35 = vector.load %arg7[%get3A_32, %get3A_33, %get3A_34] : memref<1x1x400xi32, #tpu.memory_space<vmem>>, vector<1x1x400xi32>
      %get3A_36 = vector.shape_cast %get3A_35 : vector<1x1x400xi32> to vector<400xi32>
      %broadcast_in_dim3A = vector.shape_cast %get3A_36 : vector<400xi32> to vector<400x1xi32>
      %iota3A = tpu.iota {dimensions = array<i32: 1>} : vector<400x128xi32>
      %eq3A_37 = vector.broadcast %broadcast_in_dim3A : vector<400x1xi32> to vector<400x128xi32>
      %eq3A_38 = arith.cmpi eq, %eq3A_37, %iota3A : vector<400x128xi32>
      %convert_element_type3A_39 = arith.extui %eq3A_38 : vector<400x128xi1> to vector<400x128xi32>
      %convert_element_type3A_40 = arith.sitofp %convert_element_type3A_39 : vector<400x128xi32> to vector<400x128xf32>
      %broadcast_in_dim3A_41 = arith.constant 1.000000e+00 : f32
      %broadcast_in_dim3A_42 = vector.broadcast %broadcast_in_dim3A_41 : f32 to vector<400x128xf32>
      %concatenate3A_43 = tpu.concatenate %add3A_31, %broadcast_in_dim3A_42 in 1 : vector<400x128xf32>, vector<400x128xf32> -> vector<400x256xf32>
      %get3A_44 = arith.constant 0 : index
      %get3A_45 = arith.constant 0 : index
      %get3A_46 = vector.load %arg24[%get3A_44, %get3A_45] : memref<128x256xf32, #tpu.memory_space<vmem>>, vector<128x256xf32>
      %dot_general3A = arith.constant dense<0.000000e+00> : vector<128x256xf32>
      %dot_general3A_47 = tpu.matmul %convert_element_type3A_40, %concatenate3A_43, %dot_general3A {dimension_numbers = #tpu.dot_dimension_numbers<[0], [0], [1], [1], [0, 1, 1, 1], [], []>, transpose_lhs_hint = false} : vector<400x128xf32>, vector<400x256xf32>, vector<128x256xf32> -> vector<128x256xf32>
      %add3A_48 = arith.addf %get3A_46, %dot_general3A_47 : vector<128x256xf32>
      %swap3A = arith.constant 0 : index
      %swap3A_49 = arith.constant 0 : index
      %swap3A_50 = vector.load %arg24[%swap3A, %swap3A_49] : memref<128x256xf32, #tpu.memory_space<vmem>>, vector<128x256xf32>
      tpu.vector_store %arg24[%swap3A, %swap3A_49], %add3A_48 {strides = array<i32>} : memref<128x256xf32, #tpu.memory_space<vmem>>, vector<128x256xf32>,
    } else {
    }
    %eq3A_6 = arith.constant 25 : i32
    %eq3A_7 = arith.cmpi eq, %arg0, %eq3A_6 : i32
    %convert_element_type3A_8 = arith.extui %eq3A_7 : i1 to i32
    %cond3A_9 = arith.constant 0 : i32
    %cond3A_10 = arith.cmpi ne, %convert_element_type3A_8, %cond3A_9 : i32
    scf.if %cond3A_10 {
      %get3A = arith.constant 0 : index
      %get3A_11 = arith.constant 0 : index
      %get3A_12 = vector.load %arg21[%get3A, %get3A_11] : memref<1x1xf32, #tpu.memory_space<vmem>>, vector<1x1xf32>
      %get3A_13 = vector.extract %get3A_12[0, 0] : f32 from vector<1x1xf32>
      %exp3A = math.exp %get3A_13 : f32
      %get3A_14 = arith.constant 0 : index
      %get3A_15 = arith.constant 0 : index
      %get3A_16 = vector.load %arg24[%get3A_14, %get3A_15] : memref<128x256xf32, #tpu.memory_space<vmem>>, vector<128x128xf32>
      %get3A_17 = arith.constant 0 : index
      %get3A_18 = arith.constant 128 : index
      %get3A_19 = vector.load %arg24[%get3A_17, %get3A_18] : memref<128x256xf32, #tpu.memory_space<vmem>>, vector<128x1xf32>
      %max3A = arith.constant 1.000000e+00 : f32
      %max3A_20 = vector.broadcast %max3A : f32 to vector<128x1xf32>
      %max3A_21 = arith.maximumf %get3A_19, %max3A_20 : vector<128x1xf32>
      %div3A = vector.broadcast %max3A_21 : vector<128x1xf32> to vector<128x128xf32>
      %div3A_22 = arith.divf %get3A_16, %div3A : vector<128x128xf32>
      %get3A_23 = arith.constant 0 : index
      %get3A_24 = arith.constant 0 : index
      %get3A_25 = vector.load %arg8[%get3A_23, %get3A_24] : memref<128x256xf32, #tpu.memory_space<vmem>>, vector<128x256xf32>
      %dot_general3A = arith.constant dense<0.000000e+00> : vector<128x256xf32>
      %dot_general3A_26 = tpu.matmul %div3A_22, %get3A_25, %dot_general3A {dimension_numbers = #tpu.dot_dimension_numbers<[1], [0], [0], [1], [0, 0, 1, 1], [], []>, transpose_lhs_hint = false} : vector<128x128xf32>, vector<128x256xf32>, vector<128x256xf32> -> vector<128x256xf32>
      %get3A_27 = arith.constant 0 : index
      %get3A_28 = arith.constant 0 : index
      %get3A_29 = vector.load %arg9[%get3A_27, %get3A_28] : memref<1x256xf32, #tpu.memory_space<vmem>>, vector<1x256xf32>
      %add3A = vector.broadcast %get3A_29 : vector<1x256xf32> to vector<128x256xf32>
      %add3A_30 = arith.addf %dot_general3A_26, %add3A : vector<128x256xf32>
      %max3A_31 = arith.constant 0.000000e+00 : f32
      %max3A_32 = vector.broadcast %max3A_31 : f32 to vector<128x256xf32>
      %max3A_33 = arith.maximumf %add3A_30, %max3A_32 : vector<128x256xf32>
      %get3A_34 = arith.constant 0 : index
      %get3A_35 = arith.constant 0 : index
      %get3A_36 = vector.load %arg10[%get3A_34, %get3A_35] : memref<256x256xf32, #tpu.memory_space<vmem>>, vector<256x256xf32>
      %dot_general3A_37 = arith.constant dense<0.000000e+00> : vector<128x256xf32>
      %dot_general3A_38 = tpu.matmul %max3A_33, %get3A_36, %dot_general3A_37 {dimension_numbers = #tpu.dot_dimension_numbers<[1], [0], [0], [1], [0, 0, 1, 1], [], []>, transpose_lhs_hint = false} : vector<128x256xf32>, vector<256x256xf32>, vector<128x256xf32> -> vector<128x256xf32>
      %get3A_39 = arith.constant 0 : index
      %get3A_40 = arith.constant 0 : index
      %get3A_41 = vector.load %arg11[%get3A_39, %get3A_40] : memref<1x256xf32, #tpu.memory_space<vmem>>, vector<1x256xf32>
      %add3A_42 = vector.broadcast %get3A_41 : vector<1x256xf32> to vector<128x256xf32>
      %add3A_43 = arith.addf %dot_general3A_38, %add3A_42 : vector<128x256xf32>
      %max3A_44 = arith.constant 0.000000e+00 : f32
      %max3A_45 = vector.broadcast %max3A_44 : f32 to vector<128x256xf32>
      %max3A_46 = arith.maximumf %add3A_43, %max3A_45 : vector<128x256xf32>
      %get3A_47 = arith.constant 0 : index
      %get3A_48 = arith.constant 0 : index
      %get3A_49 = vector.load %arg12[%get3A_47, %get3A_48] : memref<256x256xf32, #tpu.memory_space<vmem>>, vector<256x256xf32>
      %dot_general3A_50 = arith.constant dense<0.000000e+00> : vector<128x256xf32>
      %dot_general3A_51 = tpu.matmul %max3A_46, %get3A_49, %dot_general3A_50 {dimension_numbers = #tpu.dot_dimension_numbers<[1], [0], [0], [1], [0, 0, 1, 1], [], []>, transpose_lhs_hint = false} : vector<128x256xf32>, vector<256x256xf32>, vector<128x256xf32> -> vector<128x256xf32>
      %get3A_52 = arith.constant 0 : index
      %get3A_53 = arith.constant 0 : index
      %get3A_54 = vector.load %arg13[%get3A_52, %get3A_53] : memref<1x256xf32, #tpu.memory_space<vmem>>, vector<1x256xf32>
      %add3A_55 = vector.broadcast %get3A_54 : vector<1x256xf32> to vector<128x256xf32>
      %add3A_56 = arith.addf %dot_general3A_51, %add3A_55 : vector<128x256xf32>
      %get3A_57 = arith.constant 0 : index
      %get3A_58 = arith.constant 0 : index
      %get3A_59 = vector.load %arg14[%get3A_57, %get3A_58] : memref<1x256xf32, #tpu.memory_space<vmem>>, vector<1x256xf32>
      %get3A_60 = arith.constant 0 : index
      %get3A_61 = arith.constant 0 : index
      %get3A_62 = vector.load %arg15[%get3A_60, %get3A_61] : memref<1x256xf32, #tpu.memory_space<vmem>>, vector<1x256xf32>
      %reduce_sum3A = arith.constant dense<0.000000e+00> : vector<128xf32>
      %reduce_sum3A_63 = vector.multi_reduction <add>, %add3A_56, %reduce_sum3A [1] : vector<128x256xf32> to vector<128xf32>
      %broadcast_in_dim3A = vector.shape_cast %reduce_sum3A_63 : vector<128xf32> to vector<128x1xf32>
      %div3A_64 = arith.constant 2.560000e+02 : f32
      %div3A_65 = vector.broadcast %div3A_64 : f32 to vector<128x1xf32>
      %div3A_66 = arith.divf %broadcast_in_dim3A, %div3A_65 : vector<128x1xf32>
      %sub3A = vector.broadcast %div3A_66 : vector<128x1xf32> to vector<128x256xf32>
      %sub3A_67 = arith.subf %add3A_56, %sub3A : vector<128x256xf32>
      %sub3A_68 = vector.broadcast %div3A_66 : vector<128x1xf32> to vector<128x256xf32>
      %sub3A_69 = arith.subf %add3A_56, %sub3A_68 : vector<128x256xf32>
      %mul3A = arith.mulf %sub3A_67, %sub3A_69 : vector<128x256xf32>
      %reduce_sum3A_70 = arith.constant dense<0.000000e+00> : vector<128xf32>
      %reduce_sum3A_71 = vector.multi_reduction <add>, %mul3A, %reduce_sum3A_70 [1] : vector<128x256xf32> to vector<128xf32>
      %broadcast_in_dim3A_72 = vector.shape_cast %reduce_sum3A_71 : vector<128xf32> to vector<128x1xf32>
      %div3A_73 = arith.constant 2.560000e+02 : f32
      %div3A_74 = vector.broadcast %div3A_73 : f32 to vector<128x1xf32>
      %div3A_75 = arith.divf %broadcast_in_dim3A_72, %div3A_74 : vector<128x1xf32>
      %sub3A_76 = vector.broadcast %div3A_66 : vector<128x1xf32> to vector<128x256xf32>
      %sub3A_77 = arith.subf %add3A_56, %sub3A_76 : vector<128x256xf32>
      %add3A_78 = arith.constant 9.99999974E-6 : f32
      %add3A_79 = vector.broadcast %add3A_78 : f32 to vector<128x1xf32>
      %add3A_80 = arith.addf %div3A_75, %add3A_79 : vector<128x1xf32>
      %sqrt3A = math.sqrt %add3A_80 : vector<128x1xf32>
      %div3A_81 = vector.broadcast %sqrt3A : vector<128x1xf32> to vector<128x256xf32>
      %div3A_82 = arith.divf %sub3A_77, %div3A_81 : vector<128x256xf32>
      %mul3A_83 = vector.broadcast %get3A_59 : vector<1x256xf32> to vector<128x256xf32>
      %mul3A_84 = arith.mulf %div3A_82, %mul3A_83 : vector<128x256xf32>
      %add3A_85 = vector.broadcast %get3A_62 : vector<1x256xf32> to vector<128x256xf32>
      %add3A_86 = arith.addf %mul3A_84, %add3A_85 : vector<128x256xf32>
      %mul3A_87 = vector.broadcast %exp3A : f32 to vector<128x256xf32>
      %mul3A_88 = arith.mulf %add3A_86, %mul3A_87 : vector<128x256xf32>
      %swap3A = arith.constant 0 : index
      %swap3A_89 = arith.constant 0 : index
      %swap3A_90 = vector.load %arg23[%swap3A, %swap3A_89] : memref<128x256xf32, #tpu.memory_space<vmem>>, vector<128x256xf32>
      tpu.vector_store %arg23[%swap3A, %swap3A_89], %mul3A_88 {strides = array<i32>} : memref<128x256xf32, #tpu.memory_space<vmem>>, vector<128x256xf32>,
      %get3A_91 = arith.constant 0 : index
      %get3A_92 = arith.constant 0 : index
      %get3A_93 = vector.load %arg18[%get3A_91, %get3A_92] : memref<128x768xf32, #tpu.memory_space<vmem>>, vector<128x768xf32>
      %get3A_94 = arith.constant 0 : index
      %get3A_95 = arith.constant 0 : index
      %get3A_96 = vector.load %arg19[%get3A_94, %get3A_95] : memref<768x256xf32, #tpu.memory_space<vmem>>, vector<768x256xf32>
      %dot_general3A_97 = arith.constant dense<0.000000e+00> : vector<128x256xf32>
      %dot_general3A_98 = tpu.matmul %get3A_93, %get3A_96, %dot_general3A_97 {dimension_numbers = #tpu.dot_dimension_numbers<[1], [0], [0], [1], [0, 0, 1, 1], [], []>, transpose_lhs_hint = false} : vector<128x768xf32>, vector<768x256xf32>, vector<128x256xf32> -> vector<128x256xf32>
      %get3A_99 = arith.constant 0 : index
      %get3A_100 = arith.constant 0 : index
      %get3A_101 = vector.load %arg20[%get3A_99, %get3A_100] : memref<1x256xf32, #tpu.memory_space<vmem>>, vector<1x256xf32>
      %add3A_102 = vector.broadcast %get3A_101 : vector<1x256xf32> to vector<128x256xf32>
      %add3A_103 = arith.addf %dot_general3A_98, %add3A_102 : vector<128x256xf32>
      %get3A_104 = arith.constant 0 : index
      %get3A_105 = arith.constant 0 : index
      %get3A_106 = vector.load %arg16[%get3A_104, %get3A_105] : memref<1x256xf32, #tpu.memory_space<vmem>>, vector<1x256xf32>
      %get3A_107 = arith.constant 0 : index
      %get3A_108 = arith.constant 0 : index
      %get3A_109 = vector.load %arg17[%get3A_107, %get3A_108] : memref<1x256xf32, #tpu.memory_space<vmem>>, vector<1x256xf32>
      %reduce_sum3A_110 = arith.constant dense<0.000000e+00> : vector<128xf32>
      %reduce_sum3A_111 = vector.multi_reduction <add>, %add3A_103, %reduce_sum3A_110 [1] : vector<128x256xf32> to vector<128xf32>
      %broadcast_in_dim3A_112 = vector.shape_cast %reduce_sum3A_111 : vector<128xf32> to vector<128x1xf32>
      %div3A_113 = arith.constant 2.560000e+02 : f32
      %div3A_114 = vector.broadcast %div3A_113 : f32 to vector<128x1xf32>
      %div3A_115 = arith.divf %broadcast_in_dim3A_112, %div3A_114 : vector<128x1xf32>
      %sub3A_116 = vector.broadcast %div3A_115 : vector<128x1xf32> to vector<128x256xf32>
      %sub3A_117 = arith.subf %add3A_103, %sub3A_116 : vector<128x256xf32>
      %sub3A_118 = vector.broadcast %div3A_115 : vector<128x1xf32> to vector<128x256xf32>
      %sub3A_119 = arith.subf %add3A_103, %sub3A_118 : vector<128x256xf32>
      %mul3A_120 = arith.mulf %sub3A_117, %sub3A_119 : vector<128x256xf32>
      %reduce_sum3A_121 = arith.constant dense<0.000000e+00> : vector<128xf32>
      %reduce_sum3A_122 = vector.multi_reduction <add>, %mul3A_120, %reduce_sum3A_121 [1] : vector<128x256xf32> to vector<128xf32>
      %broadcast_in_dim3A_123 = vector.shape_cast %reduce_sum3A_122 : vector<128xf32> to vector<128x1xf32>
      %div3A_124 = arith.constant 2.560000e+02 : f32
      %div3A_125 = vector.broadcast %div3A_124 : f32 to vector<128x1xf32>
      %div3A_126 = arith.divf %broadcast_in_dim3A_123, %div3A_125 : vector<128x1xf32>
      %sub3A_127 = vector.broadcast %div3A_115 : vector<128x1xf32> to vector<128x256xf32>
      %sub3A_128 = arith.subf %add3A_103, %sub3A_127 : vector<128x256xf32>
      %add3A_129 = arith.constant 9.99999974E-6 : f32
      %add3A_130 = vector.broadcast %add3A_129 : f32 to vector<128x1xf32>
      %add3A_131 = arith.addf %div3A_126, %add3A_130 : vector<128x1xf32>
      %sqrt3A_132 = math.sqrt %add3A_131 : vector<128x1xf32>
      %div3A_133 = vector.broadcast %sqrt3A_132 : vector<128x1xf32> to vector<128x256xf32>
      %div3A_134 = arith.divf %sub3A_128, %div3A_133 : vector<128x256xf32>
      %mul3A_135 = vector.broadcast %get3A_106 : vector<1x256xf32> to vector<128x256xf32>
      %mul3A_136 = arith.mulf %div3A_134, %mul3A_135 : vector<128x256xf32>
      %add3A_137 = vector.broadcast %get3A_109 : vector<1x256xf32> to vector<128x256xf32>
      %add3A_138 = arith.addf %mul3A_136, %add3A_137 : vector<128x256xf32>
      %mul3A_139 = vector.broadcast %exp3A : f32 to vector<128x256xf32>
      %mul3A_140 = arith.mulf %add3A_138, %mul3A_139 : vector<128x256xf32>
      %swap3A_141 = arith.constant 0 : index
      %swap3A_142 = arith.constant 0 : index
      %swap3A_143 = vector.load %arg22[%swap3A_141, %swap3A_142] : memref<128x256xf32, #tpu.memory_space<vmem>>, vector<128x256xf32>
      tpu.vector_store %arg22[%swap3A_141, %swap3A_142], %mul3A_140 {strides = array<i32>} : memref<128x256xf32, #tpu.memory_space<vmem>>, vector<128x256xf32>,
    } else {
    }
    return
  }
  func.func @transform_0(%arg0: i32) -> (i32, i32) {
    %min3A = arith.constant 24 : i32
    %min3A_0 = arith.minsi %arg0, %min3A : i32
    %c0_i32 = arith.constant 0 : i32
    %c0_i32_1 = arith.constant 0 : i32
    return %min3A_0, %c0_i32 : i32, i32
  }
  func.func @transform_1(%arg0: i32) -> (i32, i32) {
    %min3A = arith.constant 24 : i32
    %min3A_0 = arith.minsi %arg0, %min3A : i32
    %c0_i32 = arith.constant 0 : i32
    %c0_i32_1 = arith.constant 0 : i32
    return %min3A_0, %c0_i32 : i32, i32
  }
  func.func @transform_2(%arg0: i32) -> (i32, i32) {
    %min3A = arith.constant 24 : i32
    %min3A_0 = arith.minsi %arg0, %min3A : i32
    %c0_i32 = arith.constant 0 : i32
    %c0_i32_1 = arith.constant 0 : i32
    return %min3A_0, %c0_i32 : i32, i32
  }
  func.func @transform_3(%arg0: i32) -> (i32, i32) {
    %min3A = arith.constant 24 : i32
    %min3A_0 = arith.minsi %arg0, %min3A : i32
    %c0_i32 = arith.constant 0 : i32
    %c0_i32_1 = arith.constant 0 : i32
    return %min3A_0, %c0_i32 : i32, i32
  }
  func.func @transform_4(%arg0: i32) -> (i32, i32) {
    %min3A = arith.constant 24 : i32
    %min3A_0 = arith.minsi %arg0, %min3A : i32
    %c0_i32 = arith.constant 0 : i32
    %c0_i32_1 = arith.constant 0 : i32
    return %min3A_0, %c0_i32 : i32, i32
  }
  func.func @transform_5(%arg0: i32) -> (i32, i32) {
    %c0_i32 = arith.constant 0 : i32
    %c0_i32_0 = arith.constant 0 : i32
    %c0_i32_1 = arith.constant 0 : i32
    return %c0_i32, %c0_i32_0 : i32, i32
  }
  func.func @transform_6(%arg0: i32) -> (i32, i32, i32) {
    %min3A = arith.constant 24 : i32
    %min3A_0 = arith.minsi %arg0, %min3A : i32
    %c0_i32 = arith.constant 0 : i32
    %c0_i32_1 = arith.constant 0 : i32
    %c0_i32_2 = arith.constant 0 : i32
    return %min3A_0, %c0_i32, %c0_i32_1 : i32, i32, i32
  }
  func.func @transform_7(%arg0: i32) -> (i32, i32) {
    %c0_i32 = arith.constant 0 : i32
    %c0_i32_0 = arith.constant 0 : i32
    %c0_i32_1 = arith.constant 0 : i32
    return %c0_i32, %c0_i32_0 : i32, i32
  }
  func.func @transform_8(%arg0: i32) -> (i32, i32) {
    %c0_i32 = arith.constant 0 : i32
    %c0_i32_0 = arith.constant 0 : i32
    %c0_i32_1 = arith.constant 0 : i32
    return %c0_i32, %c0_i32_0 : i32, i32
  }
  func.func @transform_9(%arg0: i32) -> (i32, i32) {
    %c0_i32 = arith.constant 0 : i32
    %c0_i32_0 = arith.constant 0 : i32
    %c0_i32_1 = arith.constant 0 : i32
    return %c0_i32, %c0_i32_0 : i32, i32
  }
  func.func @transform_10(%arg0: i32) -> (i32, i32) {
    %c0_i32 = arith.constant 0 : i32
    %c0_i32_0 = arith.constant 0 : i32
    %c0_i32_1 = arith.constant 0 : i32
    return %c0_i32, %c0_i32_0 : i32, i32
  }
  func.func @transform_11(%arg0: i32) -> (i32, i32) {
    %c0_i32 = arith.constant 0 : i32
    %c0_i32_0 = arith.constant 0 : i32
    %c0_i32_1 = arith.constant 0 : i32
    return %c0_i32, %c0_i32_0 : i32, i32
  }
  func.func @transform_12(%arg0: i32) -> (i32, i32) {
    %c0_i32 = arith.constant 0 : i32
    %c0_i32_0 = arith.constant 0 : i32
    %c0_i32_1 = arith.constant 0 : i32
    return %c0_i32, %c0_i32_0 : i32, i32
  }
  func.func @transform_13(%arg0: i32) -> (i32, i32) {
    %c0_i32 = arith.constant 0 : i32
    %c0_i32_0 = arith.constant 0 : i32
    %c0_i32_1 = arith.constant 0 : i32
    return %c0_i32, %c0_i32_0 : i32, i32
  }
  func.func @transform_14(%arg0: i32) -> (i32, i32) {
    %c0_i32 = arith.constant 0 : i32
    %c0_i32_0 = arith.constant 0 : i32
    %c0_i32_1 = arith.constant 0 : i32
    return %c0_i32, %c0_i32_0 : i32, i32
  }
  func.func @transform_15(%arg0: i32) -> (i32, i32) {
    %c0_i32 = arith.constant 0 : i32
    %c0_i32_0 = arith.constant 0 : i32
    %c0_i32_1 = arith.constant 0 : i32
    return %c0_i32, %c0_i32_0 : i32, i32
  }
  func.func @transform_16(%arg0: i32) -> (i32, i32) {
    %c0_i32 = arith.constant 0 : i32
    %c0_i32_0 = arith.constant 0 : i32
    %c0_i32_1 = arith.constant 0 : i32
    return %c0_i32, %c0_i32_0 : i32, i32
  }
  func.func @transform_17(%arg0: i32) -> (i32, i32) {
    %c0_i32 = arith.constant 0 : i32
    %c0_i32_0 = arith.constant 0 : i32
    %c0_i32_1 = arith.constant 0 : i32
    return %c0_i32, %c0_i32_0 : i32, i32
  }
  func.func @transform_18(%arg0: i32) -> (i32, i32) {
    %c0_i32 = arith.constant 0 : i32
    %c0_i32_0 = arith.constant 0 : i32
    %c0_i32_1 = arith.constant 0 : i32
    return %c0_i32, %c0_i32_0 : i32, i32
  }
  func.func @transform_19(%arg0: i32) -> (i32, i32) {
    %c0_i32 = arith.constant 0 : i32
    %c0_i32_0 = arith.constant 0 : i32
    %c0_i32_1 = arith.constant 0 : i32
    return %c0_i32, %c0_i32_0 : i32, i32
  }
  func.func @transform_20(%arg0: i32) -> (i32, i32) {
    %c0_i32 = arith.constant 0 : i32
    %c0_i32_0 = arith.constant 0 : i32
    %c0_i32_1 = arith.constant 0 : i32
    return %c0_i32, %c0_i32_0 : i32, i32
  }
  func.func @transform_21(%arg0: i32) -> (i32, i32) {
    %c0_i32 = arith.constant 0 : i32
    %c0_i32_0 = arith.constant 0 : i32
    %c0_i32_1 = arith.constant 0 : i32
    return %c0_i32, %c0_i32_0 : i32, i32
  }
  func.func @transform_22(%arg0: i32) -> (i32, i32) {
    %c0_i32 = arith.constant 0 : i32
    %c0_i32_0 = arith.constant 0 : i32
    %c0_i32_1 = arith.constant 0 : i32
    return %c0_i32, %c0_i32_0 : i32, i32
  }
}

</mosaic_0001>

<sc_bundles>
// kernel: kernel.10.cloned.1.call-start
scs
__scs_entry_jumppad:
0x0: {  	(pc) =	sbr.rel $0x88, $3  }
0x1: {  	(tag) =	ssettag $0x0;
	lr =	simm.s32 $0x1  }
0x2: {  	[smem:$0x3F8A] =	sst lr;
	_ =	strace $0xD0000000  }
0x3: {  	_ = 	snop  }
0x4: {  	_ = 	snop  }
0x5: {  	_ = 	snop  }
0x6: {  	_ = 	snop  }
0x7: {  	_ = 	snop  }
__scs_overlays_trampoline_lowered:
0x8: {  	[smem:$0x3F99] =	sst s0  }
0x9: {  	[smem:$0x3F9A] =	sst s1  }
0xa: {  	[smem:$0x3F9B] =	sst s2  }
0xb: {  	[smem:$0x3F9C] =	sst s3  }
0xc: {  	[smem:$0x3F9D] =	sst s4  }
0xd: {  	[smem:$0x3F9E] =	sst s5  }
0xe: {  	[smem:$0x3F9F] =	sst s6  }
0xf: {  	[smem:$0x3FA0] =	sst s7  }
0x10: {  	[smem:$0x3FA1] =	sst s8  }
0x11: {  	[smem:$0x3FA2] =	sst s9;
	s0 =	simm.s32 @!p0 $0x0  }
0x12: {  	s1 =	sld [smem:$0x3F88];
	s0 =	simm.s32 @p0 $0x1  }
0x13: {  	[smem:$0x3FA3] =	sst s0;
	s0 =	simm.s32 @!p1 $0x0  }
0x14: {  	s2 =	sld [smem:$0x3F87];
	s0 =	simm.s32 @p1 $0x1  }
0x15: {  	[smem:$0x3FA4] =	sst s0;
	s0 =	simm.s32 @!p2 $0x0  }
0x16: {  	s3 =	sld [smem:$0x3FDB];
	s0 =	simm.s32 @p2 $0x1  }
0x17: {  	s4 =	simm.s32 $0x1BF5;
	[smem:$0x3FA6] =	sst s0  }
0x18: {  	s0 =	sld [smem:$0x3F89];
	_ =	swait.ge [sflag:s4], $0x0  }
0x19: {  	s7 =	sld [smem:$0x3F8A]  }
0x1a: {  	s8 =	sadd.s32 $0xFFFFE003, lr  }
0x1b: {  	s9 =	sadd.s32 $0xFFFFFEF7, lr;
	s5 =	simm.s32 $0xFFFFFFFF;
	p2 =	slt.u32 s8, $0xFFFFF086  }
0x1c: {  	p1 =	slt.u32 s9, $0xF7A;
	s5 =	simm.s32 @!p2 $0x0  }
0x1d: {  	s5 =	simm.s32 @p1 $0x1;
	p0 =	seq.s32 s7, s2  }
0x1e: {  	s7 =	smul.u32 @!p0 $0xF7A, s2;
	p2 =	seq.s32 @!p0 s5, $0x0  }
0x1f: {  	s9 =	smul.u32 $0xF7A, s1;
	s8 =	simm.s32 @!p0 $0x1BF5;
	p2 =	por !p2, p0  }
0x20: {  	[sflag:s8] =	ssyncset.s32 @!p0 $0xFFFFF086;
	s6 =	sadd.s32 @!p0 s3, s7;
	s7 =	simm.s32 @!p0 $0x108  }
0x21: {  	s3 =	sadd.s32 s3, s9;
	s6 =	sadd.s32 @!p0 $0x88, s6;
	s7 =	simm.s32 @p2 $0x1082  }
0x22: {  	[simem:s7], [sflag:s8] =	dma.local @!p0 [hbm:s6], $0xF7A  }
0x23: {  	s9 =	sor.u32 $0xD0000000, s2;
	s6 =	simm.s32 $0x108;
	_ =	swait.ge @!p0 [sflag:s8], $0x0  }
0x24: {  	s3 =	sadd.s32 $0x88, s3;
	s6 =	simm.s32 @!p1 $0x1082;
	[sflag:s4] =	ssyncset.s32 $0xFFFFF086  }
0x25: {  	[simem:s6], [sflag:s4] =	dma.local [hbm:s3], $0xF7A  }
0x26: {  	[smem:$0x3F8A] =	sst s1;
	(tag) =	ssettag s2;
	_ =	strace s9  }
0x27: {  	s1 =	sld [smem:$0x3F9A]  }
0x28: {  	s2 =	sld [smem:$0x3F9B]  }
0x29: {  	s4 =	sld [smem:$0x3F9D]  }
0x2a: {  	p0 =	seq.s32 s5, $0x0;
	s5 =	sld [smem:$0x3F9E]  }
0x2b: {  	s6 =	sld [smem:$0x3F9F]  }
0x2c: {  	s7 =	sld [smem:$0x3FA0]  }
0x2d: {  	s3 =	simm.s32 $0x108;
	s8 =	sld [smem:$0x3FA1]  }
0x2e: {  	s3 =	simm.s32 @!p0 $0x1082;
	s9 =	sld [smem:$0x3FA2]  }
0x2f: {  	lr =	sadd.s32 s0, s3;
	s0 =	sld [smem:$0x3F99]  }
0x30: {  	s3 =	sld [smem:$0x3F9C]  }
0x31: {  	[smem:$0x3FA5] =	sst s10  }
0x32: {  	s10 =	sld [smem:$0x3FA3];
	_ =	sdelay $0x3  }
0x33: {  	p0 =	seq.s32 s10, $0x1;
	s10 =	sld [smem:$0x3FA5];
	_ =	sdelay $0x3  }
0x34: {  	[smem:$0x3FA5] =	sst s10  }
0x35: {  	s10 =	sld [smem:$0x3FA4];
	_ =	sdelay $0x3  }
0x36: {  	p1 =	seq.s32 s10, $0x1;
	s10 =	sld [smem:$0x3FA5];
	_ =	sdelay $0x3  }
0x37: {  	[smem:$0x3FA5] =	sst s10  }
0x38: {  	s10 =	sld [smem:$0x3FA6]  }
0x39: {  	_ = 	snop;
	(pc) =	sbr.ind lr, $3  }
0x3a: {  	_ = 	snop  }
0x3b: {  	_ = 	snop  }
0x3c: {  	p2 =	seq.s32 s10, $0x1;
	s10 =	sld [smem:$0x3FA5]  }
0x3d: {  	_ =	shalt  }
0x3e: {  	_ =	shalt  }
0x3f: {  	_ =	shalt  }
0x40: {  	_ =	shalt  }
0x41: {  	_ =	shalt  }
0x42: {  	_ =	shalt  }
0x43: {  	_ =	shalt  }
0x44: {  	_ =	shalt  }
0x45: {  	_ =	shalt  }
0x46: {  	_ =	shalt  }
0x47: {  	_ =	shalt  }
0x48: {  	_ =	shalt  }
0x49: {  	_ =	shalt  }
0x4a: {  	_ =	shalt  }
0x4b: {  	_ =	shalt  }
0x4c: {  	_ =	shalt  }
0x4d: {  	_ =	shalt  }
0x4e: {  	_ =	shalt  }
0x4f: {  	_ =	shalt  }
0x50: {  	_ =	shalt  }
0x51: {  	_ =	shalt  }
0x52: {  	_ =	shalt  }
0x53: {  	_ =	shalt  }
0x54: {  	_ =	shalt  }
0x55: {  	_ =	shalt  }
0x56: {  	_ =	shalt  }
0x57: {  	_ =	shalt  }
0x58: {  	_ =	shalt  }
0x59: {  	_ =	shalt  }
0x5a: {  	_ =	shalt  }
0x5b: {  	_ =	shalt  }
0x5c: {  	_ =	shalt  }
0x5d: {  	_ =	shalt  }
0x5e: {  	_ =	shalt  }
0x5f: {  	_ =	shalt  }
0x60: {  	_ =	shalt  }
0x61: {  	_ =	shalt  }
0x62: {  	_ =	shalt  }
0x63: {  	_ =	shalt  }
0x64: {  	_ =	shalt  }
0x65: {  	_ =	shalt  }
0x66: {  	_ =	shalt  }
0x67: {  	_ =	shalt  }
0x68: {  	_ =	shalt  }
0x69: {  	_ =	shalt  }
0x6a: {  	_ =	shalt  }
0x6b: {  	_ =	shalt  }
0x6c: {  	_ =	shalt  }
0x6d: {  	_ =	shalt  }
0x6e: {  	_ =	shalt  }
0x6f: {  	_ =	shalt  }
0x70: {  	_ =	shalt  }
0x71: {  	_ =	shalt  }
0x72: {  	_ =	shalt  }
0x73: {  	_ =	shalt  }
0x74: {  	_ =	shalt  }
0x75: {  	_ =	shalt  }
0x76: {  	_ =	shalt  }
0x77: {  	_ =	shalt  }
0x78: {  	_ =	shalt  }
0x79: {  	_ =	shalt  }
0x7a: {  	_ =	shalt  }
0x7b: {  	_ =	shalt  }
0x7c: {  	_ =	shalt  }
0x7d: {  	_ =	shalt  }
0x7e: {  	_ =	shalt  }
0x7f: {  	_ =	shalt  }
0x80: {  	_ =	shalt  }
0x81: {  	_ =	shalt  }
0x82: {  	_ =	shalt  }
0x83: {  	_ =	shalt  }
0x84: {  	_ =	shalt  }
0x85: {  	_ =	shalt  }
0x86: {  	_ =	shalt  }
0x87: {  	_ =	shalt  }
.Lfunc_end0:
.L_simem_size_0:
called_computation_lowered:
.L_overlay_start_0:
0x88: {  	s2 =	sld [smem:$0x3FD9]  }
0x89: {  	s3 =	sld [smem:$0x3FFE];
	_ =	sdelay $0x1  }
0x8a: {  	s1 =	srdreg.scid  }
0x8b: {  	s0 =	sand.u32 $0x1, s1  }
0x8c: {  	s14 =	sshll.u32 s0, $0xA;
	s2 =	sadd.s32 s3, s2  }
0x8d: {  	s2 =	sadd.s32 s2, s14  }
0x8e: {  	[smem:$0x3FB1] =	sst s2  }
0x8f: {  	_ = 	snop  }
0x90: {  	s2 =	sld [smem:$0x3FD0];
	_ =	sdelay $0x2  }
0x91: {  	s15 =	simm.s32 $0xA;
	s4 =	simm.s32 $0x10  }
0x92: {  	[smem:s4], [sflag:s15] =	dma.local [hbm:s2], $0x1  }
0x93: {  	_ =	swait.eq [sflag:s15], $0x1  }
0x94: {  	[sflag:s15] =	ssyncset.done $0x0  }
0x95: {  	[sflag:s15] =	ssyncadd.s32 $0xFFFFFFFF  }
0x96: {  	s16 =	sld [smem:$0x11];
	(tm) =	ssettm $0x1  }
0x97: {  	s17 =	sld [smem:$0x3FFB];
	_ =	sdelay $0x3  }
0x98: {  	_ =	strace s17  }
0x99: {  	s3 =	sld [smem:$0x3FFC];
	_ =	sdelay $0x3  }
0x9a: {  	_ =	strace s3  }
0x9b: {  	s3 =	sld [smem:$0x3FFD];
	_ =	sdelay $0x3  }
0x9c: {  	_ =	strace s3  }
0x9d: {  	_ =	strace $0x8FFFFFFF  }
0x9e: {  	s18 =	sld [smem:$0x3FDB];
	_ =	sdelay $0x1  }
0x9f: {  	s19 =	simm.s32 $_scs_section_size  }
0xa0: {  	s5 =	simm.s32 $_size__tile_overlayer_lowered;
	s6 =	simm.s32 $_tile_overlayer_lowered  }
0xa1: {  	s22 =	simm.s32 $0x1BFF;
	s21 =	sshll.u32 s6, $0x1;
	s3 =	sadd.s32 s19, s18  }
0xa2: {  	s7 =	simm.s32 $0x0;
	s20 =	sshll.u32 s5, $0x1;
	s5 =	sadd.s32 s21, s3  }
0xa3: {  	[timem:s7], [sflag:s22] =	dma.local [hbm:s5], s20  }
0xa4: {  	_ =	swait.ge [sflag:s22], s20  }
0xa5: {  	s4 =	ssub.s32 $0x0, s20;
	[sflag:s22] =	ssyncset.done $0x0  }
0xa6: {  	[sflag:s22] =	ssyncadd.s32 s4;
	_ =	sdelay $0x1  }
0xa7: {  	s23 =	simm.s32 $0x1B8B  }
0xa8: {  	_ =	swait.ge [sflag:s23], $0x1  }
0xa9: {  	[sflag:s23] =	ssyncset.done $0x0  }
0xaa: {  	s25 =	simm.s32 $0x1B8E;
	s24 =	sld [smem:$0x3FFE];
	[sflag:s23] =	ssyncadd.s32 $0xFFFFFFFF  }
0xab: {  	s26 =	simm.s32 $execute0_lowered;
	[smem:$0x3FD2] =	sst s25  }
0xac: {  	s5 =	sshll.u32 s26, $0x1;
	_ =	strace $0x80000046;
	[dreg:$0x1] =	wrdreg $0xFFFFFFFF  }
0xad: {  	s28 =	simm.s32 $_size_execute0_lowered;
	s3 =	sadd.s32 s3, s5;
	[dreg:$0x0] =	wrdreg $0x0  }
0xae: {  	s5 =	sshll.u32 s28, $0x1;
	[dreg:$0x2] =	wrdreg s3  }
0xaf: {  	[dreg:$0x3] =	wrdreg s5  }
0xb0: {  	[dreg:$0x4] =	wrdreg $0xC0  }
0xb1: {  	_ =	task [dreg:s7], $0x5FFFF  }
0xb2: {  	[dreg:$0x1] =	wrdreg $0xFFFFFFFF  }
0xb3: {  	[dreg:$0x0] =	wrdreg $0x60  }
0xb4: {  	[dreg:$0x2] =	wrdreg s24  }
0xb5: {  	[dreg:$0x3] =	wrdreg s16  }
0xb6: {  	[dreg:$0x4] =	wrdreg $0x68000  }
0xb7: {  	[dreg:$0x5] =	wrdreg $0x9  }
0xb8: {  	_ =	task.clear_ibuf [dreg:s7], $0x6FFFF;
	_ =	strace $0x90000046  }
0xb9: {  	s29 =	simm.s32 $0x9;
	_ =	strace $0x80000048  }
0xba: {  	_ =	swait.ge [sflag:s29], $0x1  }
0xbb: {  	[sflag:s29] =	ssyncadd.s32 $0xFFFFFFFF  }
0xbc: {  	_ =	strace $0x90000048  }
0xbd: {  	_ =	sfence  }
0xbe: {  	s30 =	sld [smem:$0x0];
	_ =	sdelay $0x2  }
0xbf: {  	s31 =	sshll.u32 s1, $0xD;
	s1 =	sshrl.u32 s1, $0x2  }
0xc0: {  	s3 =	sand.u32 $0x4000, s31;
	s1 =	sadd.s32 s1, s30  }
0xc1: {  	s0 =	sor.u32 s3, s0;
	s1 =	sshll.u32 s1, $0x11  }
0xc2: {  	s0 =	sor.u32 s1, s0  }
0xc3: {  	s0 =	sadd.s32 $0x8F2B, s0  }
0xc4: {  	[sflag:s0] =	ssyncadd.remote.s32 $0x1  }
0xc5: {  	_ =	sfence.sel $0xFFFF  }
0xc6: {  	[dreg:$0x0] =	wrdreg $0xFFFFFFFF;
	(pc) =	sbr.abs _section_cstart, $3  }
0xc7: {  	[dreg:$0x1] =	wrdreg $0xFFFFFFFF  }
0xc8: {  	_ =	task.clear_ibuf [dreg:s7], $0x2FFFF;
	_ =	strace $0x9FFFFFFF  }
0xc9: {  	(tm) =	ssettm $0x7FFFFFFF  }
tec
execute0_lowered:
.L_overlay_start_1:
0x0: {  	(tag) =	ssettag $0x1  }
0x1: {  	s5 =	rddreg [dreg:$0x0]  }
0x2: {  	s1 =	rddreg [dreg:$0x1]  }
0x3: {  	s0 =	srdreg.scid;
	s2 =	rddreg [dreg:$0x2]  }
0x4: {  	s11 =	stileid.u32;
	s3 =	simm.s32 $0x0;
	s16 =	simm.s32 $0x0  }
0x5: {  	s4 =	sand.u32 $0x1, s0;
	s0 =	rddreg [dreg:$0x3];
	s10 =	smul.u32 $0x13800, s11  }
0x6: {  	[smem:$0x7FF] =	sst s3;
	s12 =	sadd.s32 $0x35A00, s5;
	s30 =	smul.u32 $0x4E000, s11  }
0x7: {  	s15 =	sadd.s32 $0x138000, s2;
	p0 =	sne.s32 s11, $0x0;
	s13 =	sshll.u32 s11, $0x6  }
0x8: {  	s6 =	sshll.u32 s4, $0x4;
	_ =	strace $0x80000047;
	s7 =	ssub.s32 $0x2, s4  }
0x9: {  	s8 =	smul.u32 $0x138800, s4;
	s4 =	sadd.s32 $0xE800, s5;
	s13 =	sor.u32 $0x1C01, s13  }
0xa: {  	s15 =	sshrl.u32 @!p0 s15, $0x3;
	s6 =	sor.u32 s11, s6;
	s9 =	sshrl.u32 s7, $0x1  }
0xb: {  	s11 =	sshrl.u32 @!p0 s2, $0x3;
	s6 =	smul.u32 $0x500, s6;
	s9 =	ssub.s32 s7, s9  }
0xc: {  	s31 =	sadd.s32 s10, s8;
	s8 =	sshrl.u32 s8, $0x3;
	s7 =	sshrl.u32 s30, $0x2  }
0xd: {  	s10 =	simm.s32 $0x2800;
	s8 =	sadd.s32 s12, s8;
	s14 =	sadd.s32 s7, s2  }
0xe: {  	s6 =	sadd.s32 s6, s5;
	s7 =	sadd.s32 $0x27000, s8;
	s8 =	smax.u32 s9, $0x1  }
0xf: {  	s9 =	simm.s32 $0x1;
	s5 =	sadd.s32 $0x4800, s6;
	s6 =	sshrl.u32 s31, $0x3  }
0x10: {  	s14 =	sshrl.u32 s14, $0x3;
	s6 =	sadd.s32 s12, s6;
	s12 =	simm.s32 $0x7D  }
.LBB2_1:
0x11: {  	[tilespmem:s3], [sflag:$0x1] =	stream.linear.gather [hbm4b:s5+s3], $0x2800, $0x38;
	[tilespmem:$0x7B88] =	vst v63  }
0x12: {  	_ =	swait.ge [sflag:s9], $0x2800  }
0x13: {  	[sflag:s9] =	ssyncset.done $0x0  }
0x14: {  	[sflag:s9] =	ssyncadd.s32 $0xFFFFD800  }
0x15: {  	[tilespmem:s10], [sflag:$0x1] =	stream.linear.gather [hbm4b:s1+s3], $0x3E80, $0x38;
	[tilespmem:$0x7B88] =	vst v63  }
0x16: {  	_ =	swait.ge [sflag:s9], $0x3E80  }
0x17: {  	[sflag:s9] =	ssyncset.done $0x0  }
0x18: {  	s17 =	simm.s32 @!p0 $0x1C01;
	[sflag:s9] =	ssyncadd.s32 $0xFFFFC180  }
0x19: {  	[spmem:s11], [sflag:s17] =	dma.local @!p0 [hbm:s4], $0x27100  }
0x1a: {  	s17 =	simm.s32 @!p0 $0x1  }
0x1b: {  	_ =	swait.ge @!p0 [sflag:s17], $0x27100  }
0x1c: {  	[sflag:s17] =	ssyncset.done @!p0 $0x0  }
0x1d: {  	[sflag:s17] =	ssyncadd.s32 @!p0 $0xFFFD8F00  }
0x1e: {  	s31 =	simm.s32 $0x0;
	[bflag:$0x0] =	sbarrier.arrive $0xFFFF  }
0x1f: {  	[spmem:s2] =	stream.indirect.scatter.add.f32 [tilespmem:s10], [sflag:$0x1], $0x8, s31, s12, $0xb8;
	[tilespmem:$0x7B88] =	vst v63  }
0x20: {  	_ =	swait.ge [sflag:s9], $0x3E8  }
0x21: {  	s17 =	simm.s32 $0x200;
	[sflag:s9] =	ssyncset.done $0x0  }
.LBB2_2:
0x22: {  	s18 =	sshra.s32 s17, $0x2;
	[sflag:s9] =	ssyncadd.s32 $0xFFFFFC18;
	p1 =	sne.s32 s17, $0x9E00  }
0x23: {  	[spmem:s2] =	stream.indirect.scatter.add.f32 [tilespmem:s10], [sflag:$0x1], $0x8, s18, s12, $0xb8;
	[tilespmem:$0x7B88] =	vst v63  }
.Ltmp0:
0x24: {  	_ = 	snop;
	(pc) =	sbr.rel @p1 .LBB2_2-.Ltmp0, $4  }
0x25: {  	_ = 	snop  }
0x26: {  	s17 =	sadd.s32 $0x200, s17  }
0x27: {  	_ =	swait.ge [sflag:s9], $0x3E8  }
0x28: {  	[sflag:s9] =	ssyncset.done $0x0  }
0x29: {  	[sflag:s9] =	ssyncadd.s32 $0xFFFFFC18  }
0x2a: {  	[bflag:$0x0] =	sbarrier.arrive $0xFFFF  }
0x2b: {  	[hbm:s6], [sflag:s13] =	dma.local [spmem:s14], $0x2700  }
0x2c: {  	s16 =	sadd.s32 $0x1, s16;
	_ =	swait.ge [sflag:s9], $0x2700  }
0x2d: {  	p1 =	sne.s32 s16, s8;
	[sflag:s9] =	ssyncset.done $0x0  }
.Ltmp1:
0x2e: {  	s17 =	simm.s32 @!p0 $0x1;
	[sflag:s9] =	ssyncadd.s32 $0xFFFFD900;
	(pc) =	sbr.rel @p1 .LBB2_1-.Ltmp1, $4  }
0x2f: {  	[hbm:s7], [sflag:s13] =	dma.local @!p0 [spmem:s15], $0x100  }
0x30: {  	_ =	swait.ge @!p0 [sflag:s17], $0x100  }
0x31: {  	[sflag:s17] =	ssyncset.done @!p0 $0x0  }
0x32: {  	[sflag:s17] =	ssyncadd.s32 @!p0 $0xFFFFFF00  }
0x33: {  	_ =	sfence.sel $0x180000  }
0x34: {  	[bflag:$0x0] =	sbarrier.arrive $0xFFFF  }
0x35: {  	_ =	strace $0x90000047  }
0x36: {  	s0 =	sadd.s32 @!p0 $0x100000, s0;
	[bflag:$0x2] =	sbarrier.arrive $0xFFFF  }
0x37: {  	[sflag:s0] =	ssyncadd.tile.s32 @!p0 $0x1;
	_ =	shalt  }
.Lfunc_end2:
_tile_overlayer_lowered:
.L_overlay_start_2:
0x38: {  	(tag) =	ssettag $0x2  }
0x39: {  	s0 =	rddreg [dreg:$0x0];
	s2 =	stileid.u32  }
0x3a: {  	s1 =	rddreg [dreg:$0x1];
	p0 =	sne.s32 s2, $0x0  }
0x3b: {  	s3 =	rddreg [dreg:$0x2];
	[bflag:$0x3] =	sbarrier.arrive $0xFFFF;
	s2 =	simm.s32 @!p0 $0x1C01  }
0x3c: {  	[timem:s3], [sflag:s2] =	dma.local @!p0 [hbm:s0], s1  }
0x3d: {  	s0 =	simm.s32 @!p0 $0x1  }
0x3e: {  	_ =	swait.ge @!p0 [sflag:s0], s1  }
0x3f: {  	s1 =	ssub.s32 @!p0 $0x0, s1;
	[sflag:s0] =	ssyncset.done @!p0 $0x0  }
0x40: {  	[sflag:s0] =	ssyncadd.s32 @!p0 s1  }
0x41: {  	[bflag:$0x3] =	sbarrier.arrive $0xFFFF  }
0x42: {  	_ =	shalt  }

// kernel: kernel.13.cloned.1.call-start
scs
__scs_entry_jumppad:
0x0: {  	(pc) =	sbr.rel $0x88, $3  }
0x1: {  	(tag) =	ssettag $0x0;
	lr =	simm.s32 $0x1  }
0x2: {  	[smem:$0x3F8A] =	sst lr;
	_ =	strace $0xD0000000  }
0x3: {  	_ = 	snop  }
0x4: {  	_ = 	snop  }
0x5: {  	_ = 	snop  }
0x6: {  	_ = 	snop  }
0x7: {  	_ = 	snop  }
__scs_overlays_trampoline_lowered:
0x8: {  	[smem:$0x3F99] =	sst s0  }
0x9: {  	[smem:$0x3F9A] =	sst s1  }
0xa: {  	[smem:$0x3F9B] =	sst s2  }
0xb: {  	[smem:$0x3F9C] =	sst s3  }
0xc: {  	[smem:$0x3F9D] =	sst s4  }
0xd: {  	[smem:$0x3F9E] =	sst s5  }
0xe: {  	[smem:$0x3F9F] =	sst s6  }
0xf: {  	[smem:$0x3FA0] =	sst s7  }
0x10: {  	[smem:$0x3FA1] =	sst s8  }
0x11: {  	[smem:$0x3FA2] =	sst s9;
	s0 =	simm.s32 @!p0 $0x0  }
0x12: {  	s1 =	sld [smem:$0x3F88];
	s0 =	simm.s32 @p0 $0x1  }
0x13: {  	[smem:$0x3FA3] =	sst s0;
	s0 =	simm.s32 @!p1 $0x0  }
0x14: {  	s2 =	sld [smem:$0x3F87];
	s0 =	simm.s32 @p1 $0x1  }
0x15: {  	[smem:$0x3FA4] =	sst s0;
	s0 =	simm.s32 @!p2 $0x0  }
0x16: {  	s3 =	sld [smem:$0x3FDB];
	s0 =	simm.s32 @p2 $0x1  }
0x17: {  	s4 =	simm.s32 $0x1BF5;
	[smem:$0x3FA6] =	sst s0  }
0x18: {  	s0 =	sld [smem:$0x3F89];
	_ =	swait.ge [sflag:s4], $0x0  }
0x19: {  	s7 =	sld [smem:$0x3F8A]  }
0x1a: {  	s8 =	sadd.s32 $0xFFFFE003, lr  }
0x1b: {  	s9 =	sadd.s32 $0xFFFFFEF7, lr;
	s5 =	simm.s32 $0xFFFFFFFF;
	p2 =	slt.u32 s8, $0xFFFFF086  }
0x1c: {  	p1 =	slt.u32 s9, $0xF7A;
	s5 =	simm.s32 @!p2 $0x0  }
0x1d: {  	s5 =	simm.s32 @p1 $0x1;
	p0 =	seq.s32 s7, s2  }
0x1e: {  	s7 =	smul.u32 @!p0 $0xF7A, s2;
	p2 =	seq.s32 @!p0 s5, $0x0  }
0x1f: {  	s9 =	smul.u32 $0xF7A, s1;
	s8 =	simm.s32 @!p0 $0x1BF5;
	p2 =	por !p2, p0  }
0x20: {  	[sflag:s8] =	ssyncset.s32 @!p0 $0xFFFFF086;
	s6 =	sadd.s32 @!p0 s3, s7;
	s7 =	simm.s32 @!p0 $0x108  }
0x21: {  	s3 =	sadd.s32 s3, s9;
	s6 =	sadd.s32 @!p0 $0x88, s6;
	s7 =	simm.s32 @p2 $0x1082  }
0x22: {  	[simem:s7], [sflag:s8] =	dma.local @!p0 [hbm:s6], $0xF7A  }
0x23: {  	s9 =	sor.u32 $0xD0000000, s2;
	s6 =	simm.s32 $0x108;
	_ =	swait.ge @!p0 [sflag:s8], $0x0  }
0x24: {  	s3 =	sadd.s32 $0x88, s3;
	s6 =	simm.s32 @!p1 $0x1082;
	[sflag:s4] =	ssyncset.s32 $0xFFFFF086  }
0x25: {  	[simem:s6], [sflag:s4] =	dma.local [hbm:s3], $0xF7A  }
0x26: {  	[smem:$0x3F8A] =	sst s1;
	(tag) =	ssettag s2;
	_ =	strace s9  }
0x27: {  	s1 =	sld [smem:$0x3F9A]  }
0x28: {  	s2 =	sld [smem:$0x3F9B]  }
0x29: {  	s4 =	sld [smem:$0x3F9D]  }
0x2a: {  	p0 =	seq.s32 s5, $0x0;
	s5 =	sld [smem:$0x3F9E]  }
0x2b: {  	s6 =	sld [smem:$0x3F9F]  }
0x2c: {  	s7 =	sld [smem:$0x3FA0]  }
0x2d: {  	s3 =	simm.s32 $0x108;
	s8 =	sld [smem:$0x3FA1]  }
0x2e: {  	s3 =	simm.s32 @!p0 $0x1082;
	s9 =	sld [smem:$0x3FA2]  }
0x2f: {  	lr =	sadd.s32 s0, s3;
	s0 =	sld [smem:$0x3F99]  }
0x30: {  	s3 =	sld [smem:$0x3F9C]  }
0x31: {  	[smem:$0x3FA5] =	sst s10  }
0x32: {  	s10 =	sld [smem:$0x3FA3];
	_ =	sdelay $0x3  }
0x33: {  	p0 =	seq.s32 s10, $0x1;
	s10 =	sld [smem:$0x3FA5];
	_ =	sdelay $0x3  }
0x34: {  	[smem:$0x3FA5] =	sst s10  }
0x35: {  	s10 =	sld [smem:$0x3FA4];
	_ =	sdelay $0x3  }
0x36: {  	p1 =	seq.s32 s10, $0x1;
	s10 =	sld [smem:$0x3FA5];
	_ =	sdelay $0x3  }
0x37: {  	[smem:$0x3FA5] =	sst s10  }
0x38: {  	s10 =	sld [smem:$0x3FA6]  }
0x39: {  	_ = 	snop;
	(pc) =	sbr.ind lr, $3  }
0x3a: {  	_ = 	snop  }
0x3b: {  	_ = 	snop  }
0x3c: {  	p2 =	seq.s32 s10, $0x1;
	s10 =	sld [smem:$0x3FA5]  }
0x3d: {  	_ =	shalt  }
0x3e: {  	_ =	shalt  }
0x3f: {  	_ =	shalt  }
0x40: {  	_ =	shalt  }
0x41: {  	_ =	shalt  }
0x42: {  	_ =	shalt  }
0x43: {  	_ =	shalt  }
0x44: {  	_ =	shalt  }
0x45: {  	_ =	shalt  }
0x46: {  	_ =	shalt  }
0x47: {  	_ =	shalt  }
0x48: {  	_ =	shalt  }
0x49: {  	_ =	shalt  }
0x4a: {  	_ =	shalt  }
0x4b: {  	_ =	shalt  }
0x4c: {  	_ =	shalt  }
0x4d: {  	_ =	shalt  }
0x4e: {  	_ =	shalt  }
0x4f: {  	_ =	shalt  }
0x50: {  	_ =	shalt  }
0x51: {  	_ =	shalt  }
0x52: {  	_ =	shalt  }
0x53: {  	_ =	shalt  }
0x54: {  	_ =	shalt  }
0x55: {  	_ =	shalt  }
0x56: {  	_ =	shalt  }
0x57: {  	_ =	shalt  }
0x58: {  	_ =	shalt  }
0x59: {  	_ =	shalt  }
0x5a: {  	_ =	shalt  }
0x5b: {  	_ =	shalt  }
0x5c: {  	_ =	shalt  }
0x5d: {  	_ =	shalt  }
0x5e: {  	_ =	shalt  }
0x5f: {  	_ =	shalt  }
0x60: {  	_ =	shalt  }
0x61: {  	_ =	shalt  }
0x62: {  	_ =	shalt  }
0x63: {  	_ =	shalt  }
0x64: {  	_ =	shalt  }
0x65: {  	_ =	shalt  }
0x66: {  	_ =	shalt  }
0x67: {  	_ =	shalt  }
0x68: {  	_ =	shalt  }
0x69: {  	_ =	shalt  }
0x6a: {  	_ =	shalt  }
0x6b: {  	_ =	shalt  }
0x6c: {  	_ =	shalt  }
0x6d: {  	_ =	shalt  }
0x6e: {  	_ =	shalt  }
0x6f: {  	_ =	shalt  }
0x70: {  	_ =	shalt  }
0x71: {  	_ =	shalt  }
0x72: {  	_ =	shalt  }
0x73: {  	_ =	shalt  }
0x74: {  	_ =	shalt  }
0x75: {  	_ =	shalt  }
0x76: {  	_ =	shalt  }
0x77: {  	_ =	shalt  }
0x78: {  	_ =	shalt  }
0x79: {  	_ =	shalt  }
0x7a: {  	_ =	shalt  }
0x7b: {  	_ =	shalt  }
0x7c: {  	_ =	shalt  }
0x7d: {  	_ =	shalt  }
0x7e: {  	_ =	shalt  }
0x7f: {  	_ =	shalt  }
0x80: {  	_ =	shalt  }
0x81: {  	_ =	shalt  }
0x82: {  	_ =	shalt  }
0x83: {  	_ =	shalt  }
0x84: {  	_ =	shalt  }
0x85: {  	_ =	shalt  }
0x86: {  	_ =	shalt  }
0x87: {  	_ =	shalt  }
.Lfunc_end0:
.L_simem_size_0:
called_computation.1_lowered:
.L_overlay_start_0:
0x88: {  	s2 =	sld [smem:$0x3FD9]  }
0x89: {  	s3 =	sld [smem:$0x3FFE];
	_ =	sdelay $0x1  }
0x8a: {  	s1 =	srdreg.scid  }
0x8b: {  	s0 =	sand.u32 $0x1, s1  }
0x8c: {  	s16 =	sshll.u32 s0, $0xA;
	s2 =	sadd.s32 s3, s2  }
0x8d: {  	s2 =	sadd.s32 s2, s16  }
0x8e: {  	[smem:$0x3FB1] =	sst s2  }
0x8f: {  	_ = 	snop  }
0x90: {  	(tm) =	ssettm $0x1  }
0x91: {  	s17 =	sld [smem:$0x3FFB];
	_ =	sdelay $0x3  }
0x92: {  	_ =	strace s17  }
0x93: {  	s2 =	sld [smem:$0x3FFC];
	_ =	sdelay $0x3  }
0x94: {  	_ =	strace s2  }
0x95: {  	s2 =	sld [smem:$0x3FFD];
	_ =	sdelay $0x3  }
0x96: {  	_ =	strace s2  }
0x97: {  	_ =	strace $0x8FFFFFFF  }
0x98: {  	s18 =	sld [smem:$0x3FDB];
	_ =	sdelay $0x1  }
0x99: {  	s19 =	simm.s32 $_scs_section_size  }
0x9a: {  	s4 =	simm.s32 $_size__tile_overlayer_lowered;
	s5 =	simm.s32 $_tile_overlayer_lowered  }
0x9b: {  	s22 =	simm.s32 $0x1BFF;
	s21 =	sshll.u32 s5, $0x1;
	s2 =	sadd.s32 s19, s18  }
0x9c: {  	s6 =	simm.s32 $0x0;
	s20 =	sshll.u32 s4, $0x1;
	s4 =	sadd.s32 s21, s2  }
0x9d: {  	[timem:s6], [sflag:s22] =	dma.local [hbm:s4], s20  }
0x9e: {  	_ =	swait.ge [sflag:s22], s20  }
0x9f: {  	s3 =	ssub.s32 $0x0, s20;
	[sflag:s22] =	ssyncset.done $0x0  }
0xa0: {  	[sflag:s22] =	ssyncadd.s32 s3;
	_ =	sdelay $0x1  }
0xa1: {  	s23 =	simm.s32 $0x1B8B  }
0xa2: {  	_ =	swait.ge [sflag:s23], $0x1  }
0xa3: {  	[sflag:s23] =	ssyncset.done $0x0  }
0xa4: {  	s25 =	simm.s32 $0x1B8E;
	s24 =	sld [smem:$0x3FFE];
	[sflag:s23] =	ssyncadd.s32 $0xFFFFFFFF  }
0xa5: {  	s26 =	simm.s32 $execute0_lowered;
	[smem:$0x3FD2] =	sst s25  }
0xa6: {  	s4 =	sshll.u32 s26, $0x1;
	_ =	strace $0x80000049;
	[dreg:$0x1] =	wrdreg $0xFFFFFFFF  }
0xa7: {  	s28 =	simm.s32 $_size_execute0_lowered;
	s2 =	sadd.s32 s2, s4;
	[dreg:$0x0] =	wrdreg $0x0  }
0xa8: {  	s4 =	sshll.u32 s28, $0x1;
	[dreg:$0x2] =	wrdreg s2  }
0xa9: {  	[dreg:$0x3] =	wrdreg s4  }
0xaa: {  	[dreg:$0x4] =	wrdreg $0xC0  }
0xab: {  	_ =	task [dreg:s6], $0x5FFFF  }
0xac: {  	[dreg:$0x1] =	wrdreg $0xFFFFFFFF  }
0xad: {  	[dreg:$0x0] =	wrdreg $0x60  }
0xae: {  	[dreg:$0x2] =	wrdreg s24  }
0xaf: {  	[dreg:$0x3] =	wrdreg $0x11D000  }
0xb0: {  	[dreg:$0x4] =	wrdreg $0x9  }
0xb1: {  	_ =	task.clear_ibuf [dreg:s6], $0x5FFFF;
	_ =	strace $0x90000049  }
0xb2: {  	s29 =	simm.s32 $0x9;
	_ =	strace $0x8000004B  }
0xb3: {  	_ =	swait.ge [sflag:s29], $0x1  }
0xb4: {  	[sflag:s29] =	ssyncadd.s32 $0xFFFFFFFF  }
0xb5: {  	_ =	strace $0x9000004B  }
0xb6: {  	_ =	sfence  }
0xb7: {  	s30 =	sld [smem:$0x0];
	_ =	sdelay $0x2  }
0xb8: {  	s31 =	sshll.u32 s1, $0xD;
	s1 =	sshrl.u32 s1, $0x2  }
0xb9: {  	s3 =	sand.u32 $0x4000, s31;
	s1 =	sadd.s32 s1, s30  }
0xba: {  	s0 =	sor.u32 s3, s0;
	s1 =	sshll.u32 s1, $0x11  }
0xbb: {  	s0 =	sor.u32 s1, s0  }
0xbc: {  	s0 =	sadd.s32 $0x8F2B, s0  }
0xbd: {  	[sflag:s0] =	ssyncadd.remote.s32 $0x1  }
0xbe: {  	_ =	sfence.sel $0xFFFF  }
0xbf: {  	[dreg:$0x0] =	wrdreg $0xFFFFFFFF;
	(pc) =	sbr.abs _section_cstart, $3  }
0xc0: {  	[dreg:$0x1] =	wrdreg $0xFFFFFFFF  }
0xc1: {  	_ =	task.clear_ibuf [dreg:s6], $0x2FFFF;
	_ =	strace $0x9FFFFFFF  }
0xc2: {  	(tm) =	ssettm $0x7FFFFFFF  }
0xc3: {  	_ =	shalt  }
tec
execute0_lowered:
.L_overlay_start_1:
0x0: {  	(tag) =	ssettag $0x1  }
0x1: {  	s0 =	srdreg.scid  }
0x2: {  	s13 =	stileid.u32;
	s1 =	rddreg [dreg:$0x0]  }
0x3: {  	s2 =	rddreg [dreg:$0x1];
	s3 =	simm.s32 $0x0;
	s14 =	simm.s32 $0x7D  }
0x4: {  	s15 =	simm.s32 $0xA000;
	s17 =	simm.s32 $0xBF40;
	s19 =	simm.s32 $0xDE80  }
0x5: {  	s21 =	simm.s32 $0xFDC0;
	s22 =	simm.s32 $0x1;
	s23 =	simm.s32 $0x2  }
0x6: {  	s28 =	simm.s32 $0x4;
	s29 =	simm.s32 $0x5;
	s30 =	simm.s32 $0x6  }
0x7: {  	s31 =	simm.s32 $0x7;
	s18 =	simm.s32 $0x9F80;
	s5 =	smul.u32 $0x5000, s13  }
0x8: {  	s20 =	simm.s32 $0x0;
	s0 =	sand.u32 $0x1, s0;
	s9 =	smul.u32 $0x9C00, s13  }
0x9: {  	[smem:$0x7FF] =	sst s3;
	p0 =	sne.s32 s13, $0x0;
	s4 =	smul.u32 $0x50000, s0  }
0xa: {  	_ =	strace $0x8000004A;
	s8 =	smul.u32 $0x9C400, s0;
	s0 =	ssub.s32 $0x2, s0  }
0xb: {  	s13 =	sshrl.u32 @!p0 s2, $0x3;
	s10 =	sshrl.u32 s0, $0x1;
	s12 =	sadd.s32 s9, s2  }
0xc: {  	s6 =	sadd.s32 s5, s4;
	s4 =	sadd.s32 $0xA1C00, s1;
	s5 =	sshrl.u32 s5, $0x3  }
0xd: {  	s0 =	ssub.s32 s0, s10;
	s26 =	sadd.s32 s9, s8;
	s11 =	sshrl.u32 s8, $0x3  }
0xe: {  	s24 =	sshrl.u32 s12, $0x3;
	s6 =	sshrl.u32 s6, $0x3;
	s7 =	sadd.s32 s5, s1  }
0xf: {  	s5 =	sadd.s32 $0xC8E00, s1;
	s10 =	sshrl.u32 s26, $0x3;
	s26 =	simm.s32 $0x3  }
0x10: {  	s6 =	sadd.s32 s6, s1;
	s1 =	sadd.s32 $0xDC800, s1;
	s7 =	sadd.s32 $0x97C00, s7  }
0x11: {  	s6 =	sadd.s32 $0x83C00, s6;
	s8 =	sadd.s32 s1, s10;
	s1 =	sadd.s32 s1, s11  }
0x12: {  	s10 =	smax.u32 s0, $0x1;
	s9 =	sadd.s32 $0x13800, s1;
	s1 =	sadd.s32 $0x9C000, s2  }
0x13: {  	s11 =	simm.s32 $0x9;
	s25 =	sshrl.u32 @!p0 s1, $0x3;
	s1 =	simm.s32 $0x8  }
.LBB2_1:
0x14: {  	[tilespmem:s3], [sflag:$0x9] =	stream.linear.gather [hbm4b:s6+s3], $0x5000, $0x38;
	[tilespmem:$0x1B940] =	vst v63  }
0x15: {  	_ =	swait.ge [sflag:s11], $0x5000  }
0x16: {  	[sflag:s11] =	ssyncset.done $0x0  }
0x17: {  	s0 =	simm.s32 $0x5000;
	[sflag:s11] =	ssyncadd.s32 $0xFFFFB000  }
0x18: {  	[tilespmem:s0], [sflag:$0x9] =	stream.linear.gather [hbm4b:s7+s3], $0x5000, $0x38;
	[tilespmem:$0x1B940] =	vst v63  }
0x19: {  	_ =	swait.ge [sflag:s11], $0x5000  }
0x1a: {  	[sflag:s11] =	ssyncset.done $0x0  }
0x1b: {  	s0 =	simm.s32 @!p0 $0x1C09;
	[sflag:s11] =	ssyncadd.s32 $0xFFFFB000  }
0x1c: {  	[spmem:s13], [sflag:s0] =	dma.local @!p0 [hbm:s5], $0x13880  }
0x1d: {  	s0 =	simm.s32 @!p0 $0x9  }
0x1e: {  	_ =	swait.ge @!p0 [sflag:s0], $0x13880  }
0x1f: {  	[sflag:s0] =	ssyncset.done @!p0 $0x0  }
0x20: {  	[sflag:s0] =	ssyncadd.s32 @!p0 $0xFFFEC780  }
0x21: {  	[bflag:$0x0] =	sbarrier.arrive $0xFFFF  }
0x22: {  	[tilespmem:s15], [sflag:$0x1] =	stream.indirect.gather [hbm4b:s4+s14], $0x40, s3, s14, $0xb8;
	[tilespmem:$0x1B940] =	vst v63  }
0x23: {  	s12 =	simm.s32 $0x80  }
0x24: {  	[tilespmem:s17], [sflag:$0x2] =	stream.indirect.gather [hbm4b:s4+s14], $0x40, s12, s14, $0xb8;
	[tilespmem:$0x1B940] =	vst v63  }
0x25: {  	s16 =	simm.s32 $0x100  }
0x26: {  	[tilespmem:s19], [sflag:$0x3] =	stream.indirect.gather [hbm4b:s4+s14], $0x40, s16, s14, $0xb8;
	[tilespmem:$0x1B940] =	vst v63  }
0x27: {  	s12 =	simm.s32 $0x180  }
0x28: {  	[tilespmem:s21], [sflag:$0x4] =	stream.indirect.gather [hbm4b:s4+s14], $0x40, s12, s14, $0xb8;
	[tilespmem:$0x1B940] =	vst v63  }
0x29: {  	_ =	swait.ge [sflag:s22], $0x1F40  }
0x2a: {  	[sflag:s22] =	ssyncset.done $0x0  }
0x2b: {  	s16 =	simm.s32 $0x5000;
	[sflag:s22] =	ssyncadd.s32 $0xFFFFE0C0  }
0x2c: {  	[spmem:s2] =	stream.indirect.scatter.add.f32 [tilespmem:s15], [sflag:$0x5], $0x40, s16, s14, $0xb8;
	[tilespmem:$0x1B940] =	vst v63  }
0x2d: {  	_ =	swait.ge [sflag:s23], $0x1F40  }
0x2e: {  	[sflag:s23] =	ssyncset.done $0x0  }
0x2f: {  	s12 =	simm.s32 $0x5080;
	[sflag:s23] =	ssyncadd.s32 $0xFFFFE0C0  }
0x30: {  	[spmem:s2] =	stream.indirect.scatter.add.f32 [tilespmem:s17], [sflag:$0x6], $0x40, s12, s14, $0xb8;
	[tilespmem:$0x1B940] =	vst v63  }
0x31: {  	_ =	swait.ge [sflag:s26], $0x1F40  }
0x32: {  	[sflag:s26] =	ssyncset.done $0x0  }
0x33: {  	s16 =	simm.s32 $0x5100;
	[sflag:s26] =	ssyncadd.s32 $0xFFFFE0C0  }
0x34: {  	[spmem:s2] =	stream.indirect.scatter.add.f32 [tilespmem:s19], [sflag:$0x7], $0x40, s16, s14, $0xb8;
	[tilespmem:$0x1B940] =	vst v63  }
0x35: {  	_ =	swait.ge [sflag:s28], $0x1F40  }
0x36: {  	[sflag:s28] =	ssyncset.done $0x0  }
0x37: {  	s12 =	simm.s32 $0x5180;
	[sflag:s28] =	ssyncadd.s32 $0xFFFFE0C0  }
0x38: {  	[spmem:s2] =	stream.indirect.scatter.add.f32 [tilespmem:s21], [sflag:$0x8], $0x40, s12, s14, $0xb8;
	[tilespmem:$0x1B940] =	vst v63  }
0x39: {  	_ =	swait.ge [sflag:s29], $0x1F40  }
0x3a: {  	[sflag:s29] =	ssyncset.done $0x0  }
0x3b: {  	s16 =	simm.s32 $0x200;
	[sflag:s29] =	ssyncadd.s32 $0xFFFFE0C0  }
0x3c: {  	[tilespmem:s15], [sflag:$0x1] =	stream.indirect.gather [hbm4b:s4+s14], $0x40, s16, s14, $0xb8;
	[tilespmem:$0x1B940] =	vst v63  }
0x3d: {  	_ =	swait.ge [sflag:s30], $0x1F40  }
0x3e: {  	[sflag:s30] =	ssyncset.done $0x0  }
0x3f: {  	s12 =	simm.s32 $0x280;
	[sflag:s30] =	ssyncadd.s32 $0xFFFFE0C0  }
0x40: {  	[tilespmem:s17], [sflag:$0x2] =	stream.indirect.gather [hbm4b:s4+s14], $0x40, s12, s14, $0xb8;
	[tilespmem:$0x1B940] =	vst v63  }
0x41: {  	_ =	swait.ge [sflag:s31], $0x1F40  }
0x42: {  	[sflag:s31] =	ssyncset.done $0x0  }
0x43: {  	s16 =	simm.s32 $0x300;
	[sflag:s31] =	ssyncadd.s32 $0xFFFFE0C0  }
0x44: {  	[tilespmem:s19], [sflag:$0x3] =	stream.indirect.gather [hbm4b:s4+s14], $0x40, s16, s14, $0xb8;
	[tilespmem:$0x1B940] =	vst v63  }
0x45: {  	_ =	swait.ge [sflag:s1], $0x1F40  }
0x46: {  	[sflag:s1] =	ssyncset.done $0x0  }
0x47: {  	s0 =	simm.s32 $0x800;
	s12 =	simm.s32 $0x380;
	[sflag:s1] =	ssyncadd.s32 $0xFFFFE0C0  }
.LBB2_2:
0x48: {  	[tilespmem:s21], [sflag:$0x4] =	stream.indirect.gather [hbm4b:s4+s14], $0x40, s12, s14, $0xb8;
	[tilespmem:$0x1B940] =	vst v63  }
0x49: {  	s12 =	smov.u32 s0  }
0x4a: {  	p1 =	sne.s32 s0, $0x13000;
	s0 =	sadd.s32 $0x800, s0;
	_ =	swait.ge [sflag:s22], $0x1F40  }
0x4b: {  	s12 =	sshra.s32 s12, $0x2;
	[sflag:s22] =	ssyncset.done $0x0  }
0x4c: {  	s16 =	sadd.s32 $0x5000, s12;
	[sflag:s22] =	ssyncadd.s32 $0xFFFFE0C0  }
0x4d: {  	[spmem:s2] =	stream.indirect.scatter.add.f32 [tilespmem:s15], [sflag:$0x5], $0x40, s16, s14, $0xb8;
	[tilespmem:$0x1B940] =	vst v63  }
0x4e: {  	_ =	swait.ge [sflag:s23], $0x1F40  }
0x4f: {  	[sflag:s23] =	ssyncset.done $0x0  }
0x50: {  	s16 =	sadd.s32 $0x5080, s12;
	[sflag:s23] =	ssyncadd.s32 $0xFFFFE0C0  }
0x51: {  	[spmem:s2] =	stream.indirect.scatter.add.f32 [tilespmem:s17], [sflag:$0x6], $0x40, s16, s14, $0xb8;
	[tilespmem:$0x1B940] =	vst v63  }
0x52: {  	_ =	swait.ge [sflag:s26], $0x1F40  }
0x53: {  	[sflag:s26] =	ssyncset.done $0x0  }
0x54: {  	s16 =	sadd.s32 $0x5100, s12;
	[sflag:s26] =	ssyncadd.s32 $0xFFFFE0C0  }
0x55: {  	[spmem:s2] =	stream.indirect.scatter.add.f32 [tilespmem:s19], [sflag:$0x7], $0x40, s16, s14, $0xb8;
	[tilespmem:$0x1B940] =	vst v63  }
0x56: {  	_ =	swait.ge [sflag:s28], $0x1F40  }
0x57: {  	[sflag:s28] =	ssyncset.done $0x0  }
0x58: {  	s16 =	sadd.s32 $0x5180, s12;
	[sflag:s28] =	ssyncadd.s32 $0xFFFFE0C0  }
0x59: {  	[spmem:s2] =	stream.indirect.scatter.add.f32 [tilespmem:s21], [sflag:$0x8], $0x40, s16, s14, $0xb8;
	[tilespmem:$0x1B940] =	vst v63  }
0x5a: {  	_ =	swait.ge [sflag:s29], $0x1F40  }
0x5b: {  	[sflag:s29] =	ssyncset.done $0x0  }
0x5c: {  	s16 =	sadd.s32 $0x200, s12;
	[sflag:s29] =	ssyncadd.s32 $0xFFFFE0C0  }
0x5d: {  	[tilespmem:s15], [sflag:$0x1] =	stream.indirect.gather [hbm4b:s4+s14], $0x40, s16, s14, $0xb8;
	[tilespmem:$0x1B940] =	vst v63  }
0x5e: {  	_ =	swait.ge [sflag:s30], $0x1F40  }
0x5f: {  	[sflag:s30] =	ssyncset.done $0x0  }
0x60: {  	s16 =	sadd.s32 $0x280, s12;
	[sflag:s30] =	ssyncadd.s32 $0xFFFFE0C0  }
0x61: {  	[tilespmem:s17], [sflag:$0x2] =	stream.indirect.gather [hbm4b:s4+s14], $0x40, s16, s14, $0xb8;
	[tilespmem:$0x1B940] =	vst v63  }
0x62: {  	_ =	swait.ge [sflag:s31], $0x1F40  }
0x63: {  	[sflag:s31] =	ssyncset.done $0x0  }
.Ltmp0:
0x64: {  	s16 =	sadd.s32 $0x300, s12;
	[sflag:s31] =	ssyncadd.s32 $0xFFFFE0C0;
	(pc) =	sbr.rel @p1 .LBB2_2-.Ltmp0, $4  }
0x65: {  	[tilespmem:s19], [sflag:$0x3] =	stream.indirect.gather [hbm4b:s4+s14], $0x40, s16, s14, $0xb8;
	[tilespmem:$0x1B940] =	vst v63  }
0x66: {  	_ =	swait.ge [sflag:s1], $0x1F40  }
0x67: {  	[sflag:s1] =	ssyncset.done $0x0  }
0x68: {  	s12 =	sadd.s32 $0x380, s12;
	[sflag:s1] =	ssyncadd.s32 $0xFFFFE0C0  }
0x69: {  	[tilespmem:s21], [sflag:$0x4] =	stream.indirect.gather [hbm4b:s4+s14], $0x40, s12, s14, $0xb8;
	[tilespmem:$0x1B940] =	vst v63  }
0x6a: {  	_ =	swait.ge [sflag:s22], $0x1F40  }
0x6b: {  	[sflag:s22] =	ssyncset.done $0x0  }
0x6c: {  	s0 =	simm.s32 $0x9E00;
	[sflag:s22] =	ssyncadd.s32 $0xFFFFE0C0  }
0x6d: {  	[spmem:s2] =	stream.indirect.scatter.add.f32 [tilespmem:s15], [sflag:$0x5], $0x40, s0, s14, $0xb8;
	[tilespmem:$0x1B940] =	vst v63  }
0x6e: {  	_ =	swait.ge [sflag:s23], $0x1F40  }
0x6f: {  	[sflag:s23] =	ssyncset.done $0x0  }
0x70: {  	s16 =	simm.s32 $0x9E80;
	[sflag:s23] =	ssyncadd.s32 $0xFFFFE0C0  }
0x71: {  	[spmem:s2] =	stream.indirect.scatter.add.f32 [tilespmem:s17], [sflag:$0x6], $0x40, s16, s14, $0xb8;
	[tilespmem:$0x1B940] =	vst v63  }
0x72: {  	_ =	swait.ge [sflag:s26], $0x1F40  }
0x73: {  	[sflag:s26] =	ssyncset.done $0x0  }
0x74: {  	s12 =	simm.s32 $0x9F00;
	[sflag:s26] =	ssyncadd.s32 $0xFFFFE0C0  }
0x75: {  	[spmem:s2] =	stream.indirect.scatter.add.f32 [tilespmem:s19], [sflag:$0x7], $0x40, s12, s14, $0xb8;
	[tilespmem:$0x1B940] =	vst v63  }
0x76: {  	_ =	swait.ge [sflag:s28], $0x1F40  }
0x77: {  	[sflag:s28] =	ssyncset.done $0x0  }
0x78: {  	[sflag:s28] =	ssyncadd.s32 $0xFFFFE0C0  }
0x79: {  	[spmem:s2] =	stream.indirect.scatter.add.f32 [tilespmem:s21], [sflag:$0x8], $0x40, s18, s14, $0xb8;
	[tilespmem:$0x1B940] =	vst v63  }
0x7a: {  	_ =	swait.ge [sflag:s29], $0x1F40  }
0x7b: {  	[sflag:s29] =	ssyncset.done $0x0  }
0x7c: {  	[sflag:s29] =	ssyncadd.s32 $0xFFFFE0C0  }
0x7d: {  	_ =	swait.ge [sflag:s30], $0x1F40  }
0x7e: {  	[sflag:s30] =	ssyncset.done $0x0  }
0x7f: {  	[sflag:s30] =	ssyncadd.s32 $0xFFFFE0C0  }
0x80: {  	_ =	swait.ge [sflag:s31], $0x1F40  }
0x81: {  	[sflag:s31] =	ssyncset.done $0x0  }
0x82: {  	[sflag:s31] =	ssyncadd.s32 $0xFFFFE0C0  }
0x83: {  	_ =	swait.ge [sflag:s1], $0x1F40  }
0x84: {  	s16 =	stileid.u32;
	[sflag:s1] =	ssyncset.done $0x0  }
0x85: {  	s0 =	sshll.u32 s16, $0x6;
	[sflag:s1] =	ssyncadd.s32 $0xFFFFE0C0  }
0x86: {  	s0 =	sor.u32 $0x1C09, s0;
	[bflag:$0x0] =	sbarrier.arrive $0xFFFF  }
0x87: {  	[hbm:s8], [sflag:s0] =	dma.local [spmem:s24], $0x1380  }
0x88: {  	_ =	swait.ge [sflag:s11], $0x1380  }
0x89: {  	s20 =	sadd.s32 $0x1, s20;
	[sflag:s11] =	ssyncset.done $0x0  }
0x8a: {  	p1 =	sne.s32 s20, s10;
	[sflag:s11] =	ssyncadd.s32 $0xFFFFEC80  }
0x8b: {  	[hbm:s9], [sflag:s0] =	dma.local @!p0 [spmem:s25], $0x80  }
.Ltmp1:
0x8c: {  	_ = 	snop;
	(pc) =	sbr.rel @p1 .LBB2_1-.Ltmp1, $4  }
0x8d: {  	s0 =	simm.s32 @!p0 $0x9  }
0x8e: {  	_ =	swait.ge @!p0 [sflag:s0], $0x80  }
0x8f: {  	[sflag:s0] =	ssyncset.done @!p0 $0x0  }
0x90: {  	[sflag:s0] =	ssyncadd.s32 @!p0 $0xFFFFFF80  }
0x91: {  	_ =	sfence.sel $0x180000  }
0x92: {  	[bflag:$0x0] =	sbarrier.arrive $0xFFFF  }
0x93: {  	_ =	strace $0x9000004A  }
0x94: {  	[bflag:$0x2] =	sbarrier.arrive $0xFFFF  }
0x95: {  	s0 =	rddreg [dreg:$0x2]  }
0x96: {  	s0 =	sadd.s32 @!p0 $0x100000, s0  }
0x97: {  	[sflag:s0] =	ssyncadd.tile.s32 @!p0 $0x1;
	_ =	shalt  }
.Lfunc_end2:
_tile_overlayer_lowered:
.L_overlay_start_2:
0x98: {  	(tag) =	ssettag $0x2  }
0x99: {  	s0 =	rddreg [dreg:$0x0];
	s2 =	stileid.u32  }
0x9a: {  	s1 =	rddreg [dreg:$0x1];
	p0 =	sne.s32 s2, $0x0  }
0x9b: {  	s3 =	rddreg [dreg:$0x2];
	[bflag:$0x3] =	sbarrier.arrive $0xFFFF;
	s2 =	simm.s32 @!p0 $0x1C09  }
0x9c: {  	[timem:s3], [sflag:s2] =	dma.local @!p0 [hbm:s0], s1  }
0x9d: {  	s0 =	simm.s32 @!p0 $0x9  }
0x9e: {  	_ =	swait.ge @!p0 [sflag:s0], s1  }
0x9f: {  	s1 =	ssub.s32 @!p0 $0x0, s1;
	[sflag:s0] =	ssyncset.done @!p0 $0x0  }
0xa0: {  	[sflag:s0] =	ssyncadd.s32 @!p0 s1  }
0xa1: {  	[bflag:$0x3] =	sbarrier.arrive $0xFFFF  }
0xa2: {  	_ =	shalt  }

// kernel: kernel.16.cloned.1.call-start
scs
__scs_entry_jumppad:
0x0: {  	(pc) =	sbr.rel $0x88, $3  }
0x1: {  	(tag) =	ssettag $0x0;
	lr =	simm.s32 $0x1  }
0x2: {  	[smem:$0x3F8A] =	sst lr;
	_ =	strace $0xD0000000  }
0x3: {  	_ = 	snop  }
0x4: {  	_ = 	snop  }
0x5: {  	_ = 	snop  }
0x6: {  	_ = 	snop  }
0x7: {  	_ = 	snop  }
__scs_overlays_trampoline_lowered:
0x8: {  	[smem:$0x3F99] =	sst s0  }
0x9: {  	[smem:$0x3F9A] =	sst s1  }
0xa: {  	[smem:$0x3F9B] =	sst s2  }
0xb: {  	[smem:$0x3F9C] =	sst s3  }
0xc: {  	[smem:$0x3F9D] =	sst s4  }
0xd: {  	[smem:$0x3F9E] =	sst s5  }
0xe: {  	[smem:$0x3F9F] =	sst s6  }
0xf: {  	[smem:$0x3FA0] =	sst s7  }
0x10: {  	[smem:$0x3FA1] =	sst s8  }
0x11: {  	[smem:$0x3FA2] =	sst s9;
	s0 =	simm.s32 @!p0 $0x0  }
0x12: {  	s1 =	sld [smem:$0x3F88];
	s0 =	simm.s32 @p0 $0x1  }
0x13: {  	[smem:$0x3FA3] =	sst s0;
	s0 =	simm.s32 @!p1 $0x0  }
0x14: {  	s2 =	sld [smem:$0x3F87];
	s0 =	simm.s32 @p1 $0x1  }
0x15: {  	[smem:$0x3FA4] =	sst s0;
	s0 =	simm.s32 @!p2 $0x0  }
0x16: {  	s3 =	sld [smem:$0x3FDB];
	s0 =	simm.s32 @p2 $0x1  }
0x17: {  	s4 =	simm.s32 $0x1BF5;
	[smem:$0x3FA6] =	sst s0  }
0x18: {  	s0 =	sld [smem:$0x3F89];
	_ =	swait.ge [sflag:s4], $0x0  }
0x19: {  	s7 =	sld [smem:$0x3F8A]  }
0x1a: {  	s8 =	sadd.s32 $0xFFFFE003, lr  }
0x1b: {  	s9 =	sadd.s32 $0xFFFFFEF7, lr;
	s5 =	simm.s32 $0xFFFFFFFF;
	p2 =	slt.u32 s8, $0xFFFFF086  }
0x1c: {  	p1 =	slt.u32 s9, $0xF7A;
	s5 =	simm.s32 @!p2 $0x0  }
0x1d: {  	s5 =	simm.s32 @p1 $0x1;
	p0 =	seq.s32 s7, s2  }
0x1e: {  	s7 =	smul.u32 @!p0 $0xF7A, s2;
	p2 =	seq.s32 @!p0 s5, $0x0  }
0x1f: {  	s9 =	smul.u32 $0xF7A, s1;
	s8 =	simm.s32 @!p0 $0x1BF5;
	p2 =	por !p2, p0  }
0x20: {  	[sflag:s8] =	ssyncset.s32 @!p0 $0xFFFFF086;
	s6 =	sadd.s32 @!p0 s3, s7;
	s7 =	simm.s32 @!p0 $0x108  }
0x21: {  	s3 =	sadd.s32 s3, s9;
	s6 =	sadd.s32 @!p0 $0x88, s6;
	s7 =	simm.s32 @p2 $0x1082  }
0x22: {  	[simem:s7], [sflag:s8] =	dma.local @!p0 [hbm:s6], $0xF7A  }
0x23: {  	s9 =	sor.u32 $0xD0000000, s2;
	s6 =	simm.s32 $0x108;
	_ =	swait.ge @!p0 [sflag:s8], $0x0  }
0x24: {  	s3 =	sadd.s32 $0x88, s3;
	s6 =	simm.s32 @!p1 $0x1082;
	[sflag:s4] =	ssyncset.s32 $0xFFFFF086  }
0x25: {  	[simem:s6], [sflag:s4] =	dma.local [hbm:s3], $0xF7A  }
0x26: {  	[smem:$0x3F8A] =	sst s1;
	(tag) =	ssettag s2;
	_ =	strace s9  }
0x27: {  	s1 =	sld [smem:$0x3F9A]  }
0x28: {  	s2 =	sld [smem:$0x3F9B]  }
0x29: {  	s4 =	sld [smem:$0x3F9D]  }
0x2a: {  	p0 =	seq.s32 s5, $0x0;
	s5 =	sld [smem:$0x3F9E]  }
0x2b: {  	s6 =	sld [smem:$0x3F9F]  }
0x2c: {  	s7 =	sld [smem:$0x3FA0]  }
0x2d: {  	s3 =	simm.s32 $0x108;
	s8 =	sld [smem:$0x3FA1]  }
0x2e: {  	s3 =	simm.s32 @!p0 $0x1082;
	s9 =	sld [smem:$0x3FA2]  }
0x2f: {  	lr =	sadd.s32 s0, s3;
	s0 =	sld [smem:$0x3F99]  }
0x30: {  	s3 =	sld [smem:$0x3F9C]  }
0x31: {  	[smem:$0x3FA5] =	sst s10  }
0x32: {  	s10 =	sld [smem:$0x3FA3];
	_ =	sdelay $0x3  }
0x33: {  	p0 =	seq.s32 s10, $0x1;
	s10 =	sld [smem:$0x3FA5];
	_ =	sdelay $0x3  }
0x34: {  	[smem:$0x3FA5] =	sst s10  }
0x35: {  	s10 =	sld [smem:$0x3FA4];
	_ =	sdelay $0x3  }
0x36: {  	p1 =	seq.s32 s10, $0x1;
	s10 =	sld [smem:$0x3FA5];
	_ =	sdelay $0x3  }
0x37: {  	[smem:$0x3FA5] =	sst s10  }
0x38: {  	s10 =	sld [smem:$0x3FA6]  }
0x39: {  	_ = 	snop;
	(pc) =	sbr.ind lr, $3  }
0x3a: {  	_ = 	snop  }
0x3b: {  	_ = 	snop  }
0x3c: {  	p2 =	seq.s32 s10, $0x1;
	s10 =	sld [smem:$0x3FA5]  }
0x3d: {  	_ =	shalt  }
0x3e: {  	_ =	shalt  }
0x3f: {  	_ =	shalt  }
0x40: {  	_ =	shalt  }
0x41: {  	_ =	shalt  }
0x42: {  	_ =	shalt  }
0x43: {  	_ =	shalt  }
0x44: {  	_ =	shalt  }
0x45: {  	_ =	shalt  }
0x46: {  	_ =	shalt  }
0x47: {  	_ =	shalt  }
0x48: {  	_ =	shalt  }
0x49: {  	_ =	shalt  }
0x4a: {  	_ =	shalt  }
0x4b: {  	_ =	shalt  }
0x4c: {  	_ =	shalt  }
0x4d: {  	_ =	shalt  }
0x4e: {  	_ =	shalt  }
0x4f: {  	_ =	shalt  }
0x50: {  	_ =	shalt  }
0x51: {  	_ =	shalt  }
0x52: {  	_ =	shalt  }
0x53: {  	_ =	shalt  }
0x54: {  	_ =	shalt  }
0x55: {  	_ =	shalt  }
0x56: {  	_ =	shalt  }
0x57: {  	_ =	shalt  }
0x58: {  	_ =	shalt  }
0x59: {  	_ =	shalt  }
0x5a: {  	_ =	shalt  }
0x5b: {  	_ =	shalt  }
0x5c: {  	_ =	shalt  }
0x5d: {  	_ =	shalt  }
0x5e: {  	_ =	shalt  }
0x5f: {  	_ =	shalt  }
0x60: {  	_ =	shalt  }
0x61: {  	_ =	shalt  }
0x62: {  	_ =	shalt  }
0x63: {  	_ =	shalt  }
0x64: {  	_ =	shalt  }
0x65: {  	_ =	shalt  }
0x66: {  	_ =	shalt  }
0x67: {  	_ =	shalt  }
0x68: {  	_ =	shalt  }
0x69: {  	_ =	shalt  }
0x6a: {  	_ =	shalt  }
0x6b: {  	_ =	shalt  }
0x6c: {  	_ =	shalt  }
0x6d: {  	_ =	shalt  }
0x6e: {  	_ =	shalt  }
0x6f: {  	_ =	shalt  }
0x70: {  	_ =	shalt  }
0x71: {  	_ =	shalt  }
0x72: {  	_ =	shalt  }
0x73: {  	_ =	shalt  }
0x74: {  	_ =	shalt  }
0x75: {  	_ =	shalt  }
0x76: {  	_ =	shalt  }
0x77: {  	_ =	shalt  }
0x78: {  	_ =	shalt  }
0x79: {  	_ =	shalt  }
0x7a: {  	_ =	shalt  }
0x7b: {  	_ =	shalt  }
0x7c: {  	_ =	shalt  }
0x7d: {  	_ =	shalt  }
0x7e: {  	_ =	shalt  }
0x7f: {  	_ =	shalt  }
0x80: {  	_ =	shalt  }
0x81: {  	_ =	shalt  }
0x82: {  	_ =	shalt  }
0x83: {  	_ =	shalt  }
0x84: {  	_ =	shalt  }
0x85: {  	_ =	shalt  }
0x86: {  	_ =	shalt  }
0x87: {  	_ =	shalt  }
.Lfunc_end0:
.L_simem_size_0:
called_computation.2_lowered:
.L_overlay_start_0:
0x88: {  	s2 =	sld [smem:$0x3FD9]  }
0x89: {  	s3 =	sld [smem:$0x3FFE];
	_ =	sdelay $0x1  }
0x8a: {  	s1 =	srdreg.scid  }
0x8b: {  	s0 =	sand.u32 $0x1, s1  }
0x8c: {  	s16 =	sshll.u32 s0, $0xA;
	s2 =	sadd.s32 s3, s2  }
0x8d: {  	s2 =	sadd.s32 s2, s16  }
0x8e: {  	[smem:$0x3FB1] =	sst s2  }
0x8f: {  	_ = 	snop  }
0x90: {  	(tm) =	ssettm $0x1  }
0x91: {  	s17 =	sld [smem:$0x3FFB];
	_ =	sdelay $0x3  }
0x92: {  	_ =	strace s17  }
0x93: {  	s2 =	sld [smem:$0x3FFC];
	_ =	sdelay $0x3  }
0x94: {  	_ =	strace s2  }
0x95: {  	s2 =	sld [smem:$0x3FFD];
	_ =	sdelay $0x3  }
0x96: {  	_ =	strace s2  }
0x97: {  	_ =	strace $0x8FFFFFFF  }
0x98: {  	s18 =	sld [smem:$0x3FDB];
	_ =	sdelay $0x1  }
0x99: {  	s19 =	simm.s32 $_scs_section_size  }
0x9a: {  	s4 =	simm.s32 $_size__tile_overlayer_lowered;
	s5 =	simm.s32 $_tile_overlayer_lowered  }
0x9b: {  	s22 =	simm.s32 $0x1BFF;
	s21 =	sshll.u32 s5, $0x1;
	s2 =	sadd.s32 s19, s18  }
0x9c: {  	s6 =	simm.s32 $0x0;
	s20 =	sshll.u32 s4, $0x1;
	s4 =	sadd.s32 s21, s2  }
0x9d: {  	[timem:s6], [sflag:s22] =	dma.local [hbm:s4], s20  }
0x9e: {  	_ =	swait.ge [sflag:s22], s20  }
0x9f: {  	s3 =	ssub.s32 $0x0, s20;
	[sflag:s22] =	ssyncset.done $0x0  }
0xa0: {  	[sflag:s22] =	ssyncadd.s32 s3;
	_ =	sdelay $0x1  }
0xa1: {  	s23 =	simm.s32 $0x1B8B  }
0xa2: {  	_ =	swait.ge [sflag:s23], $0x1  }
0xa3: {  	[sflag:s23] =	ssyncset.done $0x0  }
0xa4: {  	s25 =	simm.s32 $0x1B8E;
	s24 =	sld [smem:$0x3FFE];
	[sflag:s23] =	ssyncadd.s32 $0xFFFFFFFF  }
0xa5: {  	s26 =	simm.s32 $execute0_lowered;
	[smem:$0x3FD2] =	sst s25  }
0xa6: {  	s4 =	sshll.u32 s26, $0x1;
	_ =	strace $0x8000004C;
	[dreg:$0x1] =	wrdreg $0xFFFFFFFF  }
0xa7: {  	s28 =	simm.s32 $_size_execute0_lowered;
	s2 =	sadd.s32 s2, s4;
	[dreg:$0x0] =	wrdreg $0x0  }
0xa8: {  	s4 =	sshll.u32 s28, $0x1;
	[dreg:$0x2] =	wrdreg s2  }
0xa9: {  	[dreg:$0x3] =	wrdreg s4  }
0xaa: {  	[dreg:$0x4] =	wrdreg $0xC0  }
0xab: {  	_ =	task [dreg:s6], $0x5FFFF  }
0xac: {  	[dreg:$0x1] =	wrdreg $0xFFFFFFFF  }
0xad: {  	[dreg:$0x0] =	wrdreg $0x60  }
0xae: {  	[dreg:$0x2] =	wrdreg s24  }
0xaf: {  	[dreg:$0x3] =	wrdreg $0x11D000  }
0xb0: {  	[dreg:$0x4] =	wrdreg $0x9  }
0xb1: {  	_ =	task.clear_ibuf [dreg:s6], $0x5FFFF;
	_ =	strace $0x9000004C  }
0xb2: {  	s29 =	simm.s32 $0x9;
	_ =	strace $0x8000004E  }
0xb3: {  	_ =	swait.ge [sflag:s29], $0x1  }
0xb4: {  	[sflag:s29] =	ssyncadd.s32 $0xFFFFFFFF  }
0xb5: {  	_ =	strace $0x9000004E  }
0xb6: {  	_ =	sfence  }
0xb7: {  	s30 =	sld [smem:$0x0];
	_ =	sdelay $0x2  }
0xb8: {  	s31 =	sshll.u32 s1, $0xD;
	s1 =	sshrl.u32 s1, $0x2  }
0xb9: {  	s3 =	sand.u32 $0x4000, s31;
	s1 =	sadd.s32 s1, s30  }
0xba: {  	s0 =	sor.u32 s3, s0;
	s1 =	sshll.u32 s1, $0x11  }
0xbb: {  	s0 =	sor.u32 s1, s0  }
0xbc: {  	s0 =	sadd.s32 $0x8F2B, s0  }
0xbd: {  	[sflag:s0] =	ssyncadd.remote.s32 $0x1  }
0xbe: {  	_ =	sfence.sel $0xFFFF  }
0xbf: {  	[dreg:$0x0] =	wrdreg $0xFFFFFFFF;
	(pc) =	sbr.abs _section_cstart, $3  }
0xc0: {  	[dreg:$0x1] =	wrdreg $0xFFFFFFFF  }
0xc1: {  	_ =	task.clear_ibuf [dreg:s6], $0x2FFFF;
	_ =	strace $0x9FFFFFFF  }
0xc2: {  	(tm) =	ssettm $0x7FFFFFFF  }
0xc3: {  	_ =	shalt  }
tec
execute0_lowered:
.L_overlay_start_1:
0x0: {  	(tag) =	ssettag $0x1  }
0x1: {  	s0 =	srdreg.scid  }
0x2: {  	s13 =	stileid.u32;
	s1 =	rddreg [dreg:$0x0]  }
0x3: {  	s2 =	rddreg [dreg:$0x1];
	s3 =	simm.s32 $0x0;
	s14 =	simm.s32 $0x7D  }
0x4: {  	s15 =	simm.s32 $0xA000;
	s17 =	simm.s32 $0xBF40;
	s19 =	simm.s32 $0xDE80  }
0x5: {  	s21 =	simm.s32 $0xFDC0;
	s22 =	simm.s32 $0x1;
	s23 =	simm.s32 $0x2  }
0x6: {  	s28 =	simm.s32 $0x4;
	s29 =	simm.s32 $0x5;
	s30 =	simm.s32 $0x6  }
0x7: {  	s31 =	simm.s32 $0x7;
	s18 =	simm.s32 $0x9F80;
	s5 =	smul.u32 $0x5000, s13  }
0x8: {  	s20 =	simm.s32 $0x0;
	s0 =	sand.u32 $0x1, s0;
	s9 =	smul.u32 $0x9C00, s13  }
0x9: {  	[smem:$0x7FF] =	sst s3;
	p0 =	sne.s32 s13, $0x0;
	s4 =	smul.u32 $0x50000, s0  }
0xa: {  	_ =	strace $0x8000004D;
	s8 =	smul.u32 $0x9C400, s0;
	s0 =	ssub.s32 $0x2, s0  }
0xb: {  	s13 =	sshrl.u32 @!p0 s2, $0x3;
	s10 =	sshrl.u32 s0, $0x1;
	s12 =	sadd.s32 s9, s2  }
0xc: {  	s6 =	sadd.s32 s5, s4;
	s4 =	sadd.s32 $0x52C00, s1;
	s5 =	sshrl.u32 s5, $0x3  }
0xd: {  	s0 =	ssub.s32 s0, s10;
	s26 =	sadd.s32 s9, s8;
	s11 =	sshrl.u32 s8, $0x3  }
0xe: {  	s24 =	sshrl.u32 s12, $0x3;
	s6 =	sshrl.u32 s6, $0x3;
	s7 =	sadd.s32 s5, s1  }
0xf: {  	s5 =	sadd.s32 $0xC8E00, s1;
	s10 =	sshrl.u32 s26, $0x3;
	s26 =	simm.s32 $0x3  }
0x10: {  	s6 =	sadd.s32 s6, s1;
	s1 =	sadd.s32 $0xDC800, s1;
	s7 =	sadd.s32 $0x97C00, s7  }
0x11: {  	s6 =	sadd.s32 $0x83C00, s6;
	s8 =	sadd.s32 s1, s10;
	s1 =	sadd.s32 s1, s11  }
0x12: {  	s10 =	smax.u32 s0, $0x1;
	s9 =	sadd.s32 $0x13800, s1;
	s1 =	sadd.s32 $0x9C000, s2  }
0x13: {  	s11 =	simm.s32 $0x9;
	s25 =	sshrl.u32 @!p0 s1, $0x3;
	s1 =	simm.s32 $0x8  }
.LBB2_1:
0x14: {  	[tilespmem:s3], [sflag:$0x9] =	stream.linear.gather [hbm4b:s6+s3], $0x5000, $0x38;
	[tilespmem:$0x1B940] =	vst v63  }
0x15: {  	_ =	swait.ge [sflag:s11], $0x5000  }
0x16: {  	[sflag:s11] =	ssyncset.done $0x0  }
0x17: {  	s0 =	simm.s32 $0x5000;
	[sflag:s11] =	ssyncadd.s32 $0xFFFFB000  }
0x18: {  	[tilespmem:s0], [sflag:$0x9] =	stream.linear.gather [hbm4b:s7+s3], $0x5000, $0x38;
	[tilespmem:$0x1B940] =	vst v63  }
0x19: {  	_ =	swait.ge [sflag:s11], $0x5000  }
0x1a: {  	[sflag:s11] =	ssyncset.done $0x0  }
0x1b: {  	s0 =	simm.s32 @!p0 $0x1C09;
	[sflag:s11] =	ssyncadd.s32 $0xFFFFB000  }
0x1c: {  	[spmem:s13], [sflag:s0] =	dma.local @!p0 [hbm:s5], $0x13880  }
0x1d: {  	s0 =	simm.s32 @!p0 $0x9  }
0x1e: {  	_ =	swait.ge @!p0 [sflag:s0], $0x13880  }
0x1f: {  	[sflag:s0] =	ssyncset.done @!p0 $0x0  }
0x20: {  	[sflag:s0] =	ssyncadd.s32 @!p0 $0xFFFEC780  }
0x21: {  	[bflag:$0x0] =	sbarrier.arrive $0xFFFF  }
0x22: {  	[tilespmem:s15], [sflag:$0x1] =	stream.indirect.gather [hbm4b:s4+s14], $0x40, s3, s14, $0xb8;
	[tilespmem:$0x1B940] =	vst v63  }
0x23: {  	s12 =	simm.s32 $0x80  }
0x24: {  	[tilespmem:s17], [sflag:$0x2] =	stream.indirect.gather [hbm4b:s4+s14], $0x40, s12, s14, $0xb8;
	[tilespmem:$0x1B940] =	vst v63  }
0x25: {  	s16 =	simm.s32 $0x100  }
0x26: {  	[tilespmem:s19], [sflag:$0x3] =	stream.indirect.gather [hbm4b:s4+s14], $0x40, s16, s14, $0xb8;
	[tilespmem:$0x1B940] =	vst v63  }
0x27: {  	s12 =	simm.s32 $0x180  }
0x28: {  	[tilespmem:s21], [sflag:$0x4] =	stream.indirect.gather [hbm4b:s4+s14], $0x40, s12, s14, $0xb8;
	[tilespmem:$0x1B940] =	vst v63  }
0x29: {  	_ =	swait.ge [sflag:s22], $0x1F40  }
0x2a: {  	[sflag:s22] =	ssyncset.done $0x0  }
0x2b: {  	s16 =	simm.s32 $0x5000;
	[sflag:s22] =	ssyncadd.s32 $0xFFFFE0C0  }
0x2c: {  	[spmem:s2] =	stream.indirect.scatter.add.f32 [tilespmem:s15], [sflag:$0x5], $0x40, s16, s14, $0xb8;
	[tilespmem:$0x1B940] =	vst v63  }
0x2d: {  	_ =	swait.ge [sflag:s23], $0x1F40  }
0x2e: {  	[sflag:s23] =	ssyncset.done $0x0  }
0x2f: {  	s12 =	simm.s32 $0x5080;
	[sflag:s23] =	ssyncadd.s32 $0xFFFFE0C0  }
0x30: {  	[spmem:s2] =	stream.indirect.scatter.add.f32 [tilespmem:s17], [sflag:$0x6], $0x40, s12, s14, $0xb8;
	[tilespmem:$0x1B940] =	vst v63  }
0x31: {  	_ =	swait.ge [sflag:s26], $0x1F40  }
0x32: {  	[sflag:s26] =	ssyncset.done $0x0  }
0x33: {  	s16 =	simm.s32 $0x5100;
	[sflag:s26] =	ssyncadd.s32 $0xFFFFE0C0  }
0x34: {  	[spmem:s2] =	stream.indirect.scatter.add.f32 [tilespmem:s19], [sflag:$0x7], $0x40, s16, s14, $0xb8;
	[tilespmem:$0x1B940] =	vst v63  }
0x35: {  	_ =	swait.ge [sflag:s28], $0x1F40  }
0x36: {  	[sflag:s28] =	ssyncset.done $0x0  }
0x37: {  	s12 =	simm.s32 $0x5180;
	[sflag:s28] =	ssyncadd.s32 $0xFFFFE0C0  }
0x38: {  	[spmem:s2] =	stream.indirect.scatter.add.f32 [tilespmem:s21], [sflag:$0x8], $0x40, s12, s14, $0xb8;
	[tilespmem:$0x1B940] =	vst v63  }
0x39: {  	_ =	swait.ge [sflag:s29], $0x1F40  }
0x3a: {  	[sflag:s29] =	ssyncset.done $0x0  }
0x3b: {  	s16 =	simm.s32 $0x200;
	[sflag:s29] =	ssyncadd.s32 $0xFFFFE0C0  }
0x3c: {  	[tilespmem:s15], [sflag:$0x1] =	stream.indirect.gather [hbm4b:s4+s14], $0x40, s16, s14, $0xb8;
	[tilespmem:$0x1B940] =	vst v63  }
0x3d: {  	_ =	swait.ge [sflag:s30], $0x1F40  }
0x3e: {  	[sflag:s30] =	ssyncset.done $0x0  }
0x3f: {  	s12 =	simm.s32 $0x280;
	[sflag:s30] =	ssyncadd.s32 $0xFFFFE0C0  }
0x40: {  	[tilespmem:s17], [sflag:$0x2] =	stream.indirect.gather [hbm4b:s4+s14], $0x40, s12, s14, $0xb8;
	[tilespmem:$0x1B940] =	vst v63  }
0x41: {  	_ =	swait.ge [sflag:s31], $0x1F40  }
0x42: {  	[sflag:s31] =	ssyncset.done $0x0  }
0x43: {  	s16 =	simm.s32 $0x300;
	[sflag:s31] =	ssyncadd.s32 $0xFFFFE0C0  }
0x44: {  	[tilespmem:s19], [sflag:$0x3] =	stream.indirect.gather [hbm4b:s4+s14], $0x40, s16, s14, $0xb8;
	[tilespmem:$0x1B940] =	vst v63  }
0x45: {  	_ =	swait.ge [sflag:s1], $0x1F40  }
0x46: {  	[sflag:s1] =	ssyncset.done $0x0  }
0x47: {  	s0 =	simm.s32 $0x800;
	s12 =	simm.s32 $0x380;
	[sflag:s1] =	ssyncadd.s32 $0xFFFFE0C0  }
.LBB2_2:
0x48: {  	[tilespmem:s21], [sflag:$0x4] =	stream.indirect.gather [hbm4b:s4+s14], $0x40, s12, s14, $0xb8;
	[tilespmem:$0x1B940] =	vst v63  }
0x49: {  	s12 =	smov.u32 s0  }
0x4a: {  	p1 =	sne.s32 s0, $0x13000;
	s0 =	sadd.s32 $0x800, s0;
	_ =	swait.ge [sflag:s22], $0x1F40  }
0x4b: {  	s12 =	sshra.s32 s12, $0x2;
	[sflag:s22] =	ssyncset.done $0x0  }
0x4c: {  	s16 =	sadd.s32 $0x5000, s12;
	[sflag:s22] =	ssyncadd.s32 $0xFFFFE0C0  }
0x4d: {  	[spmem:s2] =	stream.indirect.scatter.add.f32 [tilespmem:s15], [sflag:$0x5], $0x40, s16, s14, $0xb8;
	[tilespmem:$0x1B940] =	vst v63  }
0x4e: {  	_ =	swait.ge [sflag:s23], $0x1F40  }
0x4f: {  	[sflag:s23] =	ssyncset.done $0x0  }
0x50: {  	s16 =	sadd.s32 $0x5080, s12;
	[sflag:s23] =	ssyncadd.s32 $0xFFFFE0C0  }
0x51: {  	[spmem:s2] =	stream.indirect.scatter.add.f32 [tilespmem:s17], [sflag:$0x6], $0x40, s16, s14, $0xb8;
	[tilespmem:$0x1B940] =	vst v63  }
0x52: {  	_ =	swait.ge [sflag:s26], $0x1F40  }
0x53: {  	[sflag:s26] =	ssyncset.done $0x0  }
0x54: {  	s16 =	sadd.s32 $0x5100, s12;
	[sflag:s26] =	ssyncadd.s32 $0xFFFFE0C0  }
0x55: {  	[spmem:s2] =	stream.indirect.scatter.add.f32 [tilespmem:s19], [sflag:$0x7], $0x40, s16, s14, $0xb8;
	[tilespmem:$0x1B940] =	vst v63  }
0x56: {  	_ =	swait.ge [sflag:s28], $0x1F40  }
0x57: {  	[sflag:s28] =	ssyncset.done $0x0  }
0x58: {  	s16 =	sadd.s32 $0x5180, s12;
	[sflag:s28] =	ssyncadd.s32 $0xFFFFE0C0  }
0x59: {  	[spmem:s2] =	stream.indirect.scatter.add.f32 [tilespmem:s21], [sflag:$0x8], $0x40, s16, s14, $0xb8;
	[tilespmem:$0x1B940] =	vst v63  }
0x5a: {  	_ =	swait.ge [sflag:s29], $0x1F40  }
0x5b: {  	[sflag:s29] =	ssyncset.done $0x0  }
0x5c: {  	s16 =	sadd.s32 $0x200, s12;
	[sflag:s29] =	ssyncadd.s32 $0xFFFFE0C0  }
0x5d: {  	[tilespmem:s15], [sflag:$0x1] =	stream.indirect.gather [hbm4b:s4+s14], $0x40, s16, s14, $0xb8;
	[tilespmem:$0x1B940] =	vst v63  }
0x5e: {  	_ =	swait.ge [sflag:s30], $0x1F40  }
0x5f: {  	[sflag:s30] =	ssyncset.done $0x0  }
0x60: {  	s16 =	sadd.s32 $0x280, s12;
	[sflag:s30] =	ssyncadd.s32 $0xFFFFE0C0  }
0x61: {  	[tilespmem:s17], [sflag:$0x2] =	stream.indirect.gather [hbm4b:s4+s14], $0x40, s16, s14, $0xb8;
	[tilespmem:$0x1B940] =	vst v63  }
0x62: {  	_ =	swait.ge [sflag:s31], $0x1F40  }
0x63: {  	[sflag:s31] =	ssyncset.done $0x0  }
.Ltmp0:
0x64: {  	s16 =	sadd.s32 $0x300, s12;
	[sflag:s31] =	ssyncadd.s32 $0xFFFFE0C0;
	(pc) =	sbr.rel @p1 .LBB2_2-.Ltmp0, $4  }
0x65: {  	[tilespmem:s19], [sflag:$0x3] =	stream.indirect.gather [hbm4b:s4+s14], $0x40, s16, s14, $0xb8;
	[tilespmem:$0x1B940] =	vst v63  }
0x66: {  	_ =	swait.ge [sflag:s1], $0x1F40  }
0x67: {  	[sflag:s1] =	ssyncset.done $0x0  }
0x68: {  	s12 =	sadd.s32 $0x380, s12;
	[sflag:s1] =	ssyncadd.s32 $0xFFFFE0C0  }
0x69: {  	[tilespmem:s21], [sflag:$0x4] =	stream.indirect.gather [hbm4b:s4+s14], $0x40, s12, s14, $0xb8;
	[tilespmem:$0x1B940] =	vst v63  }
0x6a: {  	_ =	swait.ge [sflag:s22], $0x1F40  }
0x6b: {  	[sflag:s22] =	ssyncset.done $0x0  }
0x6c: {  	s0 =	simm.s32 $0x9E00;
	[sflag:s22] =	ssyncadd.s32 $0xFFFFE0C0  }
0x6d: {  	[spmem:s2] =	stream.indirect.scatter.add.f32 [tilespmem:s15], [sflag:$0x5], $0x40, s0, s14, $0xb8;
	[tilespmem:$0x1B940] =	vst v63  }
0x6e: {  	_ =	swait.ge [sflag:s23], $0x1F40  }
0x6f: {  	[sflag:s23] =	ssyncset.done $0x0  }
0x70: {  	s16 =	simm.s32 $0x9E80;
	[sflag:s23] =	ssyncadd.s32 $0xFFFFE0C0  }
0x71: {  	[spmem:s2] =	stream.indirect.scatter.add.f32 [tilespmem:s17], [sflag:$0x6], $0x40, s16, s14, $0xb8;
	[tilespmem:$0x1B940] =	vst v63  }
0x72: {  	_ =	swait.ge [sflag:s26], $0x1F40  }
0x73: {  	[sflag:s26] =	ssyncset.done $0x0  }
0x74: {  	s12 =	simm.s32 $0x9F00;
	[sflag:s26] =	ssyncadd.s32 $0xFFFFE0C0  }
0x75: {  	[spmem:s2] =	stream.indirect.scatter.add.f32 [tilespmem:s19], [sflag:$0x7], $0x40, s12, s14, $0xb8;
	[tilespmem:$0x1B940] =	vst v63  }
0x76: {  	_ =	swait.ge [sflag:s28], $0x1F40  }
0x77: {  	[sflag:s28] =	ssyncset.done $0x0  }
0x78: {  	[sflag:s28] =	ssyncadd.s32 $0xFFFFE0C0  }
0x79: {  	[spmem:s2] =	stream.indirect.scatter.add.f32 [tilespmem:s21], [sflag:$0x8], $0x40, s18, s14, $0xb8;
	[tilespmem:$0x1B940] =	vst v63  }
0x7a: {  	_ =	swait.ge [sflag:s29], $0x1F40  }
0x7b: {  	[sflag:s29] =	ssyncset.done $0x0  }
0x7c: {  	[sflag:s29] =	ssyncadd.s32 $0xFFFFE0C0  }
0x7d: {  	_ =	swait.ge [sflag:s30], $0x1F40  }
0x7e: {  	[sflag:s30] =	ssyncset.done $0x0  }
0x7f: {  	[sflag:s30] =	ssyncadd.s32 $0xFFFFE0C0  }
0x80: {  	_ =	swait.ge [sflag:s31], $0x1F40  }
0x81: {  	[sflag:s31] =	ssyncset.done $0x0  }
0x82: {  	[sflag:s31] =	ssyncadd.s32 $0xFFFFE0C0  }
0x83: {  	_ =	swait.ge [sflag:s1], $0x1F40  }
0x84: {  	s16 =	stileid.u32;
	[sflag:s1] =	ssyncset.done $0x0  }
0x85: {  	s0 =	sshll.u32 s16, $0x6;
	[sflag:s1] =	ssyncadd.s32 $0xFFFFE0C0  }
0x86: {  	s0 =	sor.u32 $0x1C09, s0;
	[bflag:$0x0] =	sbarrier.arrive $0xFFFF  }
0x87: {  	[hbm:s8], [sflag:s0] =	dma.local [spmem:s24], $0x1380  }
0x88: {  	_ =	swait.ge [sflag:s11], $0x1380  }
0x89: {  	s20 =	sadd.s32 $0x1, s20;
	[sflag:s11] =	ssyncset.done $0x0  }
0x8a: {  	p1 =	sne.s32 s20, s10;
	[sflag:s11] =	ssyncadd.s32 $0xFFFFEC80  }
0x8b: {  	[hbm:s9], [sflag:s0] =	dma.local @!p0 [spmem:s25], $0x80  }
.Ltmp1:
0x8c: {  	_ = 	snop;
	(pc) =	sbr.rel @p1 .LBB2_1-.Ltmp1, $4  }
0x8d: {  	s0 =	simm.s32 @!p0 $0x9  }
0x8e: {  	_ =	swait.ge @!p0 [sflag:s0], $0x80  }
0x8f: {  	[sflag:s0] =	ssyncset.done @!p0 $0x0  }
0x90: {  	[sflag:s0] =	ssyncadd.s32 @!p0 $0xFFFFFF80  }
0x91: {  	_ =	sfence.sel $0x180000  }
0x92: {  	[bflag:$0x0] =	sbarrier.arrive $0xFFFF  }
0x93: {  	_ =	strace $0x9000004D  }
0x94: {  	[bflag:$0x2] =	sbarrier.arrive $0xFFFF  }
0x95: {  	s0 =	rddreg [dreg:$0x2]  }
0x96: {  	s0 =	sadd.s32 @!p0 $0x100000, s0  }
0x97: {  	[sflag:s0] =	ssyncadd.tile.s32 @!p0 $0x1;
	_ =	shalt  }
.Lfunc_end2:
_tile_overlayer_lowered:
.L_overlay_start_2:
0x98: {  	(tag) =	ssettag $0x2  }
0x99: {  	s0 =	rddreg [dreg:$0x0];
	s2 =	stileid.u32  }
0x9a: {  	s1 =	rddreg [dreg:$0x1];
	p0 =	sne.s32 s2, $0x0  }
0x9b: {  	s3 =	rddreg [dreg:$0x2];
	[bflag:$0x3] =	sbarrier.arrive $0xFFFF;
	s2 =	simm.s32 @!p0 $0x1C09  }
0x9c: {  	[timem:s3], [sflag:s2] =	dma.local @!p0 [hbm:s0], s1  }
0x9d: {  	s0 =	simm.s32 @!p0 $0x9  }
0x9e: {  	_ =	swait.ge @!p0 [sflag:s0], s1  }
0x9f: {  	s1 =	ssub.s32 @!p0 $0x0, s1;
	[sflag:s0] =	ssyncset.done @!p0 $0x0  }
0xa0: {  	[sflag:s0] =	ssyncadd.s32 @!p0 s1  }
0xa1: {  	[bflag:$0x3] =	sbarrier.arrive $0xFFFF  }
0xa2: {  	_ =	shalt  }

// kernel: kernel.19.cloned.1.call-start
scs
__scs_entry_jumppad:
0x0: {  	(pc) =	sbr.rel $0x88, $3  }
0x1: {  	(tag) =	ssettag $0x0;
	lr =	simm.s32 $0x1  }
0x2: {  	[smem:$0x3F8A] =	sst lr;
	_ =	strace $0xD0000000  }
0x3: {  	_ = 	snop  }
0x4: {  	_ = 	snop  }
0x5: {  	_ = 	snop  }
0x6: {  	_ = 	snop  }
0x7: {  	_ = 	snop  }
__scs_overlays_trampoline_lowered:
0x8: {  	[smem:$0x3F99] =	sst s0  }
0x9: {  	[smem:$0x3F9A] =	sst s1  }
0xa: {  	[smem:$0x3F9B] =	sst s2  }
0xb: {  	[smem:$0x3F9C] =	sst s3  }
0xc: {  	[smem:$0x3F9D] =	sst s4  }
0xd: {  	[smem:$0x3F9E] =	sst s5  }
0xe: {  	[smem:$0x3F9F] =	sst s6  }
0xf: {  	[smem:$0x3FA0] =	sst s7  }
0x10: {  	[smem:$0x3FA1] =	sst s8  }
0x11: {  	[smem:$0x3FA2] =	sst s9;
	s0 =	simm.s32 @!p0 $0x0  }
0x12: {  	s1 =	sld [smem:$0x3F88];
	s0 =	simm.s32 @p0 $0x1  }
0x13: {  	[smem:$0x3FA3] =	sst s0;
	s0 =	simm.s32 @!p1 $0x0  }
0x14: {  	s2 =	sld [smem:$0x3F87];
	s0 =	simm.s32 @p1 $0x1  }
0x15: {  	[smem:$0x3FA4] =	sst s0;
	s0 =	simm.s32 @!p2 $0x0  }
0x16: {  	s3 =	sld [smem:$0x3FDB];
	s0 =	simm.s32 @p2 $0x1  }
0x17: {  	s4 =	simm.s32 $0x1BF5;
	[smem:$0x3FA6] =	sst s0  }
0x18: {  	s0 =	sld [smem:$0x3F89];
	_ =	swait.ge [sflag:s4], $0x0  }
0x19: {  	s7 =	sld [smem:$0x3F8A]  }
0x1a: {  	s8 =	sadd.s32 $0xFFFFE003, lr  }
0x1b: {  	s9 =	sadd.s32 $0xFFFFFEF7, lr;
	s5 =	simm.s32 $0xFFFFFFFF;
	p2 =	slt.u32 s8, $0xFFFFF086  }
0x1c: {  	p1 =	slt.u32 s9, $0xF7A;
	s5 =	simm.s32 @!p2 $0x0  }
0x1d: {  	s5 =	simm.s32 @p1 $0x1;
	p0 =	seq.s32 s7, s2  }
0x1e: {  	s7 =	smul.u32 @!p0 $0xF7A, s2;
	p2 =	seq.s32 @!p0 s5, $0x0  }
0x1f: {  	s9 =	smul.u32 $0xF7A, s1;
	s8 =	simm.s32 @!p0 $0x1BF5;
	p2 =	por !p2, p0  }
0x20: {  	[sflag:s8] =	ssyncset.s32 @!p0 $0xFFFFF086;
	s6 =	sadd.s32 @!p0 s3, s7;
	s7 =	simm.s32 @!p0 $0x108  }
0x21: {  	s3 =	sadd.s32 s3, s9;
	s6 =	sadd.s32 @!p0 $0x88, s6;
	s7 =	simm.s32 @p2 $0x1082  }
0x22: {  	[simem:s7], [sflag:s8] =	dma.local @!p0 [hbm:s6], $0xF7A  }
0x23: {  	s9 =	sor.u32 $0xD0000000, s2;
	s6 =	simm.s32 $0x108;
	_ =	swait.ge @!p0 [sflag:s8], $0x0  }
0x24: {  	s3 =	sadd.s32 $0x88, s3;
	s6 =	simm.s32 @!p1 $0x1082;
	[sflag:s4] =	ssyncset.s32 $0xFFFFF086  }
0x25: {  	[simem:s6], [sflag:s4] =	dma.local [hbm:s3], $0xF7A  }
0x26: {  	[smem:$0x3F8A] =	sst s1;
	(tag) =	ssettag s2;
	_ =	strace s9  }
0x27: {  	s1 =	sld [smem:$0x3F9A]  }
0x28: {  	s2 =	sld [smem:$0x3F9B]  }
0x29: {  	s4 =	sld [smem:$0x3F9D]  }
0x2a: {  	p0 =	seq.s32 s5, $0x0;
	s5 =	sld [smem:$0x3F9E]  }
0x2b: {  	s6 =	sld [smem:$0x3F9F]  }
0x2c: {  	s7 =	sld [smem:$0x3FA0]  }
0x2d: {  	s3 =	simm.s32 $0x108;
	s8 =	sld [smem:$0x3FA1]  }
0x2e: {  	s3 =	simm.s32 @!p0 $0x1082;
	s9 =	sld [smem:$0x3FA2]  }
0x2f: {  	lr =	sadd.s32 s0, s3;
	s0 =	sld [smem:$0x3F99]  }
0x30: {  	s3 =	sld [smem:$0x3F9C]  }
0x31: {  	[smem:$0x3FA5] =	sst s10  }
0x32: {  	s10 =	sld [smem:$0x3FA3];
	_ =	sdelay $0x3  }
0x33: {  	p0 =	seq.s32 s10, $0x1;
	s10 =	sld [smem:$0x3FA5];
	_ =	sdelay $0x3  }
0x34: {  	[smem:$0x3FA5] =	sst s10  }
0x35: {  	s10 =	sld [smem:$0x3FA4];
	_ =	sdelay $0x3  }
0x36: {  	p1 =	seq.s32 s10, $0x1;
	s10 =	sld [smem:$0x3FA5];
	_ =	sdelay $0x3  }
0x37: {  	[smem:$0x3FA5] =	sst s10  }
0x38: {  	s10 =	sld [smem:$0x3FA6]  }
0x39: {  	_ = 	snop;
	(pc) =	sbr.ind lr, $3  }
0x3a: {  	_ = 	snop  }
0x3b: {  	_ = 	snop  }
0x3c: {  	p2 =	seq.s32 s10, $0x1;
	s10 =	sld [smem:$0x3FA5]  }
0x3d: {  	_ =	shalt  }
0x3e: {  	_ =	shalt  }
0x3f: {  	_ =	shalt  }
0x40: {  	_ =	shalt  }
0x41: {  	_ =	shalt  }
0x42: {  	_ =	shalt  }
0x43: {  	_ =	shalt  }
0x44: {  	_ =	shalt  }
0x45: {  	_ =	shalt  }
0x46: {  	_ =	shalt  }
0x47: {  	_ =	shalt  }
0x48: {  	_ =	shalt  }
0x49: {  	_ =	shalt  }
0x4a: {  	_ =	shalt  }
0x4b: {  	_ =	shalt  }
0x4c: {  	_ =	shalt  }
0x4d: {  	_ =	shalt  }
0x4e: {  	_ =	shalt  }
0x4f: {  	_ =	shalt  }
0x50: {  	_ =	shalt  }
0x51: {  	_ =	shalt  }
0x52: {  	_ =	shalt  }
0x53: {  	_ =	shalt  }
0x54: {  	_ =	shalt  }
0x55: {  	_ =	shalt  }
0x56: {  	_ =	shalt  }
0x57: {  	_ =	shalt  }
0x58: {  	_ =	shalt  }
0x59: {  	_ =	shalt  }
0x5a: {  	_ =	shalt  }
0x5b: {  	_ =	shalt  }
0x5c: {  	_ =	shalt  }
0x5d: {  	_ =	shalt  }
0x5e: {  	_ =	shalt  }
0x5f: {  	_ =	shalt  }
0x60: {  	_ =	shalt  }
0x61: {  	_ =	shalt  }
0x62: {  	_ =	shalt  }
0x63: {  	_ =	shalt  }
0x64: {  	_ =	shalt  }
0x65: {  	_ =	shalt  }
0x66: {  	_ =	shalt  }
0x67: {  	_ =	shalt  }
0x68: {  	_ =	shalt  }
0x69: {  	_ =	shalt  }
0x6a: {  	_ =	shalt  }
0x6b: {  	_ =	shalt  }
0x6c: {  	_ =	shalt  }
0x6d: {  	_ =	shalt  }
0x6e: {  	_ =	shalt  }
0x6f: {  	_ =	shalt  }
0x70: {  	_ =	shalt  }
0x71: {  	_ =	shalt  }
0x72: {  	_ =	shalt  }
0x73: {  	_ =	shalt  }
0x74: {  	_ =	shalt  }
0x75: {  	_ =	shalt  }
0x76: {  	_ =	shalt  }
0x77: {  	_ =	shalt  }
0x78: {  	_ =	shalt  }
0x79: {  	_ =	shalt  }
0x7a: {  	_ =	shalt  }
0x7b: {  	_ =	shalt  }
0x7c: {  	_ =	shalt  }
0x7d: {  	_ =	shalt  }
0x7e: {  	_ =	shalt  }
0x7f: {  	_ =	shalt  }
0x80: {  	_ =	shalt  }
0x81: {  	_ =	shalt  }
0x82: {  	_ =	shalt  }
0x83: {  	_ =	shalt  }
0x84: {  	_ =	shalt  }
0x85: {  	_ =	shalt  }
0x86: {  	_ =	shalt  }
0x87: {  	_ =	shalt  }
.Lfunc_end0:
.L_simem_size_0:
called_computation.3_lowered:
.L_overlay_start_0:
0x88: {  	s2 =	sld [smem:$0x3FD9]  }
0x89: {  	s3 =	sld [smem:$0x3FFE];
	_ =	sdelay $0x1  }
0x8a: {  	s1 =	srdreg.scid  }
0x8b: {  	s0 =	sand.u32 $0x1, s1  }
0x8c: {  	s16 =	sshll.u32 s0, $0xA;
	s2 =	sadd.s32 s3, s2  }
0x8d: {  	s2 =	sadd.s32 s2, s16  }
0x8e: {  	[smem:$0x3FB1] =	sst s2  }
0x8f: {  	_ = 	snop  }
0x90: {  	(tm) =	ssettm $0x1  }
0x91: {  	s17 =	sld [smem:$0x3FFB];
	_ =	sdelay $0x3  }
0x92: {  	_ =	strace s17  }
0x93: {  	s2 =	sld [smem:$0x3FFC];
	_ =	sdelay $0x3  }
0x94: {  	_ =	strace s2  }
0x95: {  	s2 =	sld [smem:$0x3FFD];
	_ =	sdelay $0x3  }
0x96: {  	_ =	strace s2  }
0x97: {  	_ =	strace $0x8FFFFFFF  }
0x98: {  	s18 =	sld [smem:$0x3FDB];
	_ =	sdelay $0x1  }
0x99: {  	s19 =	simm.s32 $_scs_section_size  }
0x9a: {  	s4 =	simm.s32 $_size__tile_overlayer_lowered;
	s5 =	simm.s32 $_tile_overlayer_lowered  }
0x9b: {  	s22 =	simm.s32 $0x1BFF;
	s21 =	sshll.u32 s5, $0x1;
	s2 =	sadd.s32 s19, s18  }
0x9c: {  	s6 =	simm.s32 $0x0;
	s20 =	sshll.u32 s4, $0x1;
	s4 =	sadd.s32 s21, s2  }
0x9d: {  	[timem:s6], [sflag:s22] =	dma.local [hbm:s4], s20  }
0x9e: {  	_ =	swait.ge [sflag:s22], s20  }
0x9f: {  	s3 =	ssub.s32 $0x0, s20;
	[sflag:s22] =	ssyncset.done $0x0  }
0xa0: {  	[sflag:s22] =	ssyncadd.s32 s3;
	_ =	sdelay $0x1  }
0xa1: {  	s23 =	simm.s32 $0x1B8B  }
0xa2: {  	_ =	swait.ge [sflag:s23], $0x1  }
0xa3: {  	[sflag:s23] =	ssyncset.done $0x0  }
0xa4: {  	s25 =	simm.s32 $0x1B8E;
	s24 =	sld [smem:$0x3FFE];
	[sflag:s23] =	ssyncadd.s32 $0xFFFFFFFF  }
0xa5: {  	s26 =	simm.s32 $execute0_lowered;
	[smem:$0x3FD2] =	sst s25  }
0xa6: {  	s4 =	sshll.u32 s26, $0x1;
	_ =	strace $0x8000004F;
	[dreg:$0x1] =	wrdreg $0xFFFFFFFF  }
0xa7: {  	s28 =	simm.s32 $_size_execute0_lowered;
	s2 =	sadd.s32 s2, s4;
	[dreg:$0x0] =	wrdreg $0x0  }
0xa8: {  	s4 =	sshll.u32 s28, $0x1;
	[dreg:$0x2] =	wrdreg s2  }
0xa9: {  	[dreg:$0x3] =	wrdreg s4  }
0xaa: {  	[dreg:$0x4] =	wrdreg $0xC0  }
0xab: {  	_ =	task [dreg:s6], $0x5FFFF  }
0xac: {  	[dreg:$0x1] =	wrdreg $0xFFFFFFFF  }
0xad: {  	[dreg:$0x0] =	wrdreg $0x60  }
0xae: {  	[dreg:$0x2] =	wrdreg s24  }
0xaf: {  	[dreg:$0x3] =	wrdreg $0x11D000  }
0xb0: {  	[dreg:$0x4] =	wrdreg $0x9  }
0xb1: {  	_ =	task.clear_ibuf [dreg:s6], $0x5FFFF;
	_ =	strace $0x9000004F  }
0xb2: {  	s29 =	simm.s32 $0x9;
	_ =	strace $0x80000051  }
0xb3: {  	_ =	swait.ge [sflag:s29], $0x1  }
0xb4: {  	[sflag:s29] =	ssyncadd.s32 $0xFFFFFFFF  }
0xb5: {  	_ =	strace $0x90000051  }
0xb6: {  	_ =	sfence  }
0xb7: {  	s30 =	sld [smem:$0x0];
	_ =	sdelay $0x2  }
0xb8: {  	s31 =	sshll.u32 s1, $0xD;
	s1 =	sshrl.u32 s1, $0x2  }
0xb9: {  	s3 =	sand.u32 $0x4000, s31;
	s1 =	sadd.s32 s1, s30  }
0xba: {  	s0 =	sor.u32 s3, s0;
	s1 =	sshll.u32 s1, $0x11  }
0xbb: {  	s0 =	sor.u32 s1, s0  }
0xbc: {  	s0 =	sadd.s32 $0x8F2B, s0  }
0xbd: {  	[sflag:s0] =	ssyncadd.remote.s32 $0x1  }
0xbe: {  	_ =	sfence.sel $0xFFFF  }
0xbf: {  	[dreg:$0x0] =	wrdreg $0xFFFFFFFF;
	(pc) =	sbr.abs _section_cstart, $3  }
0xc0: {  	[dreg:$0x1] =	wrdreg $0xFFFFFFFF  }
0xc1: {  	_ =	task.clear_ibuf [dreg:s6], $0x2FFFF;
	_ =	strace $0x9FFFFFFF  }
0xc2: {  	(tm) =	ssettm $0x7FFFFFFF  }
0xc3: {  	_ =	shalt  }
tec
execute0_lowered:
.L_overlay_start_1:
0x0: {  	(tag) =	ssettag $0x1  }
0x1: {  	s0 =	srdreg.scid  }
0x2: {  	s13 =	stileid.u32;
	s1 =	rddreg [dreg:$0x0]  }
0x3: {  	s2 =	rddreg [dreg:$0x1];
	s3 =	simm.s32 $0x0;
	s14 =	simm.s32 $0x7D  }
0x4: {  	s15 =	simm.s32 $0xA000;
	s17 =	simm.s32 $0xBF40;
	s19 =	simm.s32 $0xDE80  }
0x5: {  	s21 =	simm.s32 $0xFDC0;
	s22 =	simm.s32 $0x1;
	s23 =	simm.s32 $0x2  }
0x6: {  	s28 =	simm.s32 $0x4;
	s29 =	simm.s32 $0x5;
	s30 =	simm.s32 $0x6  }
0x7: {  	s31 =	simm.s32 $0x7;
	s18 =	simm.s32 $0x9F80;
	s5 =	smul.u32 $0x5000, s13  }
0x8: {  	s20 =	simm.s32 $0x0;
	s0 =	sand.u32 $0x1, s0;
	s9 =	smul.u32 $0x9C00, s13  }
0x9: {  	[smem:$0x7FF] =	sst s3;
	p0 =	sne.s32 s13, $0x0;
	s4 =	smul.u32 $0x50000, s0  }
0xa: {  	_ =	strace $0x80000050;
	s8 =	smul.u32 $0x9C400, s0;
	s0 =	ssub.s32 $0x2, s0  }
0xb: {  	s13 =	sshrl.u32 @!p0 s2, $0x3;
	s10 =	sshrl.u32 s0, $0x1;
	s12 =	sadd.s32 s9, s2  }
0xc: {  	s6 =	sadd.s32 s5, s4;
	s4 =	sadd.s32 $0xA1C00, s1;
	s5 =	sshrl.u32 s5, $0x3  }
0xd: {  	s0 =	ssub.s32 s0, s10;
	s26 =	sadd.s32 s9, s8;
	s11 =	sshrl.u32 s8, $0x3  }
0xe: {  	s24 =	sshrl.u32 s12, $0x3;
	s6 =	sshrl.u32 s6, $0x3;
	s7 =	sadd.s32 s5, s1  }
0xf: {  	s5 =	sadd.s32 $0xC8E00, s1;
	s10 =	sshrl.u32 s26, $0x3;
	s26 =	simm.s32 $0x3  }
0x10: {  	s6 =	sadd.s32 s6, s1;
	s1 =	sadd.s32 $0x2BA00, s1;
	s7 =	sadd.s32 $0x97C00, s7  }
0x11: {  	s6 =	sadd.s32 $0x83C00, s6;
	s8 =	sadd.s32 s1, s10;
	s1 =	sadd.s32 s1, s11  }
0x12: {  	s10 =	smax.u32 s0, $0x1;
	s9 =	sadd.s32 $0x13800, s1;
	s1 =	sadd.s32 $0x9C000, s2  }
0x13: {  	s11 =	simm.s32 $0x9;
	s25 =	sshrl.u32 @!p0 s1, $0x3;
	s1 =	simm.s32 $0x8  }
.LBB2_1:
0x14: {  	[tilespmem:s3], [sflag:$0x9] =	stream.linear.gather [hbm4b:s6+s3], $0x5000, $0x38;
	[tilespmem:$0x1B940] =	vst v63  }
0x15: {  	_ =	swait.ge [sflag:s11], $0x5000  }
0x16: {  	[sflag:s11] =	ssyncset.done $0x0  }
0x17: {  	s0 =	simm.s32 $0x5000;
	[sflag:s11] =	ssyncadd.s32 $0xFFFFB000  }
0x18: {  	[tilespmem:s0], [sflag:$0x9] =	stream.linear.gather [hbm4b:s7+s3], $0x5000, $0x38;
	[tilespmem:$0x1B940] =	vst v63  }
0x19: {  	_ =	swait.ge [sflag:s11], $0x5000  }
0x1a: {  	[sflag:s11] =	ssyncset.done $0x0  }
0x1b: {  	s0 =	simm.s32 @!p0 $0x1C09;
	[sflag:s11] =	ssyncadd.s32 $0xFFFFB000  }
0x1c: {  	[spmem:s13], [sflag:s0] =	dma.local @!p0 [hbm:s5], $0x13880  }
0x1d: {  	s0 =	simm.s32 @!p0 $0x9  }
0x1e: {  	_ =	swait.ge @!p0 [sflag:s0], $0x13880  }
0x1f: {  	[sflag:s0] =	ssyncset.done @!p0 $0x0  }
0x20: {  	[sflag:s0] =	ssyncadd.s32 @!p0 $0xFFFEC780  }
0x21: {  	[bflag:$0x0] =	sbarrier.arrive $0xFFFF  }
0x22: {  	[tilespmem:s15], [sflag:$0x1] =	stream.indirect.gather [hbm4b:s4+s14], $0x40, s3, s14, $0xb8;
	[tilespmem:$0x1B940] =	vst v63  }
0x23: {  	s12 =	simm.s32 $0x80  }
0x24: {  	[tilespmem:s17], [sflag:$0x2] =	stream.indirect.gather [hbm4b:s4+s14], $0x40, s12, s14, $0xb8;
	[tilespmem:$0x1B940] =	vst v63  }
0x25: {  	s16 =	simm.s32 $0x100  }
0x26: {  	[tilespmem:s19], [sflag:$0x3] =	stream.indirect.gather [hbm4b:s4+s14], $0x40, s16, s14, $0xb8;
	[tilespmem:$0x1B940] =	vst v63  }
0x27: {  	s12 =	simm.s32 $0x180  }
0x28: {  	[tilespmem:s21], [sflag:$0x4] =	stream.indirect.gather [hbm4b:s4+s14], $0x40, s12, s14, $0xb8;
	[tilespmem:$0x1B940] =	vst v63  }
0x29: {  	_ =	swait.ge [sflag:s22], $0x1F40  }
0x2a: {  	[sflag:s22] =	ssyncset.done $0x0  }
0x2b: {  	s16 =	simm.s32 $0x5000;
	[sflag:s22] =	ssyncadd.s32 $0xFFFFE0C0  }
0x2c: {  	[spmem:s2] =	stream.indirect.scatter.add.f32 [tilespmem:s15], [sflag:$0x5], $0x40, s16, s14, $0xb8;
	[tilespmem:$0x1B940] =	vst v63  }
0x2d: {  	_ =	swait.ge [sflag:s23], $0x1F40  }
0x2e: {  	[sflag:s23] =	ssyncset.done $0x0  }
0x2f: {  	s12 =	simm.s32 $0x5080;
	[sflag:s23] =	ssyncadd.s32 $0xFFFFE0C0  }
0x30: {  	[spmem:s2] =	stream.indirect.scatter.add.f32 [tilespmem:s17], [sflag:$0x6], $0x40, s12, s14, $0xb8;
	[tilespmem:$0x1B940] =	vst v63  }
0x31: {  	_ =	swait.ge [sflag:s26], $0x1F40  }
0x32: {  	[sflag:s26] =	ssyncset.done $0x0  }
0x33: {  	s16 =	simm.s32 $0x5100;
	[sflag:s26] =	ssyncadd.s32 $0xFFFFE0C0  }
0x34: {  	[spmem:s2] =	stream.indirect.scatter.add.f32 [tilespmem:s19], [sflag:$0x7], $0x40, s16, s14, $0xb8;
	[tilespmem:$0x1B940] =	vst v63  }
0x35: {  	_ =	swait.ge [sflag:s28], $0x1F40  }
0x36: {  	[sflag:s28] =	ssyncset.done $0x0  }
0x37: {  	s12 =	simm.s32 $0x5180;
	[sflag:s28] =	ssyncadd.s32 $0xFFFFE0C0  }
0x38: {  	[spmem:s2] =	stream.indirect.scatter.add.f32 [tilespmem:s21], [sflag:$0x8], $0x40, s12, s14, $0xb8;
	[tilespmem:$0x1B940] =	vst v63  }
0x39: {  	_ =	swait.ge [sflag:s29], $0x1F40  }
0x3a: {  	[sflag:s29] =	ssyncset.done $0x0  }
0x3b: {  	s16 =	simm.s32 $0x200;
	[sflag:s29] =	ssyncadd.s32 $0xFFFFE0C0  }
0x3c: {  	[tilespmem:s15], [sflag:$0x1] =	stream.indirect.gather [hbm4b:s4+s14], $0x40, s16, s14, $0xb8;
	[tilespmem:$0x1B940] =	vst v63  }
0x3d: {  	_ =	swait.ge [sflag:s30], $0x1F40  }
0x3e: {  	[sflag:s30] =	ssyncset.done $0x0  }
0x3f: {  	s12 =	simm.s32 $0x280;
	[sflag:s30] =	ssyncadd.s32 $0xFFFFE0C0  }
0x40: {  	[tilespmem:s17], [sflag:$0x2] =	stream.indirect.gather [hbm4b:s4+s14], $0x40, s12, s14, $0xb8;
	[tilespmem:$0x1B940] =	vst v63  }
0x41: {  	_ =	swait.ge [sflag:s31], $0x1F40  }
0x42: {  	[sflag:s31] =	ssyncset.done $0x0  }
0x43: {  	s16 =	simm.s32 $0x300;
	[sflag:s31] =	ssyncadd.s32 $0xFFFFE0C0  }
0x44: {  	[tilespmem:s19], [sflag:$0x3] =	stream.indirect.gather [hbm4b:s4+s14], $0x40, s16, s14, $0xb8;
	[tilespmem:$0x1B940] =	vst v63  }
0x45: {  	_ =	swait.ge [sflag:s1], $0x1F40  }
0x46: {  	[sflag:s1] =	ssyncset.done $0x0  }
0x47: {  	s0 =	simm.s32 $0x800;
	s12 =	simm.s32 $0x380;
	[sflag:s1] =	ssyncadd.s32 $0xFFFFE0C0  }
.LBB2_2:
0x48: {  	[tilespmem:s21], [sflag:$0x4] =	stream.indirect.gather [hbm4b:s4+s14], $0x40, s12, s14, $0xb8;
	[tilespmem:$0x1B940] =	vst v63  }
0x49: {  	s12 =	smov.u32 s0  }
0x4a: {  	p1 =	sne.s32 s0, $0x13000;
	s0 =	sadd.s32 $0x800, s0;
	_ =	swait.ge [sflag:s22], $0x1F40  }
0x4b: {  	s12 =	sshra.s32 s12, $0x2;
	[sflag:s22] =	ssyncset.done $0x0  }
0x4c: {  	s16 =	sadd.s32 $0x5000, s12;
	[sflag:s22] =	ssyncadd.s32 $0xFFFFE0C0  }
0x4d: {  	[spmem:s2] =	stream.indirect.scatter.add.f32 [tilespmem:s15], [sflag:$0x5], $0x40, s16, s14, $0xb8;
	[tilespmem:$0x1B940] =	vst v63  }
0x4e: {  	_ =	swait.ge [sflag:s23], $0x1F40  }
0x4f: {  	[sflag:s23] =	ssyncset.done $0x0  }
0x50: {  	s16 =	sadd.s32 $0x5080, s12;
	[sflag:s23] =	ssyncadd.s32 $0xFFFFE0C0  }
0x51: {  	[spmem:s2] =	stream.indirect.scatter.add.f32 [tilespmem:s17], [sflag:$0x6], $0x40, s16, s14, $0xb8;
	[tilespmem:$0x1B940] =	vst v63  }
0x52: {  	_ =	swait.ge [sflag:s26], $0x1F40  }
0x53: {  	[sflag:s26] =	ssyncset.done $0x0  }
0x54: {  	s16 =	sadd.s32 $0x5100, s12;
	[sflag:s26] =	ssyncadd.s32 $0xFFFFE0C0  }
0x55: {  	[spmem:s2] =	stream.indirect.scatter.add.f32 [tilespmem:s19], [sflag:$0x7], $0x40, s16, s14, $0xb8;
	[tilespmem:$0x1B940] =	vst v63  }
0x56: {  	_ =	swait.ge [sflag:s28], $0x1F40  }
0x57: {  	[sflag:s28] =	ssyncset.done $0x0  }
0x58: {  	s16 =	sadd.s32 $0x5180, s12;
	[sflag:s28] =	ssyncadd.s32 $0xFFFFE0C0  }
0x59: {  	[spmem:s2] =	stream.indirect.scatter.add.f32 [tilespmem:s21], [sflag:$0x8], $0x40, s16, s14, $0xb8;
	[tilespmem:$0x1B940] =	vst v63  }
0x5a: {  	_ =	swait.ge [sflag:s29], $0x1F40  }
0x5b: {  	[sflag:s29] =	ssyncset.done $0x0  }
0x5c: {  	s16 =	sadd.s32 $0x200, s12;
	[sflag:s29] =	ssyncadd.s32 $0xFFFFE0C0  }
0x5d: {  	[tilespmem:s15], [sflag:$0x1] =	stream.indirect.gather [hbm4b:s4+s14], $0x40, s16, s14, $0xb8;
	[tilespmem:$0x1B940] =	vst v63  }
0x5e: {  	_ =	swait.ge [sflag:s30], $0x1F40  }
0x5f: {  	[sflag:s30] =	ssyncset.done $0x0  }
0x60: {  	s16 =	sadd.s32 $0x280, s12;
	[sflag:s30] =	ssyncadd.s32 $0xFFFFE0C0  }
0x61: {  	[tilespmem:s17], [sflag:$0x2] =	stream.indirect.gather [hbm4b:s4+s14], $0x40, s16, s14, $0xb8;
	[tilespmem:$0x1B940] =	vst v63  }
0x62: {  	_ =	swait.ge [sflag:s31], $0x1F40  }
0x63: {  	[sflag:s31] =	ssyncset.done $0x0  }
.Ltmp0:
0x64: {  	s16 =	sadd.s32 $0x300, s12;
	[sflag:s31] =	ssyncadd.s32 $0xFFFFE0C0;
	(pc) =	sbr.rel @p1 .LBB2_2-.Ltmp0, $4  }
0x65: {  	[tilespmem:s19], [sflag:$0x3] =	stream.indirect.gather [hbm4b:s4+s14], $0x40, s16, s14, $0xb8;
	[tilespmem:$0x1B940] =	vst v63  }
0x66: {  	_ =	swait.ge [sflag:s1], $0x1F40  }
0x67: {  	[sflag:s1] =	ssyncset.done $0x0  }
0x68: {  	s12 =	sadd.s32 $0x380, s12;
	[sflag:s1] =	ssyncadd.s32 $0xFFFFE0C0  }
0x69: {  	[tilespmem:s21], [sflag:$0x4] =	stream.indirect.gather [hbm4b:s4+s14], $0x40, s12, s14, $0xb8;
	[tilespmem:$0x1B940] =	vst v63  }
0x6a: {  	_ =	swait.ge [sflag:s22], $0x1F40  }
0x6b: {  	[sflag:s22] =	ssyncset.done $0x0  }
0x6c: {  	s0 =	simm.s32 $0x9E00;
	[sflag:s22] =	ssyncadd.s32 $0xFFFFE0C0  }
0x6d: {  	[spmem:s2] =	stream.indirect.scatter.add.f32 [tilespmem:s15], [sflag:$0x5], $0x40, s0, s14, $0xb8;
	[tilespmem:$0x1B940] =	vst v63  }
0x6e: {  	_ =	swait.ge [sflag:s23], $0x1F40  }
0x6f: {  	[sflag:s23] =	ssyncset.done $0x0  }
0x70: {  	s16 =	simm.s32 $0x9E80;
	[sflag:s23] =	ssyncadd.s32 $0xFFFFE0C0  }
0x71: {  	[spmem:s2] =	stream.indirect.scatter.add.f32 [tilespmem:s17], [sflag:$0x6], $0x40, s16, s14, $0xb8;
	[tilespmem:$0x1B940] =	vst v63  }
0x72: {  	_ =	swait.ge [sflag:s26], $0x1F40  }
0x73: {  	[sflag:s26] =	ssyncset.done $0x0  }
0x74: {  	s12 =	simm.s32 $0x9F00;
	[sflag:s26] =	ssyncadd.s32 $0xFFFFE0C0  }
0x75: {  	[spmem:s2] =	stream.indirect.scatter.add.f32 [tilespmem:s19], [sflag:$0x7], $0x40, s12, s14, $0xb8;
	[tilespmem:$0x1B940] =	vst v63  }
0x76: {  	_ =	swait.ge [sflag:s28], $0x1F40  }
0x77: {  	[sflag:s28] =	ssyncset.done $0x0  }
0x78: {  	[sflag:s28] =	ssyncadd.s32 $0xFFFFE0C0  }
0x79: {  	[spmem:s2] =	stream.indirect.scatter.add.f32 [tilespmem:s21], [sflag:$0x8], $0x40, s18, s14, $0xb8;
	[tilespmem:$0x1B940] =	vst v63  }
0x7a: {  	_ =	swait.ge [sflag:s29], $0x1F40  }
0x7b: {  	[sflag:s29] =	ssyncset.done $0x0  }
0x7c: {  	[sflag:s29] =	ssyncadd.s32 $0xFFFFE0C0  }
0x7d: {  	_ =	swait.ge [sflag:s30], $0x1F40  }
0x7e: {  	[sflag:s30] =	ssyncset.done $0x0  }
0x7f: {  	[sflag:s30] =	ssyncadd.s32 $0xFFFFE0C0  }
0x80: {  	_ =	swait.ge [sflag:s31], $0x1F40  }
0x81: {  	[sflag:s31] =	ssyncset.done $0x0  }
0x82: {  	[sflag:s31] =	ssyncadd.s32 $0xFFFFE0C0  }
0x83: {  	_ =	swait.ge [sflag:s1], $0x1F40  }
0x84: {  	s16 =	stileid.u32;
	[sflag:s1] =	ssyncset.done $0x0  }
0x85: {  	s0 =	sshll.u32 s16, $0x6;
	[sflag:s1] =	ssyncadd.s32 $0xFFFFE0C0  }
0x86: {  	s0 =	sor.u32 $0x1C09, s0;
	[bflag:$0x0] =	sbarrier.arrive $0xFFFF  }
0x87: {  	[hbm:s8], [sflag:s0] =	dma.local [spmem:s24], $0x1380  }
0x88: {  	_ =	swait.ge [sflag:s11], $0x1380  }
0x89: {  	s20 =	sadd.s32 $0x1, s20;
	[sflag:s11] =	ssyncset.done $0x0  }
0x8a: {  	p1 =	sne.s32 s20, s10;
	[sflag:s11] =	ssyncadd.s32 $0xFFFFEC80  }
0x8b: {  	[hbm:s9], [sflag:s0] =	dma.local @!p0 [spmem:s25], $0x80  }
.Ltmp1:
0x8c: {  	_ = 	snop;
	(pc) =	sbr.rel @p1 .LBB2_1-.Ltmp1, $4  }
0x8d: {  	s0 =	simm.s32 @!p0 $0x9  }
0x8e: {  	_ =	swait.ge @!p0 [sflag:s0], $0x80  }
0x8f: {  	[sflag:s0] =	ssyncset.done @!p0 $0x0  }
0x90: {  	[sflag:s0] =	ssyncadd.s32 @!p0 $0xFFFFFF80  }
0x91: {  	_ =	sfence.sel $0x180000  }
0x92: {  	[bflag:$0x0] =	sbarrier.arrive $0xFFFF  }
0x93: {  	_ =	strace $0x90000050  }
0x94: {  	[bflag:$0x2] =	sbarrier.arrive $0xFFFF  }
0x95: {  	s0 =	rddreg [dreg:$0x2]  }
0x96: {  	s0 =	sadd.s32 @!p0 $0x100000, s0  }
0x97: {  	[sflag:s0] =	ssyncadd.tile.s32 @!p0 $0x1;
	_ =	shalt  }
.Lfunc_end2:
_tile_overlayer_lowered:
.L_overlay_start_2:
0x98: {  	(tag) =	ssettag $0x2  }
0x99: {  	s0 =	rddreg [dreg:$0x0];
	s2 =	stileid.u32  }
0x9a: {  	s1 =	rddreg [dreg:$0x1];
	p0 =	sne.s32 s2, $0x0  }
0x9b: {  	s3 =	rddreg [dreg:$0x2];
	[bflag:$0x3] =	sbarrier.arrive $0xFFFF;
	s2 =	simm.s32 @!p0 $0x1C09  }
0x9c: {  	[timem:s3], [sflag:s2] =	dma.local @!p0 [hbm:s0], s1  }
0x9d: {  	s0 =	simm.s32 @!p0 $0x9  }
0x9e: {  	_ =	swait.ge @!p0 [sflag:s0], s1  }
0x9f: {  	s1 =	ssub.s32 @!p0 $0x0, s1;
	[sflag:s0] =	ssyncset.done @!p0 $0x0  }
0xa0: {  	[sflag:s0] =	ssyncadd.s32 @!p0 s1  }
0xa1: {  	[bflag:$0x3] =	sbarrier.arrive $0xFFFF  }
0xa2: {  	_ =	shalt  }

</sc_bundles>
